<compile_context>
chip_gen: v7x
topology: tpu7x:2x2x1
jax: 0.10.2.dev20260603
libtpu: 0.0.44.dev20260713+nightly
codegen_flags: <defaults>
</compile_context>

<pallas_src>
import functools

import jax
import jax.numpy as jnp
from jax import lax
from jax.experimental import pallas as pl
from jax.experimental.pallas import tpu as pltpu
from jax.experimental.pallas import tpu_sc as plsc

_CENTROIDS = (
    (36.68147669256268, -82.8910274009993),
    (23.22243322909555, 78.23027450833709),
    (50.04997682638993, 0.22379313938744885),
    (37.9309447099281, -117.00741350764692),
    (-32.795864819917725, 148.7159172660312),
    (-18.570548393114084, -54.280255665692565),
    (13.921140442819565, 116.38740315555172),
    (29.78951080730802, 40.279515865947936),
)
_AGE_BOUNDS = (18.0, 25.0, 30.0, 35.0, 40.0, 45.0, 50.0, 55.0, 60.0, 65.0)

_NC = 2
_NS = 16
_NW = _NC * _NS
_LANES = 16
_D = 32

_BASE_G, _BASE_L, _BASE_C, _BASE_N, _BASE_A, _BASE_LL = 0, 24, 240, 656, 704, 728
_FT_LEN = 752


def _sc_tower(g, l, c, n, a, lat_col, lon_col, gt, lt, ct, nt, at_, llt):
  B = g.shape[0]
  bpw = B // _NW
  groups = bpw // _LANES

  mesh = plsc.VectorSubcoreMesh(
      core_axis_name="c", subcore_axis_name="s",
      num_cores=_NC, num_subcores=_NS)

  @functools.partial(
      pl.kernel,
      mesh=mesh,
      compiler_params=pltpu.CompilerParams(needs_layout_passes=False),
      out_type=jax.ShapeDtypeStruct((B, _D), jnp.float32),
      scratch_types=[
          pltpu.VMEM((bpw,), jnp.int32),
          pltpu.VMEM((bpw,), jnp.int32),
          pltpu.VMEM((bpw,), jnp.int32),
          pltpu.VMEM((bpw,), jnp.int32),
          pltpu.VMEM((bpw,), jnp.int32),
          pltpu.VMEM((bpw,), jnp.float32),
          pltpu.VMEM((bpw,), jnp.float32),
          pltpu.VMEM((_FT_LEN,), jnp.float32),
          pltpu.VMEM((bpw * 33,), jnp.float32),
          pltpu.VMEM((bpw, _D), jnp.float32),
          pltpu.SemaphoreType.DMA,
      ],
  )
  def tower(g_h, l_h, c_h, n_h, a_h, lat_h, lon_h, gt_h, lt_h, ct_h, nt_h,
            at_h, llt_h, out_h, g_v, l_v, c_v, n_v, a_v, lat_v, lon_v,
            ft_v, s33_v, stg_v, sem):
    wid = lax.axis_index("s") * _NC + lax.axis_index("c")
    ub = wid * bpw

    copies = [
        pltpu.async_copy(g_h.at[pl.ds(ub, bpw)], g_v, sem),
        pltpu.async_copy(l_h.at[pl.ds(ub, bpw)], l_v, sem),
        pltpu.async_copy(c_h.at[pl.ds(ub, bpw)], c_v, sem),
        pltpu.async_copy(n_h.at[pl.ds(ub, bpw)], n_v, sem),
        pltpu.async_copy(a_h.at[pl.ds(ub, bpw)], a_v, sem),
        pltpu.async_copy(lat_h.at[pl.ds(ub, bpw)], lat_v, sem),
        pltpu.async_copy(lon_h.at[pl.ds(ub, bpw)], lon_v, sem),
        pltpu.async_copy(gt_h, ft_v.at[pl.ds(_BASE_G, 20)], sem),
        pltpu.async_copy(lt_h, ft_v.at[pl.ds(_BASE_L, 210)], sem),
        pltpu.async_copy(ct_h, ft_v.at[pl.ds(_BASE_C, 410)], sem),
        pltpu.async_copy(nt_h, ft_v.at[pl.ds(_BASE_N, 44)], sem),
        pltpu.async_copy(at_h, ft_v.at[pl.ds(_BASE_A, 22)], sem),
        pltpu.async_copy(llt_h, ft_v.at[pl.ds(_BASE_LL, 20)], sem),
    ]
    for cp in copies:
      cp.wait()

    lanes = lax.broadcasted_iota(jnp.int32, (_LANES,), 0)

    @plsc.parallel_loop(0, groups, step=1, unroll=2)
    def group(i):
      u0 = i * _LANES
      uvec = u0 + lanes
      gi = g_v[pl.ds(u0, _LANES)]
      li = l_v[pl.ds(u0, _LANES)]
      ci = c_v[pl.ds(u0, _LANES)]
      ni = n_v[pl.ds(u0, _LANES)]
      ai = a_v[pl.ds(u0, _LANES)]
      lat = lat_v[pl.ds(u0, _LANES)]
      lon = lon_v[pl.ds(u0, _LANES)]

      af = ai.astype(jnp.float32)
      aidx = jnp.zeros((_LANES,), jnp.int32)
      for b in _AGE_BOUNDS:
        aidx = aidx + (af >= b).astype(jnp.int32)

      dlat = lat - _CENTROIDS[0][0]
      dlon = lon - _CENTROIDS[0][1]
      best_d = dlat * dlat + dlon * dlon
      best_k = jnp.zeros((_LANES,), jnp.int32)
      for k in range(1, 8):
        dlat = lat - _CENTROIDS[k][0]
        dlon = lon - _CENTROIDS[k][1]
        d = dlat * dlat + dlon * dlon
        m = d < best_d
        best_k = jnp.where(m, k, best_k)
        best_d = jnp.where(m, d, best_d)

      row_offs = (
          (gi * 4 + _BASE_G, 4),
          (li * 10 + _BASE_L, 10),
          (ci * 10 + _BASE_C, 10),
          (ni * 4 + _BASE_N, 4),
          (aidx * 2 + _BASE_A, 2),
          ((best_k + 2) * 2 + _BASE_LL, 2),
      )
      rb33 = uvec * 33
      col = 0
      for base, width in row_offs:
        for j in range(width):
          val = plsc.load_gather(ft_v, [base + j])
          plsc.store_scatter(s33_v, [rb33 + col], val)
          col += 1

    @plsc.parallel_loop(0, bpw, step=1, unroll=4)
    def compact(u):
      stg_v[u, pl.ds(0, _LANES)] = s33_v[pl.ds(u * 33, _LANES)]
      stg_v[u, pl.ds(_LANES, _LANES)] = s33_v[pl.ds(u * 33 + _LANES, _LANES)]

    pltpu.sync_copy(stg_v, out_h.at[pl.ds(ub, bpw)])

  return tower(g, l, c, n, a, lat_col, lon_col, gt, lt, ct, nt, at_, llt)


def kernel(viewer_gender, viewer_lang, viewer_country, viewer_network,
           viewer_age, viewer_lat_long, gender_table, lang_table,
           country_table, network_table, age_table, latlong_table):
  return _sc_tower(
      viewer_gender, viewer_lang, viewer_country, viewer_network,
      viewer_age, viewer_lat_long[:, 0], viewer_lat_long[:, 1],
      gender_table.reshape(-1), lang_table.reshape(-1),
      country_table.reshape(-1), network_table.reshape(-1),
      age_table.reshape(-1), latlong_table.reshape(-1))

# --- scband reference (transcript-rebuilt; emitter-appended) ---
"""Pipeline reference for scband-user-model-9251359555936 (READ-ONLY COPY).

The authoritative reference and input builder live on the scoring server;
editing this copy changes nothing except your own understanding.
"""

import jax, jax.numpy as jnp
import numpy as np

CENTROIDS = jnp.array([[36.68147669256268, -82.8910274009993], [23.22243322909555, 78.23027450833709], [50.04997682638993, 0.22379313938744885], [37.9309447099281, -117.00741350764692], [-32.795864819917725, 148.7159172660312], [-18.570548393114084, -54.280255665692565], [13.921140442819565, 116.38740315555172], [29.78951080730802, 40.279515865947936]], dtype=jnp.float32)
AGE_BOUNDS = jnp.array([18.0, 25.0, 30.0, 35.0, 40.0, 45.0, 50.0, 55.0, 60.0, 65.0], dtype=jnp.float32)

B = 16384

def setup_inputs(seed: int = 0):
    key = jax.random.key(seed)
    ks = jax.random.split(key, 12)
    return {
        'viewer_gender': jax.random.randint(ks[0], (B,), 0, 5, dtype=jnp.int64 if jax.config.jax_enable_x64 else jnp.int32),
        'viewer_lang': jax.random.randint(ks[1], (B,), 0, 21),
        'viewer_country': jax.random.randint(ks[2], (B,), 0, 41),
        'viewer_network': jax.random.randint(ks[3], (B,), 0, 11),
        'viewer_age': jax.random.randint(ks[4], (B,), 0, 80),
        'viewer_lat_long': jax.random.normal(ks[5], (B, 2), dtype=jnp.float32) * jnp.array([30.0, 90.0], dtype=jnp.float32),
        'gender_table': jax.random.normal(ks[6], (5, 4), dtype=jnp.float32) * 0.05,
        'lang_table': jax.random.normal(ks[7], (21, 10), dtype=jnp.float32) * 0.05,
        'country_table': jax.random.normal(ks[8], (41, 10), dtype=jnp.float32) * 0.05,
        'network_table': jax.random.normal(ks[9], (11, 4), dtype=jnp.float32) * 0.05,
        'age_table': jax.random.normal(ks[10], (11, 2), dtype=jnp.float32) * 0.05,
        'latlong_table': jax.random.normal(ks[11], (10, 2), dtype=jnp.float32) * 0.05,
    }

def reference(viewer_gender, viewer_lang, viewer_country, viewer_network, viewer_age, viewer_lat_long, gender_table, lang_table, country_table, network_table, age_table, latlong_table):
    g = jnp.take(gender_table, viewer_gender, axis=0)
    l = jnp.take(lang_table, viewer_lang, axis=0)
    c = jnp.take(country_table, viewer_country, axis=0)
    n = jnp.take(network_table, viewer_network, axis=0)
    # Discretization: bucket index = number of boundaries <= value (last boundary inf never reached)
    age_idx = jnp.searchsorted(AGE_BOUNDS, viewer_age.astype(jnp.float32), side='right')
    a = jnp.take(age_table, age_idx, axis=0)
    # classify: nearest centroid by squared euclidean distance; TextVectorization maps vocab '0'..'7' -> indices 2..9
    diffs = viewer_lat_long[None, :, :] - CENTROIDS[:, None, :]
    dists = jnp.sum(diffs * diffs, axis=2)  # [8, B]
    cluster = jnp.argmin(dists, axis=0) + 2
    ll = jnp.take(latlong_table, cluster, axis=0)
    return jnp.concatenate([g, l, c, n, a, ll], axis=1)

if __name__ == "__main__":
    import jax
    _d = setup_inputs()
    print(jax.jit(kernel)(*tuple(_d.values())))

</pallas_src>

<mosaic_0001>
#map = affine_map<(d0, d1) -> (0)>
#map1 = affine_map<(d0, d1) -> (0, 0)>
module attributes {stable_mosaic.version = 14 : i64} {
  func.func @tower(%arg0: i32, %arg1: i32, %arg2: memref<16384xi32, #tpu.memory_space<hbm>>, %arg3: memref<16384xi32, #tpu.memory_space<hbm>>, %arg4: memref<16384xi32, #tpu.memory_space<hbm>>, %arg5: memref<16384xi32, #tpu.memory_space<hbm>>, %arg6: memref<16384xi32, #tpu.memory_space<hbm>>, %arg7: memref<16384xf32, #tpu.memory_space<hbm>>, %arg8: memref<16384xf32, #tpu.memory_space<hbm>>, %arg9: memref<20xf32, #tpu.memory_space<hbm>>, %arg10: memref<210xf32, #tpu.memory_space<hbm>>, %arg11: memref<410xf32, #tpu.memory_space<hbm>>, %arg12: memref<44xf32, #tpu.memory_space<hbm>>, %arg13: memref<22xf32, #tpu.memory_space<hbm>>, %arg14: memref<20xf32, #tpu.memory_space<hbm>>, %arg15: memref<16384x32xf32, #tpu.memory_space<hbm>>, %arg16: memref<512xi32, #tpu.memory_space<vmem>>, %arg17: memref<512xi32, #tpu.memory_space<vmem>>, %arg18: memref<512xi32, #tpu.memory_space<vmem>>, %arg19: memref<512xi32, #tpu.memory_space<vmem>>, %arg20: memref<512xi32, #tpu.memory_space<vmem>>, %arg21: memref<512xf32, #tpu.memory_space<vmem>>, %arg22: memref<512xf32, #tpu.memory_space<vmem>>, %arg23: memref<752xf32, #tpu.memory_space<vmem>>, %arg24: memref<16896xf32, #tpu.memory_space<vmem>>, %arg25: memref<512x32xf32, #tpu.memory_space<vmem>>, %arg26: memref<!tpu.dma_semaphore, #tpu.memory_space<semaphore_mem>>) attributes {dimension_semantics = [#tpu.dimension_semantics<core_parallel>, #tpu.dimension_semantics<subcore_parallel>], iteration_bounds = array<i64: 2, 16>, scalar_prefetch = 0 : i64, scratch_operands = 11 : i64, tpu.core_type = #tpu.core_type<sc_vector_subcore>, window_params = [{transform_indices = #map}, {transform_indices = #map}, {transform_indices = #map}, {transform_indices = #map}, {transform_indices = #map}, {transform_indices = #map}, {transform_indices = #map}, {transform_indices = #map}, {transform_indices = #map}, {transform_indices = #map}, {transform_indices = #map}, {transform_indices = #map}, {transform_indices = #map}, {transform_indices = #map1}]} {
    %mul3A = arith.constant 2 : i32
    %mul3A_0 = arith.muli %arg1, %mul3A : i32
    %add3A = arith.addi %mul3A_0, %arg0 : i32
    %mul3A_1 = arith.constant 512 : i32
    %mul3A_2 = arith.muli %add3A, %mul3A_1 : i32
    %dma_start3A = tpu.memref_slice %arg2[%mul3A_2] : memref<16384xi32, #tpu.memory_space<hbm>> -> memref<512xi32, #tpu.memory_space<hbm>>
    %dma_start3A_3 = tpu.memref_slice %arg2[%mul3A_2] : memref<16384xi32, #tpu.memory_space<hbm>> -> memref<512xi32, #tpu.memory_space<hbm>>
    tpu.enqueue_dma source(%dma_start3A_3 : memref<512xi32, #tpu.memory_space<hbm>>) target(%arg16 : memref<512xi32, #tpu.memory_space<vmem>>) target_semaphore(%arg26 : memref<!tpu.dma_semaphore, #tpu.memory_space<semaphore_mem>>)
    %dma_start3A_4 = tpu.memref_slice %arg3[%mul3A_2] : memref<16384xi32, #tpu.memory_space<hbm>> -> memref<512xi32, #tpu.memory_space<hbm>>
    %dma_start3A_5 = tpu.memref_slice %arg3[%mul3A_2] : memref<16384xi32, #tpu.memory_space<hbm>> -> memref<512xi32, #tpu.memory_space<hbm>>
    tpu.enqueue_dma source(%dma_start3A_5 : memref<512xi32, #tpu.memory_space<hbm>>) target(%arg17 : memref<512xi32, #tpu.memory_space<vmem>>) target_semaphore(%arg26 : memref<!tpu.dma_semaphore, #tpu.memory_space<semaphore_mem>>)
    %dma_start3A_6 = tpu.memref_slice %arg4[%mul3A_2] : memref<16384xi32, #tpu.memory_space<hbm>> -> memref<512xi32, #tpu.memory_space<hbm>>
    %dma_start3A_7 = tpu.memref_slice %arg4[%mul3A_2] : memref<16384xi32, #tpu.memory_space<hbm>> -> memref<512xi32, #tpu.memory_space<hbm>>
    tpu.enqueue_dma source(%dma_start3A_7 : memref<512xi32, #tpu.memory_space<hbm>>) target(%arg18 : memref<512xi32, #tpu.memory_space<vmem>>) target_semaphore(%arg26 : memref<!tpu.dma_semaphore, #tpu.memory_space<semaphore_mem>>)
    %dma_start3A_8 = tpu.memref_slice %arg5[%mul3A_2] : memref<16384xi32, #tpu.memory_space<hbm>> -> memref<512xi32, #tpu.memory_space<hbm>>
    %dma_start3A_9 = tpu.memref_slice %arg5[%mul3A_2] : memref<16384xi32, #tpu.memory_space<hbm>> -> memref<512xi32, #tpu.memory_space<hbm>>
    tpu.enqueue_dma source(%dma_start3A_9 : memref<512xi32, #tpu.memory_space<hbm>>) target(%arg19 : memref<512xi32, #tpu.memory_space<vmem>>) target_semaphore(%arg26 : memref<!tpu.dma_semaphore, #tpu.memory_space<semaphore_mem>>)
    %dma_start3A_10 = tpu.memref_slice %arg6[%mul3A_2] : memref<16384xi32, #tpu.memory_space<hbm>> -> memref<512xi32, #tpu.memory_space<hbm>>
    %dma_start3A_11 = tpu.memref_slice %arg6[%mul3A_2] : memref<16384xi32, #tpu.memory_space<hbm>> -> memref<512xi32, #tpu.memory_space<hbm>>
    tpu.enqueue_dma source(%dma_start3A_11 : memref<512xi32, #tpu.memory_space<hbm>>) target(%arg20 : memref<512xi32, #tpu.memory_space<vmem>>) target_semaphore(%arg26 : memref<!tpu.dma_semaphore, #tpu.memory_space<semaphore_mem>>)
    %dma_start3A_12 = tpu.memref_slice %arg7[%mul3A_2] : memref<16384xf32, #tpu.memory_space<hbm>> -> memref<512xf32, #tpu.memory_space<hbm>>
    %dma_start3A_13 = tpu.memref_slice %arg7[%mul3A_2] : memref<16384xf32, #tpu.memory_space<hbm>> -> memref<512xf32, #tpu.memory_space<hbm>>
    tpu.enqueue_dma source(%dma_start3A_13 : memref<512xf32, #tpu.memory_space<hbm>>) target(%arg21 : memref<512xf32, #tpu.memory_space<vmem>>) target_semaphore(%arg26 : memref<!tpu.dma_semaphore, #tpu.memory_space<semaphore_mem>>)
    %dma_start3A_14 = tpu.memref_slice %arg8[%mul3A_2] : memref<16384xf32, #tpu.memory_space<hbm>> -> memref<512xf32, #tpu.memory_space<hbm>>
    %dma_start3A_15 = tpu.memref_slice %arg8[%mul3A_2] : memref<16384xf32, #tpu.memory_space<hbm>> -> memref<512xf32, #tpu.memory_space<hbm>>
    tpu.enqueue_dma source(%dma_start3A_15 : memref<512xf32, #tpu.memory_space<hbm>>) target(%arg22 : memref<512xf32, #tpu.memory_space<vmem>>) target_semaphore(%arg26 : memref<!tpu.dma_semaphore, #tpu.memory_space<semaphore_mem>>)
    %dma_start3A_16 = arith.constant 0 : i32
    %dma_start3A_17 = tpu.memref_slice %arg23[%dma_start3A_16] : memref<752xf32, #tpu.memory_space<vmem>> -> memref<20xf32, #tpu.memory_space<vmem>>
    %dma_start3A_18 = arith.constant 0 : i32
    %dma_start3A_19 = tpu.memref_slice %arg23[%dma_start3A_18] : memref<752xf32, #tpu.memory_space<vmem>> -> memref<20xf32, #tpu.memory_space<vmem>>
    tpu.enqueue_dma source(%arg9 : memref<20xf32, #tpu.memory_space<hbm>>) target(%dma_start3A_19 : memref<20xf32, #tpu.memory_space<vmem>>) target_semaphore(%arg26 : memref<!tpu.dma_semaphore, #tpu.memory_space<semaphore_mem>>)
    %dma_start3A_20 = arith.constant 24 : i32
    %dma_start3A_21 = tpu.memref_slice %arg23[%dma_start3A_20] : memref<752xf32, #tpu.memory_space<vmem>> -> memref<210xf32, #tpu.memory_space<vmem>>
    %dma_start3A_22 = arith.constant 24 : i32
    %dma_start3A_23 = tpu.memref_slice %arg23[%dma_start3A_22] : memref<752xf32, #tpu.memory_space<vmem>> -> memref<210xf32, #tpu.memory_space<vmem>>
    tpu.enqueue_dma source(%arg10 : memref<210xf32, #tpu.memory_space<hbm>>) target(%dma_start3A_23 : memref<210xf32, #tpu.memory_space<vmem>>) target_semaphore(%arg26 : memref<!tpu.dma_semaphore, #tpu.memory_space<semaphore_mem>>)
    %dma_start3A_24 = arith.constant 240 : i32
    %dma_start3A_25 = tpu.memref_slice %arg23[%dma_start3A_24] : memref<752xf32, #tpu.memory_space<vmem>> -> memref<410xf32, #tpu.memory_space<vmem>>
    %dma_start3A_26 = arith.constant 240 : i32
    %dma_start3A_27 = tpu.memref_slice %arg23[%dma_start3A_26] : memref<752xf32, #tpu.memory_space<vmem>> -> memref<410xf32, #tpu.memory_space<vmem>>
    tpu.enqueue_dma source(%arg11 : memref<410xf32, #tpu.memory_space<hbm>>) target(%dma_start3A_27 : memref<410xf32, #tpu.memory_space<vmem>>) target_semaphore(%arg26 : memref<!tpu.dma_semaphore, #tpu.memory_space<semaphore_mem>>)
    %dma_start3A_28 = arith.constant 656 : i32
    %dma_start3A_29 = tpu.memref_slice %arg23[%dma_start3A_28] : memref<752xf32, #tpu.memory_space<vmem>> -> memref<44xf32, #tpu.memory_space<vmem>>
    %dma_start3A_30 = arith.constant 656 : i32
    %dma_start3A_31 = tpu.memref_slice %arg23[%dma_start3A_30] : memref<752xf32, #tpu.memory_space<vmem>> -> memref<44xf32, #tpu.memory_space<vmem>>
    tpu.enqueue_dma source(%arg12 : memref<44xf32, #tpu.memory_space<hbm>>) target(%dma_start3A_31 : memref<44xf32, #tpu.memory_space<vmem>>) target_semaphore(%arg26 : memref<!tpu.dma_semaphore, #tpu.memory_space<semaphore_mem>>)
    %dma_start3A_32 = arith.constant 704 : i32
    %dma_start3A_33 = tpu.memref_slice %arg23[%dma_start3A_32] : memref<752xf32, #tpu.memory_space<vmem>> -> memref<22xf32, #tpu.memory_space<vmem>>
    %dma_start3A_34 = arith.constant 704 : i32
    %dma_start3A_35 = tpu.memref_slice %arg23[%dma_start3A_34] : memref<752xf32, #tpu.memory_space<vmem>> -> memref<22xf32, #tpu.memory_space<vmem>>
    tpu.enqueue_dma source(%arg13 : memref<22xf32, #tpu.memory_space<hbm>>) target(%dma_start3A_35 : memref<22xf32, #tpu.memory_space<vmem>>) target_semaphore(%arg26 : memref<!tpu.dma_semaphore, #tpu.memory_space<semaphore_mem>>)
    %dma_start3A_36 = arith.constant 728 : i32
    %dma_start3A_37 = tpu.memref_slice %arg23[%dma_start3A_36] : memref<752xf32, #tpu.memory_space<vmem>> -> memref<20xf32, #tpu.memory_space<vmem>>
    %dma_start3A_38 = arith.constant 728 : i32
    %dma_start3A_39 = tpu.memref_slice %arg23[%dma_start3A_38] : memref<752xf32, #tpu.memory_space<vmem>> -> memref<20xf32, #tpu.memory_space<vmem>>
    tpu.enqueue_dma source(%arg14 : memref<20xf32, #tpu.memory_space<hbm>>) target(%dma_start3A_39 : memref<20xf32, #tpu.memory_space<vmem>>) target_semaphore(%arg26 : memref<!tpu.dma_semaphore, #tpu.memory_space<semaphore_mem>>)
    %dma_wait3A = tpu.memref_slice %arg2[%mul3A_2] : memref<16384xi32, #tpu.memory_space<hbm>> -> memref<512xi32, #tpu.memory_space<hbm>>
    %dma_wait3A_40 = tpu.memref_slice %arg2[%mul3A_2] : memref<16384xi32, #tpu.memory_space<hbm>> -> memref<512xi32, #tpu.memory_space<hbm>>
    tpu.wait_dma2 semaphore(%arg26 : memref<!tpu.dma_semaphore, #tpu.memory_space<semaphore_mem>>) src(%dma_wait3A_40 : memref<512xi32, #tpu.memory_space<hbm>>) dst(%arg16 : memref<512xi32, #tpu.memory_space<vmem>>)
    %dma_wait3A_41 = tpu.memref_slice %arg3[%mul3A_2] : memref<16384xi32, #tpu.memory_space<hbm>> -> memref<512xi32, #tpu.memory_space<hbm>>
    %dma_wait3A_42 = tpu.memref_slice %arg3[%mul3A_2] : memref<16384xi32, #tpu.memory_space<hbm>> -> memref<512xi32, #tpu.memory_space<hbm>>
    tpu.wait_dma2 semaphore(%arg26 : memref<!tpu.dma_semaphore, #tpu.memory_space<semaphore_mem>>) src(%dma_wait3A_42 : memref<512xi32, #tpu.memory_space<hbm>>) dst(%arg17 : memref<512xi32, #tpu.memory_space<vmem>>)
    %dma_wait3A_43 = tpu.memref_slice %arg4[%mul3A_2] : memref<16384xi32, #tpu.memory_space<hbm>> -> memref<512xi32, #tpu.memory_space<hbm>>
    %dma_wait3A_44 = tpu.memref_slice %arg4[%mul3A_2] : memref<16384xi32, #tpu.memory_space<hbm>> -> memref<512xi32, #tpu.memory_space<hbm>>
    tpu.wait_dma2 semaphore(%arg26 : memref<!tpu.dma_semaphore, #tpu.memory_space<semaphore_mem>>) src(%dma_wait3A_44 : memref<512xi32, #tpu.memory_space<hbm>>) dst(%arg18 : memref<512xi32, #tpu.memory_space<vmem>>)
    %dma_wait3A_45 = tpu.memref_slice %arg5[%mul3A_2] : memref<16384xi32, #tpu.memory_space<hbm>> -> memref<512xi32, #tpu.memory_space<hbm>>
    %dma_wait3A_46 = tpu.memref_slice %arg5[%mul3A_2] : memref<16384xi32, #tpu.memory_space<hbm>> -> memref<512xi32, #tpu.memory_space<hbm>>
    tpu.wait_dma2 semaphore(%arg26 : memref<!tpu.dma_semaphore, #tpu.memory_space<semaphore_mem>>) src(%dma_wait3A_46 : memref<512xi32, #tpu.memory_space<hbm>>) dst(%arg19 : memref<512xi32, #tpu.memory_space<vmem>>)
    %dma_wait3A_47 = tpu.memref_slice %arg6[%mul3A_2] : memref<16384xi32, #tpu.memory_space<hbm>> -> memref<512xi32, #tpu.memory_space<hbm>>
    %dma_wait3A_48 = tpu.memref_slice %arg6[%mul3A_2] : memref<16384xi32, #tpu.memory_space<hbm>> -> memref<512xi32, #tpu.memory_space<hbm>>
    tpu.wait_dma2 semaphore(%arg26 : memref<!tpu.dma_semaphore, #tpu.memory_space<semaphore_mem>>) src(%dma_wait3A_48 : memref<512xi32, #tpu.memory_space<hbm>>) dst(%arg20 : memref<512xi32, #tpu.memory_space<vmem>>)
    %dma_wait3A_49 = tpu.memref_slice %arg7[%mul3A_2] : memref<16384xf32, #tpu.memory_space<hbm>> -> memref<512xf32, #tpu.memory_space<hbm>>
    %dma_wait3A_50 = tpu.memref_slice %arg7[%mul3A_2] : memref<16384xf32, #tpu.memory_space<hbm>> -> memref<512xf32, #tpu.memory_space<hbm>>
    tpu.wait_dma2 semaphore(%arg26 : memref<!tpu.dma_semaphore, #tpu.memory_space<semaphore_mem>>) src(%dma_wait3A_50 : memref<512xf32, #tpu.memory_space<hbm>>) dst(%arg21 : memref<512xf32, #tpu.memory_space<vmem>>)
    %dma_wait3A_51 = tpu.memref_slice %arg8[%mul3A_2] : memref<16384xf32, #tpu.memory_space<hbm>> -> memref<512xf32, #tpu.memory_space<hbm>>
    %dma_wait3A_52 = tpu.memref_slice %arg8[%mul3A_2] : memref<16384xf32, #tpu.memory_space<hbm>> -> memref<512xf32, #tpu.memory_space<hbm>>
    tpu.wait_dma2 semaphore(%arg26 : memref<!tpu.dma_semaphore, #tpu.memory_space<semaphore_mem>>) src(%dma_wait3A_52 : memref<512xf32, #tpu.memory_space<hbm>>) dst(%arg22 : memref<512xf32, #tpu.memory_space<vmem>>)
    %dma_wait3A_53 = arith.constant 0 : i32
    %dma_wait3A_54 = tpu.memref_slice %arg23[%dma_wait3A_53] : memref<752xf32, #tpu.memory_space<vmem>> -> memref<20xf32, #tpu.memory_space<vmem>>
    %dma_wait3A_55 = arith.constant 0 : i32
    %dma_wait3A_56 = tpu.memref_slice %arg23[%dma_wait3A_55] : memref<752xf32, #tpu.memory_space<vmem>> -> memref<20xf32, #tpu.memory_space<vmem>>
    tpu.wait_dma2 semaphore(%arg26 : memref<!tpu.dma_semaphore, #tpu.memory_space<semaphore_mem>>) src(%arg9 : memref<20xf32, #tpu.memory_space<hbm>>) dst(%dma_wait3A_56 : memref<20xf32, #tpu.memory_space<vmem>>)
    %dma_wait3A_57 = arith.constant 24 : i32
    %dma_wait3A_58 = tpu.memref_slice %arg23[%dma_wait3A_57] : memref<752xf32, #tpu.memory_space<vmem>> -> memref<210xf32, #tpu.memory_space<vmem>>
    %dma_wait3A_59 = arith.constant 24 : i32
    %dma_wait3A_60 = tpu.memref_slice %arg23[%dma_wait3A_59] : memref<752xf32, #tpu.memory_space<vmem>> -> memref<210xf32, #tpu.memory_space<vmem>>
    tpu.wait_dma2 semaphore(%arg26 : memref<!tpu.dma_semaphore, #tpu.memory_space<semaphore_mem>>) src(%arg10 : memref<210xf32, #tpu.memory_space<hbm>>) dst(%dma_wait3A_60 : memref<210xf32, #tpu.memory_space<vmem>>)
    %dma_wait3A_61 = arith.constant 240 : i32
    %dma_wait3A_62 = tpu.memref_slice %arg23[%dma_wait3A_61] : memref<752xf32, #tpu.memory_space<vmem>> -> memref<410xf32, #tpu.memory_space<vmem>>
    %dma_wait3A_63 = arith.constant 240 : i32
    %dma_wait3A_64 = tpu.memref_slice %arg23[%dma_wait3A_63] : memref<752xf32, #tpu.memory_space<vmem>> -> memref<410xf32, #tpu.memory_space<vmem>>
    tpu.wait_dma2 semaphore(%arg26 : memref<!tpu.dma_semaphore, #tpu.memory_space<semaphore_mem>>) src(%arg11 : memref<410xf32, #tpu.memory_space<hbm>>) dst(%dma_wait3A_64 : memref<410xf32, #tpu.memory_space<vmem>>)
    %dma_wait3A_65 = arith.constant 656 : i32
    %dma_wait3A_66 = tpu.memref_slice %arg23[%dma_wait3A_65] : memref<752xf32, #tpu.memory_space<vmem>> -> memref<44xf32, #tpu.memory_space<vmem>>
    %dma_wait3A_67 = arith.constant 656 : i32
    %dma_wait3A_68 = tpu.memref_slice %arg23[%dma_wait3A_67] : memref<752xf32, #tpu.memory_space<vmem>> -> memref<44xf32, #tpu.memory_space<vmem>>
    tpu.wait_dma2 semaphore(%arg26 : memref<!tpu.dma_semaphore, #tpu.memory_space<semaphore_mem>>) src(%arg12 : memref<44xf32, #tpu.memory_space<hbm>>) dst(%dma_wait3A_68 : memref<44xf32, #tpu.memory_space<vmem>>)
    %dma_wait3A_69 = arith.constant 704 : i32
    %dma_wait3A_70 = tpu.memref_slice %arg23[%dma_wait3A_69] : memref<752xf32, #tpu.memory_space<vmem>> -> memref<22xf32, #tpu.memory_space<vmem>>
    %dma_wait3A_71 = arith.constant 704 : i32
    %dma_wait3A_72 = tpu.memref_slice %arg23[%dma_wait3A_71] : memref<752xf32, #tpu.memory_space<vmem>> -> memref<22xf32, #tpu.memory_space<vmem>>
    tpu.wait_dma2 semaphore(%arg26 : memref<!tpu.dma_semaphore, #tpu.memory_space<semaphore_mem>>) src(%arg13 : memref<22xf32, #tpu.memory_space<hbm>>) dst(%dma_wait3A_72 : memref<22xf32, #tpu.memory_space<vmem>>)
    %dma_wait3A_73 = arith.constant 728 : i32
    %dma_wait3A_74 = tpu.memref_slice %arg23[%dma_wait3A_73] : memref<752xf32, #tpu.memory_space<vmem>> -> memref<20xf32, #tpu.memory_space<vmem>>
    %dma_wait3A_75 = arith.constant 728 : i32
    %dma_wait3A_76 = tpu.memref_slice %arg23[%dma_wait3A_75] : memref<752xf32, #tpu.memory_space<vmem>> -> memref<20xf32, #tpu.memory_space<vmem>>
    tpu.wait_dma2 semaphore(%arg26 : memref<!tpu.dma_semaphore, #tpu.memory_space<semaphore_mem>>) src(%arg14 : memref<20xf32, #tpu.memory_space<hbm>>) dst(%dma_wait3A_76 : memref<20xf32, #tpu.memory_space<vmem>>)
    %iota3A = tpu.iota {dimensions = array<i32: 0>} : vector<16xi32>
    %parallel_loop3A = arith.constant 0 : i32
    %parallel_loop3A_77 = arith.constant 32 : i32
    %parallel_loop3A_78 = arith.constant 1 : i32
    scf.for %parallel_loop3A_82 = %parallel_loop3A to %parallel_loop3A_77 step %parallel_loop3A_78  : i32 {
      %parallel_loop3A_83 = arith.constant 16 : i32
      %parallel_loop3A_84 = arith.muli %parallel_loop3A_82, %parallel_loop3A_83 : i32
      %parallel_loop3A_85 = vector.broadcast %parallel_loop3A_84 : i32 to vector<16xi32>
      %parallel_loop3A_86 = arith.addi %parallel_loop3A_85, %iota3A : vector<16xi32>
      %parallel_loop3A_87 = arith.index_cast %parallel_loop3A_84 : i32 to index
      %parallel_loop3A_88 = tpu.vector_load %arg16[%parallel_loop3A_87] {strides = array<i32>} : memref<512xi32, #tpu.memory_space<vmem>>, vector<16xi32>,
      %parallel_loop3A_89 = arith.index_cast %parallel_loop3A_84 : i32 to index
      %parallel_loop3A_90 = tpu.vector_load %arg17[%parallel_loop3A_89] {strides = array<i32>} : memref<512xi32, #tpu.memory_space<vmem>>, vector<16xi32>,
      %parallel_loop3A_91 = arith.index_cast %parallel_loop3A_84 : i32 to index
      %parallel_loop3A_92 = tpu.vector_load %arg18[%parallel_loop3A_91] {strides = array<i32>} : memref<512xi32, #tpu.memory_space<vmem>>, vector<16xi32>,
      %parallel_loop3A_93 = arith.index_cast %parallel_loop3A_84 : i32 to index
      %parallel_loop3A_94 = tpu.vector_load %arg19[%parallel_loop3A_93] {strides = array<i32>} : memref<512xi32, #tpu.memory_space<vmem>>, vector<16xi32>,
      %parallel_loop3A_95 = arith.index_cast %parallel_loop3A_84 : i32 to index
      %parallel_loop3A_96 = tpu.vector_load %arg20[%parallel_loop3A_95] {strides = array<i32>} : memref<512xi32, #tpu.memory_space<vmem>>, vector<16xi32>,
      %parallel_loop3A_97 = arith.index_cast %parallel_loop3A_84 : i32 to index
      %parallel_loop3A_98 = tpu.vector_load %arg21[%parallel_loop3A_97] {strides = array<i32>} : memref<512xf32, #tpu.memory_space<vmem>>, vector<16xf32>,
      %parallel_loop3A_99 = arith.index_cast %parallel_loop3A_84 : i32 to index
      %parallel_loop3A_100 = tpu.vector_load %arg22[%parallel_loop3A_99] {strides = array<i32>} : memref<512xf32, #tpu.memory_space<vmem>>, vector<16xf32>,
      %parallel_loop3A_101 = arith.sitofp %parallel_loop3A_96 : vector<16xi32> to vector<16xf32>
      %parallel_loop3A_102 = arith.constant 0 : i32
      %parallel_loop3A_103 = vector.broadcast %parallel_loop3A_102 : i32 to vector<16xi32>
      %parallel_loop3A_104 = arith.constant 1.800000e+01 : f32
      %parallel_loop3A_105 = vector.broadcast %parallel_loop3A_104 : f32 to vector<16xf32>
      %parallel_loop3A_106 = arith.cmpf oge, %parallel_loop3A_101, %parallel_loop3A_105 : vector<16xf32>
      %parallel_loop3A_107 = arith.extui %parallel_loop3A_106 : vector<16xi1> to vector<16xi32>
      %parallel_loop3A_108 = arith.addi %parallel_loop3A_103, %parallel_loop3A_107 : vector<16xi32>
      %parallel_loop3A_109 = arith.constant 2.500000e+01 : f32
      %parallel_loop3A_110 = vector.broadcast %parallel_loop3A_109 : f32 to vector<16xf32>
      %parallel_loop3A_111 = arith.cmpf oge, %parallel_loop3A_101, %parallel_loop3A_110 : vector<16xf32>
      %parallel_loop3A_112 = arith.extui %parallel_loop3A_111 : vector<16xi1> to vector<16xi32>
      %parallel_loop3A_113 = arith.addi %parallel_loop3A_108, %parallel_loop3A_112 : vector<16xi32>
      %parallel_loop3A_114 = arith.constant 3.000000e+01 : f32
      %parallel_loop3A_115 = vector.broadcast %parallel_loop3A_114 : f32 to vector<16xf32>
      %parallel_loop3A_116 = arith.cmpf oge, %parallel_loop3A_101, %parallel_loop3A_115 : vector<16xf32>
      %parallel_loop3A_117 = arith.extui %parallel_loop3A_116 : vector<16xi1> to vector<16xi32>
      %parallel_loop3A_118 = arith.addi %parallel_loop3A_113, %parallel_loop3A_117 : vector<16xi32>
      %parallel_loop3A_119 = arith.constant 3.500000e+01 : f32
      %parallel_loop3A_120 = vector.broadcast %parallel_loop3A_119 : f32 to vector<16xf32>
      %parallel_loop3A_121 = arith.cmpf oge, %parallel_loop3A_101, %parallel_loop3A_120 : vector<16xf32>
      %parallel_loop3A_122 = arith.extui %parallel_loop3A_121 : vector<16xi1> to vector<16xi32>
      %parallel_loop3A_123 = arith.addi %parallel_loop3A_118, %parallel_loop3A_122 : vector<16xi32>
      %parallel_loop3A_124 = arith.constant 4.000000e+01 : f32
      %parallel_loop3A_125 = vector.broadcast %parallel_loop3A_124 : f32 to vector<16xf32>
      %parallel_loop3A_126 = arith.cmpf oge, %parallel_loop3A_101, %parallel_loop3A_125 : vector<16xf32>
      %parallel_loop3A_127 = arith.extui %parallel_loop3A_126 : vector<16xi1> to vector<16xi32>
      %parallel_loop3A_128 = arith.addi %parallel_loop3A_123, %parallel_loop3A_127 : vector<16xi32>
      %parallel_loop3A_129 = arith.constant 4.500000e+01 : f32
      %parallel_loop3A_130 = vector.broadcast %parallel_loop3A_129 : f32 to vector<16xf32>
      %parallel_loop3A_131 = arith.cmpf oge, %parallel_loop3A_101, %parallel_loop3A_130 : vector<16xf32>
      %parallel_loop3A_132 = arith.extui %parallel_loop3A_131 : vector<16xi1> to vector<16xi32>
      %parallel_loop3A_133 = arith.addi %parallel_loop3A_128, %parallel_loop3A_132 : vector<16xi32>
      %parallel_loop3A_134 = arith.constant 5.000000e+01 : f32
      %parallel_loop3A_135 = vector.broadcast %parallel_loop3A_134 : f32 to vector<16xf32>
      %parallel_loop3A_136 = arith.cmpf oge, %parallel_loop3A_101, %parallel_loop3A_135 : vector<16xf32>
      %parallel_loop3A_137 = arith.extui %parallel_loop3A_136 : vector<16xi1> to vector<16xi32>
      %parallel_loop3A_138 = arith.addi %parallel_loop3A_133, %parallel_loop3A_137 : vector<16xi32>
      %parallel_loop3A_139 = arith.constant 5.500000e+01 : f32
      %parallel_loop3A_140 = vector.broadcast %parallel_loop3A_139 : f32 to vector<16xf32>
      %parallel_loop3A_141 = arith.cmpf oge, %parallel_loop3A_101, %parallel_loop3A_140 : vector<16xf32>
      %parallel_loop3A_142 = arith.extui %parallel_loop3A_141 : vector<16xi1> to vector<16xi32>
      %parallel_loop3A_143 = arith.addi %parallel_loop3A_138, %parallel_loop3A_142 : vector<16xi32>
      %parallel_loop3A_144 = arith.constant 6.000000e+01 : f32
      %parallel_loop3A_145 = vector.broadcast %parallel_loop3A_144 : f32 to vector<16xf32>
      %parallel_loop3A_146 = arith.cmpf oge, %parallel_loop3A_101, %parallel_loop3A_145 : vector<16xf32>
      %parallel_loop3A_147 = arith.extui %parallel_loop3A_146 : vector<16xi1> to vector<16xi32>
      %parallel_loop3A_148 = arith.addi %parallel_loop3A_143, %parallel_loop3A_147 : vector<16xi32>
      %parallel_loop3A_149 = arith.constant 6.500000e+01 : f32
      %parallel_loop3A_150 = vector.broadcast %parallel_loop3A_149 : f32 to vector<16xf32>
      %parallel_loop3A_151 = arith.cmpf oge, %parallel_loop3A_101, %parallel_loop3A_150 : vector<16xf32>
      %parallel_loop3A_152 = arith.extui %parallel_loop3A_151 : vector<16xi1> to vector<16xi32>
      %parallel_loop3A_153 = arith.addi %parallel_loop3A_148, %parallel_loop3A_152 : vector<16xi32>
      %parallel_loop3A_154 = arith.constant 36.6814766 : f32
      %parallel_loop3A_155 = vector.broadcast %parallel_loop3A_154 : f32 to vector<16xf32>
      %parallel_loop3A_156 = arith.subf %parallel_loop3A_98, %parallel_loop3A_155 : vector<16xf32>
      %parallel_loop3A_157 = arith.constant -82.8910294 : f32
      %parallel_loop3A_158 = vector.broadcast %parallel_loop3A_157 : f32 to vector<16xf32>
      %parallel_loop3A_159 = arith.subf %parallel_loop3A_100, %parallel_loop3A_158 : vector<16xf32>
      %parallel_loop3A_160 = arith.mulf %parallel_loop3A_156, %parallel_loop3A_156 : vector<16xf32>
      %parallel_loop3A_161 = arith.mulf %parallel_loop3A_159, %parallel_loop3A_159 : vector<16xf32>
      %parallel_loop3A_162 = arith.addf %parallel_loop3A_160, %parallel_loop3A_161 : vector<16xf32>
      %parallel_loop3A_163 = arith.constant 0 : i32
      %parallel_loop3A_164 = vector.broadcast %parallel_loop3A_163 : i32 to vector<16xi32>
      %parallel_loop3A_165 = arith.constant 23.2224331 : f32
      %parallel_loop3A_166 = vector.broadcast %parallel_loop3A_165 : f32 to vector<16xf32>
      %parallel_loop3A_167 = arith.subf %parallel_loop3A_98, %parallel_loop3A_166 : vector<16xf32>
      %parallel_loop3A_168 = arith.constant 78.230278 : f32
      %parallel_loop3A_169 = vector.broadcast %parallel_loop3A_168 : f32 to vector<16xf32>
      %parallel_loop3A_170 = arith.subf %parallel_loop3A_100, %parallel_loop3A_169 : vector<16xf32>
      %parallel_loop3A_171 = arith.mulf %parallel_loop3A_167, %parallel_loop3A_167 : vector<16xf32>
      %parallel_loop3A_172 = arith.mulf %parallel_loop3A_170, %parallel_loop3A_170 : vector<16xf32>
      %parallel_loop3A_173 = arith.addf %parallel_loop3A_171, %parallel_loop3A_172 : vector<16xf32>
      %parallel_loop3A_174 = arith.cmpf olt, %parallel_loop3A_173, %parallel_loop3A_162 : vector<16xf32>
      %parallel_loop3A_175 = arith.constant 1 : i32
      %parallel_loop3A_176 = vector.broadcast %parallel_loop3A_175 : i32 to vector<16xi32>
      %parallel_loop3A_177 = arith.select %parallel_loop3A_174, %parallel_loop3A_176, %parallel_loop3A_164 : vector<16xi1>, vector<16xi32>
      %parallel_loop3A_178 = arith.select %parallel_loop3A_174, %parallel_loop3A_173, %parallel_loop3A_162 : vector<16xi1>, vector<16xf32>
      %parallel_loop3A_179 = arith.constant 50.0499763 : f32
      %parallel_loop3A_180 = vector.broadcast %parallel_loop3A_179 : f32 to vector<16xf32>
      %parallel_loop3A_181 = arith.subf %parallel_loop3A_98, %parallel_loop3A_180 : vector<16xf32>
      %parallel_loop3A_182 = arith.constant 0.223793134 : f32
      %parallel_loop3A_183 = vector.broadcast %parallel_loop3A_182 : f32 to vector<16xf32>
      %parallel_loop3A_184 = arith.subf %parallel_loop3A_100, %parallel_loop3A_183 : vector<16xf32>
      %parallel_loop3A_185 = arith.mulf %parallel_loop3A_181, %parallel_loop3A_181 : vector<16xf32>
      %parallel_loop3A_186 = arith.mulf %parallel_loop3A_184, %parallel_loop3A_184 : vector<16xf32>
      %parallel_loop3A_187 = arith.addf %parallel_loop3A_185, %parallel_loop3A_186 : vector<16xf32>
      %parallel_loop3A_188 = arith.cmpf olt, %parallel_loop3A_187, %parallel_loop3A_178 : vector<16xf32>
      %parallel_loop3A_189 = arith.constant 2 : i32
      %parallel_loop3A_190 = vector.broadcast %parallel_loop3A_189 : i32 to vector<16xi32>
      %parallel_loop3A_191 = arith.select %parallel_loop3A_188, %parallel_loop3A_190, %parallel_loop3A_177 : vector<16xi1>, vector<16xi32>
      %parallel_loop3A_192 = arith.select %parallel_loop3A_188, %parallel_loop3A_187, %parallel_loop3A_178 : vector<16xi1>, vector<16xf32>
      %parallel_loop3A_193 = arith.constant 37.9309464 : f32
      %parallel_loop3A_194 = vector.broadcast %parallel_loop3A_193 : f32 to vector<16xf32>
      %parallel_loop3A_195 = arith.subf %parallel_loop3A_98, %parallel_loop3A_194 : vector<16xf32>
      %parallel_loop3A_196 = arith.constant -117.007416 : f32
      %parallel_loop3A_197 = vector.broadcast %parallel_loop3A_196 : f32 to vector<16xf32>
      %parallel_loop3A_198 = arith.subf %parallel_loop3A_100, %parallel_loop3A_197 : vector<16xf32>
      %parallel_loop3A_199 = arith.mulf %parallel_loop3A_195, %parallel_loop3A_195 : vector<16xf32>
      %parallel_loop3A_200 = arith.mulf %parallel_loop3A_198, %parallel_loop3A_198 : vector<16xf32>
      %parallel_loop3A_201 = arith.addf %parallel_loop3A_199, %parallel_loop3A_200 : vector<16xf32>
      %parallel_loop3A_202 = arith.cmpf olt, %parallel_loop3A_201, %parallel_loop3A_192 : vector<16xf32>
      %parallel_loop3A_203 = arith.constant 3 : i32
      %parallel_loop3A_204 = vector.broadcast %parallel_loop3A_203 : i32 to vector<16xi32>
      %parallel_loop3A_205 = arith.select %parallel_loop3A_202, %parallel_loop3A_204, %parallel_loop3A_191 : vector<16xi1>, vector<16xi32>
      %parallel_loop3A_206 = arith.select %parallel_loop3A_202, %parallel_loop3A_201, %parallel_loop3A_192 : vector<16xi1>, vector<16xf32>
      %parallel_loop3A_207 = arith.constant -32.7958641 : f32
      %parallel_loop3A_208 = vector.broadcast %parallel_loop3A_207 : f32 to vector<16xf32>
      %parallel_loop3A_209 = arith.subf %parallel_loop3A_98, %parallel_loop3A_208 : vector<16xf32>
      %parallel_loop3A_210 = arith.constant 148.715912 : f32
      %parallel_loop3A_211 = vector.broadcast %parallel_loop3A_210 : f32 to vector<16xf32>
      %parallel_loop3A_212 = arith.subf %parallel_loop3A_100, %parallel_loop3A_211 : vector<16xf32>
      %parallel_loop3A_213 = arith.mulf %parallel_loop3A_209, %parallel_loop3A_209 : vector<16xf32>
      %parallel_loop3A_214 = arith.mulf %parallel_loop3A_212, %parallel_loop3A_212 : vector<16xf32>
      %parallel_loop3A_215 = arith.addf %parallel_loop3A_213, %parallel_loop3A_214 : vector<16xf32>
      %parallel_loop3A_216 = arith.cmpf olt, %parallel_loop3A_215, %parallel_loop3A_206 : vector<16xf32>
      %parallel_loop3A_217 = arith.constant 4 : i32
      %parallel_loop3A_218 = vector.broadcast %parallel_loop3A_217 : i32 to vector<16xi32>
      %parallel_loop3A_219 = arith.select %parallel_loop3A_216, %parallel_loop3A_218, %parallel_loop3A_205 : vector<16xi1>, vector<16xi32>
      %parallel_loop3A_220 = arith.select %parallel_loop3A_216, %parallel_loop3A_215, %parallel_loop3A_206 : vector<16xi1>, vector<16xf32>
      %parallel_loop3A_221 = arith.constant -18.570549 : f32
      %parallel_loop3A_222 = vector.broadcast %parallel_loop3A_221 : f32 to vector<16xf32>
      %parallel_loop3A_223 = arith.subf %parallel_loop3A_98, %parallel_loop3A_222 : vector<16xf32>
      %parallel_loop3A_224 = arith.constant -54.2802544 : f32
      %parallel_loop3A_225 = vector.broadcast %parallel_loop3A_224 : f32 to vector<16xf32>
      %parallel_loop3A_226 = arith.subf %parallel_loop3A_100, %parallel_loop3A_225 : vector<16xf32>
      %parallel_loop3A_227 = arith.mulf %parallel_loop3A_223, %parallel_loop3A_223 : vector<16xf32>
      %parallel_loop3A_228 = arith.mulf %parallel_loop3A_226, %parallel_loop3A_226 : vector<16xf32>
      %parallel_loop3A_229 = arith.addf %parallel_loop3A_227, %parallel_loop3A_228 : vector<16xf32>
      %parallel_loop3A_230 = arith.cmpf olt, %parallel_loop3A_229, %parallel_loop3A_220 : vector<16xf32>
      %parallel_loop3A_231 = arith.constant 5 : i32
      %parallel_loop3A_232 = vector.broadcast %parallel_loop3A_231 : i32 to vector<16xi32>
      %parallel_loop3A_233 = arith.select %parallel_loop3A_230, %parallel_loop3A_232, %parallel_loop3A_219 : vector<16xi1>, vector<16xi32>
      %parallel_loop3A_234 = arith.select %parallel_loop3A_230, %parallel_loop3A_229, %parallel_loop3A_220 : vector<16xi1>, vector<16xf32>
      %parallel_loop3A_235 = arith.constant 13.9211407 : f32
      %parallel_loop3A_236 = vector.broadcast %parallel_loop3A_235 : f32 to vector<16xf32>
      %parallel_loop3A_237 = arith.subf %parallel_loop3A_98, %parallel_loop3A_236 : vector<16xf32>
      %parallel_loop3A_238 = arith.constant 116.387405 : f32
      %parallel_loop3A_239 = vector.broadcast %parallel_loop3A_238 : f32 to vector<16xf32>
      %parallel_loop3A_240 = arith.subf %parallel_loop3A_100, %parallel_loop3A_239 : vector<16xf32>
      %parallel_loop3A_241 = arith.mulf %parallel_loop3A_237, %parallel_loop3A_237 : vector<16xf32>
      %parallel_loop3A_242 = arith.mulf %parallel_loop3A_240, %parallel_loop3A_240 : vector<16xf32>
      %parallel_loop3A_243 = arith.addf %parallel_loop3A_241, %parallel_loop3A_242 : vector<16xf32>
      %parallel_loop3A_244 = arith.cmpf olt, %parallel_loop3A_243, %parallel_loop3A_234 : vector<16xf32>
      %parallel_loop3A_245 = arith.constant 6 : i32
      %parallel_loop3A_246 = vector.broadcast %parallel_loop3A_245 : i32 to vector<16xi32>
      %parallel_loop3A_247 = arith.select %parallel_loop3A_244, %parallel_loop3A_246, %parallel_loop3A_233 : vector<16xi1>, vector<16xi32>
      %parallel_loop3A_248 = arith.select %parallel_loop3A_244, %parallel_loop3A_243, %parallel_loop3A_234 : vector<16xi1>, vector<16xf32>
      %parallel_loop3A_249 = arith.constant 29.7895107 : f32
      %parallel_loop3A_250 = vector.broadcast %parallel_loop3A_249 : f32 to vector<16xf32>
      %parallel_loop3A_251 = arith.subf %parallel_loop3A_98, %parallel_loop3A_250 : vector<16xf32>
      %parallel_loop3A_252 = arith.constant 40.2795143 : f32
      %parallel_loop3A_253 = vector.broadcast %parallel_loop3A_252 : f32 to vector<16xf32>
      %parallel_loop3A_254 = arith.subf %parallel_loop3A_100, %parallel_loop3A_253 : vector<16xf32>
      %parallel_loop3A_255 = arith.mulf %parallel_loop3A_251, %parallel_loop3A_251 : vector<16xf32>
      %parallel_loop3A_256 = arith.mulf %parallel_loop3A_254, %parallel_loop3A_254 : vector<16xf32>
      %parallel_loop3A_257 = arith.addf %parallel_loop3A_255, %parallel_loop3A_256 : vector<16xf32>
      %parallel_loop3A_258 = arith.cmpf olt, %parallel_loop3A_257, %parallel_loop3A_248 : vector<16xf32>
      %parallel_loop3A_259 = arith.constant 7 : i32
      %parallel_loop3A_260 = vector.broadcast %parallel_loop3A_259 : i32 to vector<16xi32>
      %parallel_loop3A_261 = arith.select %parallel_loop3A_258, %parallel_loop3A_260, %parallel_loop3A_247 : vector<16xi1>, vector<16xi32>
      %parallel_loop3A_262 = arith.select %parallel_loop3A_258, %parallel_loop3A_257, %parallel_loop3A_248 : vector<16xi1>, vector<16xf32>
      %parallel_loop3A_263 = arith.constant 4 : i32
      %parallel_loop3A_264 = vector.broadcast %parallel_loop3A_263 : i32 to vector<16xi32>
      %parallel_loop3A_265 = arith.muli %parallel_loop3A_88, %parallel_loop3A_264 : vector<16xi32>
      %parallel_loop3A_266 = arith.constant 0 : i32
      %parallel_loop3A_267 = vector.broadcast %parallel_loop3A_266 : i32 to vector<16xi32>
      %parallel_loop3A_268 = arith.addi %parallel_loop3A_265, %parallel_loop3A_267 : vector<16xi32>
      %parallel_loop3A_269 = arith.constant 10 : i32
      %parallel_loop3A_270 = vector.broadcast %parallel_loop3A_269 : i32 to vector<16xi32>
      %parallel_loop3A_271 = arith.muli %parallel_loop3A_90, %parallel_loop3A_270 : vector<16xi32>
      %parallel_loop3A_272 = arith.constant 24 : i32
      %parallel_loop3A_273 = vector.broadcast %parallel_loop3A_272 : i32 to vector<16xi32>
      %parallel_loop3A_274 = arith.addi %parallel_loop3A_271, %parallel_loop3A_273 : vector<16xi32>
      %parallel_loop3A_275 = arith.constant 10 : i32
      %parallel_loop3A_276 = vector.broadcast %parallel_loop3A_275 : i32 to vector<16xi32>
      %parallel_loop3A_277 = arith.muli %parallel_loop3A_92, %parallel_loop3A_276 : vector<16xi32>
      %parallel_loop3A_278 = arith.constant 240 : i32
      %parallel_loop3A_279 = vector.broadcast %parallel_loop3A_278 : i32 to vector<16xi32>
      %parallel_loop3A_280 = arith.addi %parallel_loop3A_277, %parallel_loop3A_279 : vector<16xi32>
      %parallel_loop3A_281 = arith.constant 4 : i32
      %parallel_loop3A_282 = vector.broadcast %parallel_loop3A_281 : i32 to vector<16xi32>
      %parallel_loop3A_283 = arith.muli %parallel_loop3A_94, %parallel_loop3A_282 : vector<16xi32>
      %parallel_loop3A_284 = arith.constant 656 : i32
      %parallel_loop3A_285 = vector.broadcast %parallel_loop3A_284 : i32 to vector<16xi32>
      %parallel_loop3A_286 = arith.addi %parallel_loop3A_283, %parallel_loop3A_285 : vector<16xi32>
      %parallel_loop3A_287 = arith.constant 2 : i32
      %parallel_loop3A_288 = vector.broadcast %parallel_loop3A_287 : i32 to vector<16xi32>
      %parallel_loop3A_289 = arith.muli %parallel_loop3A_153, %parallel_loop3A_288 : vector<16xi32>
      %parallel_loop3A_290 = arith.constant 704 : i32
      %parallel_loop3A_291 = vector.broadcast %parallel_loop3A_290 : i32 to vector<16xi32>
      %parallel_loop3A_292 = arith.addi %parallel_loop3A_289, %parallel_loop3A_291 : vector<16xi32>
      %parallel_loop3A_293 = arith.constant 2 : i32
      %parallel_loop3A_294 = vector.broadcast %parallel_loop3A_293 : i32 to vector<16xi32>
      %parallel_loop3A_295 = arith.addi %parallel_loop3A_261, %parallel_loop3A_294 : vector<16xi32>
      %parallel_loop3A_296 = arith.constant 2 : i32
      %parallel_loop3A_297 = vector.broadcast %parallel_loop3A_296 : i32 to vector<16xi32>
      %parallel_loop3A_298 = arith.muli %parallel_loop3A_295, %parallel_loop3A_297 : vector<16xi32>
      %parallel_loop3A_299 = arith.constant 728 : i32
      %parallel_loop3A_300 = vector.broadcast %parallel_loop3A_299 : i32 to vector<16xi32>
      %parallel_loop3A_301 = arith.addi %parallel_loop3A_298, %parallel_loop3A_300 : vector<16xi32>
      %parallel_loop3A_302 = arith.constant 33 : i32
      %parallel_loop3A_303 = vector.broadcast %parallel_loop3A_302 : i32 to vector<16xi32>
      %parallel_loop3A_304 = arith.muli %parallel_loop3A_86, %parallel_loop3A_303 : vector<16xi32>
      %parallel_loop3A_305 = arith.constant 0 : i32
      %parallel_loop3A_306 = vector.broadcast %parallel_loop3A_305 : i32 to vector<16xi32>
      %parallel_loop3A_307 = arith.addi %parallel_loop3A_268, %parallel_loop3A_306 : vector<16xi32>
      %parallel_loop3A_308 = tpu.vector_load_idx %arg23[%parallel_loop3A_307] : memref<752xf32, #tpu.memory_space<vmem>>[vector<16xi32>], vector<16xf32>,
      %parallel_loop3A_309 = arith.constant 0 : i32
      %parallel_loop3A_310 = vector.broadcast %parallel_loop3A_309 : i32 to vector<16xi32>
      %parallel_loop3A_311 = arith.addi %parallel_loop3A_304, %parallel_loop3A_310 : vector<16xi32>
      tpu.vector_store_idx %arg24[%parallel_loop3A_311], %parallel_loop3A_308 : memref<16896xf32, #tpu.memory_space<vmem>>[vector<16xi32>], vector<16xf32>,
      %parallel_loop3A_312 = arith.constant 1 : i32
      %parallel_loop3A_313 = vector.broadcast %parallel_loop3A_312 : i32 to vector<16xi32>
      %parallel_loop3A_314 = arith.addi %parallel_loop3A_268, %parallel_loop3A_313 : vector<16xi32>
      %parallel_loop3A_315 = tpu.vector_load_idx %arg23[%parallel_loop3A_314] : memref<752xf32, #tpu.memory_space<vmem>>[vector<16xi32>], vector<16xf32>,
      %parallel_loop3A_316 = arith.constant 1 : i32
      %parallel_loop3A_317 = vector.broadcast %parallel_loop3A_316 : i32 to vector<16xi32>
      %parallel_loop3A_318 = arith.addi %parallel_loop3A_304, %parallel_loop3A_317 : vector<16xi32>
      tpu.vector_store_idx %arg24[%parallel_loop3A_318], %parallel_loop3A_315 : memref<16896xf32, #tpu.memory_space<vmem>>[vector<16xi32>], vector<16xf32>,
      %parallel_loop3A_319 = arith.constant 2 : i32
      %parallel_loop3A_320 = vector.broadcast %parallel_loop3A_319 : i32 to vector<16xi32>
      %parallel_loop3A_321 = arith.addi %parallel_loop3A_268, %parallel_loop3A_320 : vector<16xi32>
      %parallel_loop3A_322 = tpu.vector_load_idx %arg23[%parallel_loop3A_321] : memref<752xf32, #tpu.memory_space<vmem>>[vector<16xi32>], vector<16xf32>,
      %parallel_loop3A_323 = arith.constant 2 : i32
      %parallel_loop3A_324 = vector.broadcast %parallel_loop3A_323 : i32 to vector<16xi32>
      %parallel_loop3A_325 = arith.addi %parallel_loop3A_304, %parallel_loop3A_324 : vector<16xi32>
      tpu.vector_store_idx %arg24[%parallel_loop3A_325], %parallel_loop3A_322 : memref<16896xf32, #tpu.memory_space<vmem>>[vector<16xi32>], vector<16xf32>,
      %parallel_loop3A_326 = arith.constant 3 : i32
      %parallel_loop3A_327 = vector.broadcast %parallel_loop3A_326 : i32 to vector<16xi32>
      %parallel_loop3A_328 = arith.addi %parallel_loop3A_268, %parallel_loop3A_327 : vector<16xi32>
      %parallel_loop3A_329 = tpu.vector_load_idx %arg23[%parallel_loop3A_328] : memref<752xf32, #tpu.memory_space<vmem>>[vector<16xi32>], vector<16xf32>,
      %parallel_loop3A_330 = arith.constant 3 : i32
      %parallel_loop3A_331 = vector.broadcast %parallel_loop3A_330 : i32 to vector<16xi32>
      %parallel_loop3A_332 = arith.addi %parallel_loop3A_304, %parallel_loop3A_331 : vector<16xi32>
      tpu.vector_store_idx %arg24[%parallel_loop3A_332], %parallel_loop3A_329 : memref<16896xf32, #tpu.memory_space<vmem>>[vector<16xi32>], vector<16xf32>,
      %parallel_loop3A_333 = arith.constant 0 : i32
      %parallel_loop3A_334 = vector.broadcast %parallel_loop3A_333 : i32 to vector<16xi32>
      %parallel_loop3A_335 = arith.addi %parallel_loop3A_274, %parallel_loop3A_334 : vector<16xi32>
      %parallel_loop3A_336 = tpu.vector_load_idx %arg23[%parallel_loop3A_335] : memref<752xf32, #tpu.memory_space<vmem>>[vector<16xi32>], vector<16xf32>,
      %parallel_loop3A_337 = arith.constant 4 : i32
      %parallel_loop3A_338 = vector.broadcast %parallel_loop3A_337 : i32 to vector<16xi32>
      %parallel_loop3A_339 = arith.addi %parallel_loop3A_304, %parallel_loop3A_338 : vector<16xi32>
      tpu.vector_store_idx %arg24[%parallel_loop3A_339], %parallel_loop3A_336 : memref<16896xf32, #tpu.memory_space<vmem>>[vector<16xi32>], vector<16xf32>,
      %parallel_loop3A_340 = arith.constant 1 : i32
      %parallel_loop3A_341 = vector.broadcast %parallel_loop3A_340 : i32 to vector<16xi32>
      %parallel_loop3A_342 = arith.addi %parallel_loop3A_274, %parallel_loop3A_341 : vector<16xi32>
      %parallel_loop3A_343 = tpu.vector_load_idx %arg23[%parallel_loop3A_342] : memref<752xf32, #tpu.memory_space<vmem>>[vector<16xi32>], vector<16xf32>,
      %parallel_loop3A_344 = arith.constant 5 : i32
      %parallel_loop3A_345 = vector.broadcast %parallel_loop3A_344 : i32 to vector<16xi32>
      %parallel_loop3A_346 = arith.addi %parallel_loop3A_304, %parallel_loop3A_345 : vector<16xi32>
      tpu.vector_store_idx %arg24[%parallel_loop3A_346], %parallel_loop3A_343 : memref<16896xf32, #tpu.memory_space<vmem>>[vector<16xi32>], vector<16xf32>,
      %parallel_loop3A_347 = arith.constant 2 : i32
      %parallel_loop3A_348 = vector.broadcast %parallel_loop3A_347 : i32 to vector<16xi32>
      %parallel_loop3A_349 = arith.addi %parallel_loop3A_274, %parallel_loop3A_348 : vector<16xi32>
      %parallel_loop3A_350 = tpu.vector_load_idx %arg23[%parallel_loop3A_349] : memref<752xf32, #tpu.memory_space<vmem>>[vector<16xi32>], vector<16xf32>,
      %parallel_loop3A_351 = arith.constant 6 : i32
      %parallel_loop3A_352 = vector.broadcast %parallel_loop3A_351 : i32 to vector<16xi32>
      %parallel_loop3A_353 = arith.addi %parallel_loop3A_304, %parallel_loop3A_352 : vector<16xi32>
      tpu.vector_store_idx %arg24[%parallel_loop3A_353], %parallel_loop3A_350 : memref<16896xf32, #tpu.memory_space<vmem>>[vector<16xi32>], vector<16xf32>,
      %parallel_loop3A_354 = arith.constant 3 : i32
      %parallel_loop3A_355 = vector.broadcast %parallel_loop3A_354 : i32 to vector<16xi32>
      %parallel_loop3A_356 = arith.addi %parallel_loop3A_274, %parallel_loop3A_355 : vector<16xi32>
      %parallel_loop3A_357 = tpu.vector_load_idx %arg23[%parallel_loop3A_356] : memref<752xf32, #tpu.memory_space<vmem>>[vector<16xi32>], vector<16xf32>,
      %parallel_loop3A_358 = arith.constant 7 : i32
      %parallel_loop3A_359 = vector.broadcast %parallel_loop3A_358 : i32 to vector<16xi32>
      %parallel_loop3A_360 = arith.addi %parallel_loop3A_304, %parallel_loop3A_359 : vector<16xi32>
      tpu.vector_store_idx %arg24[%parallel_loop3A_360], %parallel_loop3A_357 : memref<16896xf32, #tpu.memory_space<vmem>>[vector<16xi32>], vector<16xf32>,
      %parallel_loop3A_361 = arith.constant 4 : i32
      %parallel_loop3A_362 = vector.broadcast %parallel_loop3A_361 : i32 to vector<16xi32>
      %parallel_loop3A_363 = arith.addi %parallel_loop3A_274, %parallel_loop3A_362 : vector<16xi32>
      %parallel_loop3A_364 = tpu.vector_load_idx %arg23[%parallel_loop3A_363] : memref<752xf32, #tpu.memory_space<vmem>>[vector<16xi32>], vector<16xf32>,
      %parallel_loop3A_365 = arith.constant 8 : i32
      %parallel_loop3A_366 = vector.broadcast %parallel_loop3A_365 : i32 to vector<16xi32>
      %parallel_loop3A_367 = arith.addi %parallel_loop3A_304, %parallel_loop3A_366 : vector<16xi32>
      tpu.vector_store_idx %arg24[%parallel_loop3A_367], %parallel_loop3A_364 : memref<16896xf32, #tpu.memory_space<vmem>>[vector<16xi32>], vector<16xf32>,
      %parallel_loop3A_368 = arith.constant 5 : i32
      %parallel_loop3A_369 = vector.broadcast %parallel_loop3A_368 : i32 to vector<16xi32>
      %parallel_loop3A_370 = arith.addi %parallel_loop3A_274, %parallel_loop3A_369 : vector<16xi32>
      %parallel_loop3A_371 = tpu.vector_load_idx %arg23[%parallel_loop3A_370] : memref<752xf32, #tpu.memory_space<vmem>>[vector<16xi32>], vector<16xf32>,
      %parallel_loop3A_372 = arith.constant 9 : i32
      %parallel_loop3A_373 = vector.broadcast %parallel_loop3A_372 : i32 to vector<16xi32>
      %parallel_loop3A_374 = arith.addi %parallel_loop3A_304, %parallel_loop3A_373 : vector<16xi32>
      tpu.vector_store_idx %arg24[%parallel_loop3A_374], %parallel_loop3A_371 : memref<16896xf32, #tpu.memory_space<vmem>>[vector<16xi32>], vector<16xf32>,
      %parallel_loop3A_375 = arith.constant 6 : i32
      %parallel_loop3A_376 = vector.broadcast %parallel_loop3A_375 : i32 to vector<16xi32>
      %parallel_loop3A_377 = arith.addi %parallel_loop3A_274, %parallel_loop3A_376 : vector<16xi32>
      %parallel_loop3A_378 = tpu.vector_load_idx %arg23[%parallel_loop3A_377] : memref<752xf32, #tpu.memory_space<vmem>>[vector<16xi32>], vector<16xf32>,
      %parallel_loop3A_379 = arith.constant 10 : i32
      %parallel_loop3A_380 = vector.broadcast %parallel_loop3A_379 : i32 to vector<16xi32>
      %parallel_loop3A_381 = arith.addi %parallel_loop3A_304, %parallel_loop3A_380 : vector<16xi32>
      tpu.vector_store_idx %arg24[%parallel_loop3A_381], %parallel_loop3A_378 : memref<16896xf32, #tpu.memory_space<vmem>>[vector<16xi32>], vector<16xf32>,
      %parallel_loop3A_382 = arith.constant 7 : i32
      %parallel_loop3A_383 = vector.broadcast %parallel_loop3A_382 : i32 to vector<16xi32>
      %parallel_loop3A_384 = arith.addi %parallel_loop3A_274, %parallel_loop3A_383 : vector<16xi32>
      %parallel_loop3A_385 = tpu.vector_load_idx %arg23[%parallel_loop3A_384] : memref<752xf32, #tpu.memory_space<vmem>>[vector<16xi32>], vector<16xf32>,
      %parallel_loop3A_386 = arith.constant 11 : i32
      %parallel_loop3A_387 = vector.broadcast %parallel_loop3A_386 : i32 to vector<16xi32>
      %parallel_loop3A_388 = arith.addi %parallel_loop3A_304, %parallel_loop3A_387 : vector<16xi32>
      tpu.vector_store_idx %arg24[%parallel_loop3A_388], %parallel_loop3A_385 : memref<16896xf32, #tpu.memory_space<vmem>>[vector<16xi32>], vector<16xf32>,
      %parallel_loop3A_389 = arith.constant 8 : i32
      %parallel_loop3A_390 = vector.broadcast %parallel_loop3A_389 : i32 to vector<16xi32>
      %parallel_loop3A_391 = arith.addi %parallel_loop3A_274, %parallel_loop3A_390 : vector<16xi32>
      %parallel_loop3A_392 = tpu.vector_load_idx %arg23[%parallel_loop3A_391] : memref<752xf32, #tpu.memory_space<vmem>>[vector<16xi32>], vector<16xf32>,
      %parallel_loop3A_393 = arith.constant 12 : i32
      %parallel_loop3A_394 = vector.broadcast %parallel_loop3A_393 : i32 to vector<16xi32>
      %parallel_loop3A_395 = arith.addi %parallel_loop3A_304, %parallel_loop3A_394 : vector<16xi32>
      tpu.vector_store_idx %arg24[%parallel_loop3A_395], %parallel_loop3A_392 : memref<16896xf32, #tpu.memory_space<vmem>>[vector<16xi32>], vector<16xf32>,
      %parallel_loop3A_396 = arith.constant 9 : i32
      %parallel_loop3A_397 = vector.broadcast %parallel_loop3A_396 : i32 to vector<16xi32>
      %parallel_loop3A_398 = arith.addi %parallel_loop3A_274, %parallel_loop3A_397 : vector<16xi32>
      %parallel_loop3A_399 = tpu.vector_load_idx %arg23[%parallel_loop3A_398] : memref<752xf32, #tpu.memory_space<vmem>>[vector<16xi32>], vector<16xf32>,
      %parallel_loop3A_400 = arith.constant 13 : i32
      %parallel_loop3A_401 = vector.broadcast %parallel_loop3A_400 : i32 to vector<16xi32>
      %parallel_loop3A_402 = arith.addi %parallel_loop3A_304, %parallel_loop3A_401 : vector<16xi32>
      tpu.vector_store_idx %arg24[%parallel_loop3A_402], %parallel_loop3A_399 : memref<16896xf32, #tpu.memory_space<vmem>>[vector<16xi32>], vector<16xf32>,
      %parallel_loop3A_403 = arith.constant 0 : i32
      %parallel_loop3A_404 = vector.broadcast %parallel_loop3A_403 : i32 to vector<16xi32>
      %parallel_loop3A_405 = arith.addi %parallel_loop3A_280, %parallel_loop3A_404 : vector<16xi32>
      %parallel_loop3A_406 = tpu.vector_load_idx %arg23[%parallel_loop3A_405] : memref<752xf32, #tpu.memory_space<vmem>>[vector<16xi32>], vector<16xf32>,
      %parallel_loop3A_407 = arith.constant 14 : i32
      %parallel_loop3A_408 = vector.broadcast %parallel_loop3A_407 : i32 to vector<16xi32>
      %parallel_loop3A_409 = arith.addi %parallel_loop3A_304, %parallel_loop3A_408 : vector<16xi32>
      tpu.vector_store_idx %arg24[%parallel_loop3A_409], %parallel_loop3A_406 : memref<16896xf32, #tpu.memory_space<vmem>>[vector<16xi32>], vector<16xf32>,
      %parallel_loop3A_410 = arith.constant 1 : i32
      %parallel_loop3A_411 = vector.broadcast %parallel_loop3A_410 : i32 to vector<16xi32>
      %parallel_loop3A_412 = arith.addi %parallel_loop3A_280, %parallel_loop3A_411 : vector<16xi32>
      %parallel_loop3A_413 = tpu.vector_load_idx %arg23[%parallel_loop3A_412] : memref<752xf32, #tpu.memory_space<vmem>>[vector<16xi32>], vector<16xf32>,
      %parallel_loop3A_414 = arith.constant 15 : i32
      %parallel_loop3A_415 = vector.broadcast %parallel_loop3A_414 : i32 to vector<16xi32>
      %parallel_loop3A_416 = arith.addi %parallel_loop3A_304, %parallel_loop3A_415 : vector<16xi32>
      tpu.vector_store_idx %arg24[%parallel_loop3A_416], %parallel_loop3A_413 : memref<16896xf32, #tpu.memory_space<vmem>>[vector<16xi32>], vector<16xf32>,
      %parallel_loop3A_417 = arith.constant 2 : i32
      %parallel_loop3A_418 = vector.broadcast %parallel_loop3A_417 : i32 to vector<16xi32>
      %parallel_loop3A_419 = arith.addi %parallel_loop3A_280, %parallel_loop3A_418 : vector<16xi32>
      %parallel_loop3A_420 = tpu.vector_load_idx %arg23[%parallel_loop3A_419] : memref<752xf32, #tpu.memory_space<vmem>>[vector<16xi32>], vector<16xf32>,
      %parallel_loop3A_421 = arith.constant 16 : i32
      %parallel_loop3A_422 = vector.broadcast %parallel_loop3A_421 : i32 to vector<16xi32>
      %parallel_loop3A_423 = arith.addi %parallel_loop3A_304, %parallel_loop3A_422 : vector<16xi32>
      tpu.vector_store_idx %arg24[%parallel_loop3A_423], %parallel_loop3A_420 : memref<16896xf32, #tpu.memory_space<vmem>>[vector<16xi32>], vector<16xf32>,
      %parallel_loop3A_424 = arith.constant 3 : i32
      %parallel_loop3A_425 = vector.broadcast %parallel_loop3A_424 : i32 to vector<16xi32>
      %parallel_loop3A_426 = arith.addi %parallel_loop3A_280, %parallel_loop3A_425 : vector<16xi32>
      %parallel_loop3A_427 = tpu.vector_load_idx %arg23[%parallel_loop3A_426] : memref<752xf32, #tpu.memory_space<vmem>>[vector<16xi32>], vector<16xf32>,
      %parallel_loop3A_428 = arith.constant 17 : i32
      %parallel_loop3A_429 = vector.broadcast %parallel_loop3A_428 : i32 to vector<16xi32>
      %parallel_loop3A_430 = arith.addi %parallel_loop3A_304, %parallel_loop3A_429 : vector<16xi32>
      tpu.vector_store_idx %arg24[%parallel_loop3A_430], %parallel_loop3A_427 : memref<16896xf32, #tpu.memory_space<vmem>>[vector<16xi32>], vector<16xf32>,
      %parallel_loop3A_431 = arith.constant 4 : i32
      %parallel_loop3A_432 = vector.broadcast %parallel_loop3A_431 : i32 to vector<16xi32>
      %parallel_loop3A_433 = arith.addi %parallel_loop3A_280, %parallel_loop3A_432 : vector<16xi32>
      %parallel_loop3A_434 = tpu.vector_load_idx %arg23[%parallel_loop3A_433] : memref<752xf32, #tpu.memory_space<vmem>>[vector<16xi32>], vector<16xf32>,
      %parallel_loop3A_435 = arith.constant 18 : i32
      %parallel_loop3A_436 = vector.broadcast %parallel_loop3A_435 : i32 to vector<16xi32>
      %parallel_loop3A_437 = arith.addi %parallel_loop3A_304, %parallel_loop3A_436 : vector<16xi32>
      tpu.vector_store_idx %arg24[%parallel_loop3A_437], %parallel_loop3A_434 : memref<16896xf32, #tpu.memory_space<vmem>>[vector<16xi32>], vector<16xf32>,
      %parallel_loop3A_438 = arith.constant 5 : i32
      %parallel_loop3A_439 = vector.broadcast %parallel_loop3A_438 : i32 to vector<16xi32>
      %parallel_loop3A_440 = arith.addi %parallel_loop3A_280, %parallel_loop3A_439 : vector<16xi32>
      %parallel_loop3A_441 = tpu.vector_load_idx %arg23[%parallel_loop3A_440] : memref<752xf32, #tpu.memory_space<vmem>>[vector<16xi32>], vector<16xf32>,
      %parallel_loop3A_442 = arith.constant 19 : i32
      %parallel_loop3A_443 = vector.broadcast %parallel_loop3A_442 : i32 to vector<16xi32>
      %parallel_loop3A_444 = arith.addi %parallel_loop3A_304, %parallel_loop3A_443 : vector<16xi32>
      tpu.vector_store_idx %arg24[%parallel_loop3A_444], %parallel_loop3A_441 : memref<16896xf32, #tpu.memory_space<vmem>>[vector<16xi32>], vector<16xf32>,
      %parallel_loop3A_445 = arith.constant 6 : i32
      %parallel_loop3A_446 = vector.broadcast %parallel_loop3A_445 : i32 to vector<16xi32>
      %parallel_loop3A_447 = arith.addi %parallel_loop3A_280, %parallel_loop3A_446 : vector<16xi32>
      %parallel_loop3A_448 = tpu.vector_load_idx %arg23[%parallel_loop3A_447] : memref<752xf32, #tpu.memory_space<vmem>>[vector<16xi32>], vector<16xf32>,
      %parallel_loop3A_449 = arith.constant 20 : i32
      %parallel_loop3A_450 = vector.broadcast %parallel_loop3A_449 : i32 to vector<16xi32>
      %parallel_loop3A_451 = arith.addi %parallel_loop3A_304, %parallel_loop3A_450 : vector<16xi32>
      tpu.vector_store_idx %arg24[%parallel_loop3A_451], %parallel_loop3A_448 : memref<16896xf32, #tpu.memory_space<vmem>>[vector<16xi32>], vector<16xf32>,
      %parallel_loop3A_452 = arith.constant 7 : i32
      %parallel_loop3A_453 = vector.broadcast %parallel_loop3A_452 : i32 to vector<16xi32>
      %parallel_loop3A_454 = arith.addi %parallel_loop3A_280, %parallel_loop3A_453 : vector<16xi32>
      %parallel_loop3A_455 = tpu.vector_load_idx %arg23[%parallel_loop3A_454] : memref<752xf32, #tpu.memory_space<vmem>>[vector<16xi32>], vector<16xf32>,
      %parallel_loop3A_456 = arith.constant 21 : i32
      %parallel_loop3A_457 = vector.broadcast %parallel_loop3A_456 : i32 to vector<16xi32>
      %parallel_loop3A_458 = arith.addi %parallel_loop3A_304, %parallel_loop3A_457 : vector<16xi32>
      tpu.vector_store_idx %arg24[%parallel_loop3A_458], %parallel_loop3A_455 : memref<16896xf32, #tpu.memory_space<vmem>>[vector<16xi32>], vector<16xf32>,
      %parallel_loop3A_459 = arith.constant 8 : i32
      %parallel_loop3A_460 = vector.broadcast %parallel_loop3A_459 : i32 to vector<16xi32>
      %parallel_loop3A_461 = arith.addi %parallel_loop3A_280, %parallel_loop3A_460 : vector<16xi32>
      %parallel_loop3A_462 = tpu.vector_load_idx %arg23[%parallel_loop3A_461] : memref<752xf32, #tpu.memory_space<vmem>>[vector<16xi32>], vector<16xf32>,
      %parallel_loop3A_463 = arith.constant 22 : i32
      %parallel_loop3A_464 = vector.broadcast %parallel_loop3A_463 : i32 to vector<16xi32>
      %parallel_loop3A_465 = arith.addi %parallel_loop3A_304, %parallel_loop3A_464 : vector<16xi32>
      tpu.vector_store_idx %arg24[%parallel_loop3A_465], %parallel_loop3A_462 : memref<16896xf32, #tpu.memory_space<vmem>>[vector<16xi32>], vector<16xf32>,
      %parallel_loop3A_466 = arith.constant 9 : i32
      %parallel_loop3A_467 = vector.broadcast %parallel_loop3A_466 : i32 to vector<16xi32>
      %parallel_loop3A_468 = arith.addi %parallel_loop3A_280, %parallel_loop3A_467 : vector<16xi32>
      %parallel_loop3A_469 = tpu.vector_load_idx %arg23[%parallel_loop3A_468] : memref<752xf32, #tpu.memory_space<vmem>>[vector<16xi32>], vector<16xf32>,
      %parallel_loop3A_470 = arith.constant 23 : i32
      %parallel_loop3A_471 = vector.broadcast %parallel_loop3A_470 : i32 to vector<16xi32>
      %parallel_loop3A_472 = arith.addi %parallel_loop3A_304, %parallel_loop3A_471 : vector<16xi32>
      tpu.vector_store_idx %arg24[%parallel_loop3A_472], %parallel_loop3A_469 : memref<16896xf32, #tpu.memory_space<vmem>>[vector<16xi32>], vector<16xf32>,
      %parallel_loop3A_473 = arith.constant 0 : i32
      %parallel_loop3A_474 = vector.broadcast %parallel_loop3A_473 : i32 to vector<16xi32>
      %parallel_loop3A_475 = arith.addi %parallel_loop3A_286, %parallel_loop3A_474 : vector<16xi32>
      %parallel_loop3A_476 = tpu.vector_load_idx %arg23[%parallel_loop3A_475] : memref<752xf32, #tpu.memory_space<vmem>>[vector<16xi32>], vector<16xf32>,
      %parallel_loop3A_477 = arith.constant 24 : i32
      %parallel_loop3A_478 = vector.broadcast %parallel_loop3A_477 : i32 to vector<16xi32>
      %parallel_loop3A_479 = arith.addi %parallel_loop3A_304, %parallel_loop3A_478 : vector<16xi32>
      tpu.vector_store_idx %arg24[%parallel_loop3A_479], %parallel_loop3A_476 : memref<16896xf32, #tpu.memory_space<vmem>>[vector<16xi32>], vector<16xf32>,
      %parallel_loop3A_480 = arith.constant 1 : i32
      %parallel_loop3A_481 = vector.broadcast %parallel_loop3A_480 : i32 to vector<16xi32>
      %parallel_loop3A_482 = arith.addi %parallel_loop3A_286, %parallel_loop3A_481 : vector<16xi32>
      %parallel_loop3A_483 = tpu.vector_load_idx %arg23[%parallel_loop3A_482] : memref<752xf32, #tpu.memory_space<vmem>>[vector<16xi32>], vector<16xf32>,
      %parallel_loop3A_484 = arith.constant 25 : i32
      %parallel_loop3A_485 = vector.broadcast %parallel_loop3A_484 : i32 to vector<16xi32>
      %parallel_loop3A_486 = arith.addi %parallel_loop3A_304, %parallel_loop3A_485 : vector<16xi32>
      tpu.vector_store_idx %arg24[%parallel_loop3A_486], %parallel_loop3A_483 : memref<16896xf32, #tpu.memory_space<vmem>>[vector<16xi32>], vector<16xf32>,
      %parallel_loop3A_487 = arith.constant 2 : i32
      %parallel_loop3A_488 = vector.broadcast %parallel_loop3A_487 : i32 to vector<16xi32>
      %parallel_loop3A_489 = arith.addi %parallel_loop3A_286, %parallel_loop3A_488 : vector<16xi32>
      %parallel_loop3A_490 = tpu.vector_load_idx %arg23[%parallel_loop3A_489] : memref<752xf32, #tpu.memory_space<vmem>>[vector<16xi32>], vector<16xf32>,
      %parallel_loop3A_491 = arith.constant 26 : i32
      %parallel_loop3A_492 = vector.broadcast %parallel_loop3A_491 : i32 to vector<16xi32>
      %parallel_loop3A_493 = arith.addi %parallel_loop3A_304, %parallel_loop3A_492 : vector<16xi32>
      tpu.vector_store_idx %arg24[%parallel_loop3A_493], %parallel_loop3A_490 : memref<16896xf32, #tpu.memory_space<vmem>>[vector<16xi32>], vector<16xf32>,
      %parallel_loop3A_494 = arith.constant 3 : i32
      %parallel_loop3A_495 = vector.broadcast %parallel_loop3A_494 : i32 to vector<16xi32>
      %parallel_loop3A_496 = arith.addi %parallel_loop3A_286, %parallel_loop3A_495 : vector<16xi32>
      %parallel_loop3A_497 = tpu.vector_load_idx %arg23[%parallel_loop3A_496] : memref<752xf32, #tpu.memory_space<vmem>>[vector<16xi32>], vector<16xf32>,
      %parallel_loop3A_498 = arith.constant 27 : i32
      %parallel_loop3A_499 = vector.broadcast %parallel_loop3A_498 : i32 to vector<16xi32>
      %parallel_loop3A_500 = arith.addi %parallel_loop3A_304, %parallel_loop3A_499 : vector<16xi32>
      tpu.vector_store_idx %arg24[%parallel_loop3A_500], %parallel_loop3A_497 : memref<16896xf32, #tpu.memory_space<vmem>>[vector<16xi32>], vector<16xf32>,
      %parallel_loop3A_501 = arith.constant 0 : i32
      %parallel_loop3A_502 = vector.broadcast %parallel_loop3A_501 : i32 to vector<16xi32>
      %parallel_loop3A_503 = arith.addi %parallel_loop3A_292, %parallel_loop3A_502 : vector<16xi32>
      %parallel_loop3A_504 = tpu.vector_load_idx %arg23[%parallel_loop3A_503] : memref<752xf32, #tpu.memory_space<vmem>>[vector<16xi32>], vector<16xf32>,
      %parallel_loop3A_505 = arith.constant 28 : i32
      %parallel_loop3A_506 = vector.broadcast %parallel_loop3A_505 : i32 to vector<16xi32>
      %parallel_loop3A_507 = arith.addi %parallel_loop3A_304, %parallel_loop3A_506 : vector<16xi32>
      tpu.vector_store_idx %arg24[%parallel_loop3A_507], %parallel_loop3A_504 : memref<16896xf32, #tpu.memory_space<vmem>>[vector<16xi32>], vector<16xf32>,
      %parallel_loop3A_508 = arith.constant 1 : i32
      %parallel_loop3A_509 = vector.broadcast %parallel_loop3A_508 : i32 to vector<16xi32>
      %parallel_loop3A_510 = arith.addi %parallel_loop3A_292, %parallel_loop3A_509 : vector<16xi32>
      %parallel_loop3A_511 = tpu.vector_load_idx %arg23[%parallel_loop3A_510] : memref<752xf32, #tpu.memory_space<vmem>>[vector<16xi32>], vector<16xf32>,
      %parallel_loop3A_512 = arith.constant 29 : i32
      %parallel_loop3A_513 = vector.broadcast %parallel_loop3A_512 : i32 to vector<16xi32>
      %parallel_loop3A_514 = arith.addi %parallel_loop3A_304, %parallel_loop3A_513 : vector<16xi32>
      tpu.vector_store_idx %arg24[%parallel_loop3A_514], %parallel_loop3A_511 : memref<16896xf32, #tpu.memory_space<vmem>>[vector<16xi32>], vector<16xf32>,
      %parallel_loop3A_515 = arith.constant 0 : i32
      %parallel_loop3A_516 = vector.broadcast %parallel_loop3A_515 : i32 to vector<16xi32>
      %parallel_loop3A_517 = arith.addi %parallel_loop3A_301, %parallel_loop3A_516 : vector<16xi32>
      %parallel_loop3A_518 = tpu.vector_load_idx %arg23[%parallel_loop3A_517] : memref<752xf32, #tpu.memory_space<vmem>>[vector<16xi32>], vector<16xf32>,
      %parallel_loop3A_519 = arith.constant 30 : i32
      %parallel_loop3A_520 = vector.broadcast %parallel_loop3A_519 : i32 to vector<16xi32>
      %parallel_loop3A_521 = arith.addi %parallel_loop3A_304, %parallel_loop3A_520 : vector<16xi32>
      tpu.vector_store_idx %arg24[%parallel_loop3A_521], %parallel_loop3A_518 : memref<16896xf32, #tpu.memory_space<vmem>>[vector<16xi32>], vector<16xf32>,
      %parallel_loop3A_522 = arith.constant 1 : i32
      %parallel_loop3A_523 = vector.broadcast %parallel_loop3A_522 : i32 to vector<16xi32>
      %parallel_loop3A_524 = arith.addi %parallel_loop3A_301, %parallel_loop3A_523 : vector<16xi32>
      %parallel_loop3A_525 = tpu.vector_load_idx %arg23[%parallel_loop3A_524] : memref<752xf32, #tpu.memory_space<vmem>>[vector<16xi32>], vector<16xf32>,
      %parallel_loop3A_526 = arith.constant 31 : i32
      %parallel_loop3A_527 = vector.broadcast %parallel_loop3A_526 : i32 to vector<16xi32>
      %parallel_loop3A_528 = arith.addi %parallel_loop3A_304, %parallel_loop3A_527 : vector<16xi32>
      tpu.vector_store_idx %arg24[%parallel_loop3A_528], %parallel_loop3A_525 : memref<16896xf32, #tpu.memory_space<vmem>>[vector<16xi32>], vector<16xf32>,
    } {sc.loop_unroll_factor = 2 : i64, sc.parallel_access}
    %parallel_loop3A_79 = arith.constant 0 : i32
    %parallel_loop3A_80 = arith.constant 512 : i32
    %parallel_loop3A_81 = arith.constant 1 : i32
    scf.for %parallel_loop3A_82 = %parallel_loop3A_79 to %parallel_loop3A_80 step %parallel_loop3A_81  : i32 {
      %parallel_loop3A_83 = arith.constant 33 : i32
      %parallel_loop3A_84 = arith.muli %parallel_loop3A_82, %parallel_loop3A_83 : i32
      %parallel_loop3A_85 = arith.index_cast %parallel_loop3A_84 : i32 to index
      %parallel_loop3A_86 = tpu.vector_load %arg24[%parallel_loop3A_85] {strides = array<i32>} : memref<16896xf32, #tpu.memory_space<vmem>>, vector<16xf32>,
      %parallel_loop3A_87 = arith.index_cast %parallel_loop3A_82 : i32 to index
      %parallel_loop3A_88 = arith.constant 0 : index
      %parallel_loop3A_89 = tpu.vector_load %arg25[%parallel_loop3A_87, %parallel_loop3A_88] {strides = array<i32>} : memref<512x32xf32, #tpu.memory_space<vmem>>, vector<16xf32>,
      tpu.vector_store %arg25[%parallel_loop3A_87, %parallel_loop3A_88], %parallel_loop3A_86 {strides = array<i32>} : memref<512x32xf32, #tpu.memory_space<vmem>>, vector<16xf32>,
      %parallel_loop3A_90 = arith.constant 33 : i32
      %parallel_loop3A_91 = arith.muli %parallel_loop3A_82, %parallel_loop3A_90 : i32
      %parallel_loop3A_92 = arith.constant 16 : i32
      %parallel_loop3A_93 = arith.addi %parallel_loop3A_91, %parallel_loop3A_92 : i32
      %parallel_loop3A_94 = arith.index_cast %parallel_loop3A_93 : i32 to index
      %parallel_loop3A_95 = tpu.vector_load %arg24[%parallel_loop3A_94] {strides = array<i32>} : memref<16896xf32, #tpu.memory_space<vmem>>, vector<16xf32>,
      %parallel_loop3A_96 = arith.index_cast %parallel_loop3A_82 : i32 to index
      %parallel_loop3A_97 = arith.constant 16 : index
      %parallel_loop3A_98 = tpu.vector_load %arg25[%parallel_loop3A_96, %parallel_loop3A_97] {strides = array<i32>} : memref<512x32xf32, #tpu.memory_space<vmem>>, vector<16xf32>,
      tpu.vector_store %arg25[%parallel_loop3A_96, %parallel_loop3A_97], %parallel_loop3A_95 {strides = array<i32>} : memref<512x32xf32, #tpu.memory_space<vmem>>, vector<16xf32>,
    } {sc.loop_unroll_factor = 4 : i64, sc.parallel_access}
    "tpu.region"() ({
      %run_scoped3A = tpu.sem_alloc : memref<!tpu.dma_semaphore, #tpu.memory_space<semaphore_mem>>
      %dma_start3A_82 = arith.constant 0 : i32
      %dma_start3A_83 = tpu.memref_slice %arg15[%mul3A_2, %dma_start3A_82] : memref<16384x32xf32, #tpu.memory_space<hbm>> -> memref<512x32xf32, #tpu.memory_space<hbm>>
      %dma_start3A_84 = arith.constant 0 : i32
      %dma_start3A_85 = tpu.memref_slice %arg15[%mul3A_2, %dma_start3A_84] : memref<16384x32xf32, #tpu.memory_space<hbm>> -> memref<512x32xf32, #tpu.memory_space<hbm>>
      tpu.enqueue_dma source(%arg25 : memref<512x32xf32, #tpu.memory_space<vmem>>) target(%dma_start3A_85 : memref<512x32xf32, #tpu.memory_space<hbm>>) target_semaphore(%run_scoped3A : memref<!tpu.dma_semaphore, #tpu.memory_space<semaphore_mem>>)
      %dma_wait3A_86 = arith.constant 0 : i32
      %dma_wait3A_87 = tpu.memref_slice %arg15[%mul3A_2, %dma_wait3A_86] : memref<16384x32xf32, #tpu.memory_space<hbm>> -> memref<512x32xf32, #tpu.memory_space<hbm>>
      %dma_wait3A_88 = arith.constant 0 : i32
      %dma_wait3A_89 = tpu.memref_slice %arg15[%mul3A_2, %dma_wait3A_88] : memref<16384x32xf32, #tpu.memory_space<hbm>> -> memref<512x32xf32, #tpu.memory_space<hbm>>
      tpu.wait_dma2 semaphore(%run_scoped3A : memref<!tpu.dma_semaphore, #tpu.memory_space<semaphore_mem>>) src(%arg25 : memref<512x32xf32, #tpu.memory_space<vmem>>) dst(%dma_wait3A_89 : memref<512x32xf32, #tpu.memory_space<hbm>>)
      tpu.yield
    }) : () -> ()
    return
  }
}

</mosaic_0001>

<sc_bundles>
// kernel: kernel.3.cloned.1.call-start
scs
__scs_entry_jumppad:
0x0: {  	(pc) =	sbr.rel $0x88, $3  }
0x1: {  	(tag) =	ssettag $0x0;
	lr =	simm.s32 $0x1  }
0x2: {  	[smem:$0x3F95] =	sst lr;
	_ =	strace $0xD0000000  }
0x3: {  	_ = 	snop  }
0x4: {  	_ = 	snop  }
0x5: {  	_ = 	snop  }
0x6: {  	_ = 	snop  }
0x7: {  	_ = 	snop  }
__scs_overlays_trampoline_lowered:
0x8: {  	[smem:$0x3FA4] =	sst s0  }
0x9: {  	[smem:$0x3FA5] =	sst s1  }
0xa: {  	[smem:$0x3FA6] =	sst s2  }
0xb: {  	[smem:$0x3FA7] =	sst s3  }
0xc: {  	[smem:$0x3FA8] =	sst s4  }
0xd: {  	[smem:$0x3FA9] =	sst s5  }
0xe: {  	[smem:$0x3FAA] =	sst s6  }
0xf: {  	[smem:$0x3FAB] =	sst s7  }
0x10: {  	[smem:$0x3FAC] =	sst s8  }
0x11: {  	[smem:$0x3FAD] =	sst s9;
	s0 =	simm.s32 @!p0 $0x0  }
0x12: {  	s1 =	sld [smem:$0x3F93];
	s0 =	simm.s32 @p0 $0x1  }
0x13: {  	[smem:$0x3FAE] =	sst s0;
	s0 =	simm.s32 @!p1 $0x0  }
0x14: {  	s2 =	sld [smem:$0x3F92];
	s0 =	simm.s32 @p1 $0x1  }
0x15: {  	[smem:$0x3FAF] =	sst s0;
	s0 =	simm.s32 @!p2 $0x0  }
0x16: {  	s3 =	sld [smem:$0x3FDB];
	s0 =	simm.s32 @p2 $0x1  }
0x17: {  	s4 =	simm.s32 $0x1BF5;
	[smem:$0x3FB1] =	sst s0  }
0x18: {  	s0 =	sld [smem:$0x3F94];
	_ =	swait.ge [sflag:s4], $0x0  }
0x19: {  	s7 =	sld [smem:$0x3F95]  }
0x1a: {  	s8 =	sadd.s32 $0xFFFFE003, lr  }
0x1b: {  	s9 =	sadd.s32 $0xFFFFFEF7, lr;
	s5 =	simm.s32 $0xFFFFFFFF;
	p2 =	slt.u32 s8, $0xFFFFF086  }
0x1c: {  	p1 =	slt.u32 s9, $0xF7A;
	s5 =	simm.s32 @!p2 $0x0  }
0x1d: {  	s5 =	simm.s32 @p1 $0x1;
	p0 =	seq.s32 s7, s2  }
0x1e: {  	s7 =	smul.u32 @!p0 $0xF7A, s2;
	p2 =	seq.s32 @!p0 s5, $0x0  }
0x1f: {  	s9 =	smul.u32 $0xF7A, s1;
	s8 =	simm.s32 @!p0 $0x1BF5;
	p2 =	por !p2, p0  }
0x20: {  	[sflag:s8] =	ssyncset.s32 @!p0 $0xFFFFF086;
	s6 =	sadd.s32 @!p0 s3, s7;
	s7 =	simm.s32 @!p0 $0x108  }
0x21: {  	s3 =	sadd.s32 s3, s9;
	s6 =	sadd.s32 @!p0 $0x88, s6;
	s7 =	simm.s32 @p2 $0x1082  }
0x22: {  	[simem:s7], [sflag:s8] =	dma.local @!p0 [hbm:s6], $0xF7A  }
0x23: {  	s9 =	sor.u32 $0xD0000000, s2;
	s6 =	simm.s32 $0x108;
	_ =	swait.ge @!p0 [sflag:s8], $0x0  }
0x24: {  	s3 =	sadd.s32 $0x88, s3;
	s6 =	simm.s32 @!p1 $0x1082;
	[sflag:s4] =	ssyncset.s32 $0xFFFFF086  }
0x25: {  	[simem:s6], [sflag:s4] =	dma.local [hbm:s3], $0xF7A  }
0x26: {  	[smem:$0x3F95] =	sst s1;
	(tag) =	ssettag s2;
	_ =	strace s9  }
0x27: {  	s1 =	sld [smem:$0x3FA5]  }
0x28: {  	s2 =	sld [smem:$0x3FA6]  }
0x29: {  	s4 =	sld [smem:$0x3FA8]  }
0x2a: {  	p0 =	seq.s32 s5, $0x0;
	s5 =	sld [smem:$0x3FA9]  }
0x2b: {  	s6 =	sld [smem:$0x3FAA]  }
0x2c: {  	s7 =	sld [smem:$0x3FAB]  }
0x2d: {  	s3 =	simm.s32 $0x108;
	s8 =	sld [smem:$0x3FAC]  }
0x2e: {  	s3 =	simm.s32 @!p0 $0x1082;
	s9 =	sld [smem:$0x3FAD]  }
0x2f: {  	lr =	sadd.s32 s0, s3;
	s0 =	sld [smem:$0x3FA4]  }
0x30: {  	s3 =	sld [smem:$0x3FA7]  }
0x31: {  	[smem:$0x3FB0] =	sst s10  }
0x32: {  	s10 =	sld [smem:$0x3FAE];
	_ =	sdelay $0x3  }
0x33: {  	p0 =	seq.s32 s10, $0x1;
	s10 =	sld [smem:$0x3FB0];
	_ =	sdelay $0x3  }
0x34: {  	[smem:$0x3FB0] =	sst s10  }
0x35: {  	s10 =	sld [smem:$0x3FAF];
	_ =	sdelay $0x3  }
0x36: {  	p1 =	seq.s32 s10, $0x1;
	s10 =	sld [smem:$0x3FB0];
	_ =	sdelay $0x3  }
0x37: {  	[smem:$0x3FB0] =	sst s10  }
0x38: {  	s10 =	sld [smem:$0x3FB1]  }
0x39: {  	_ = 	snop;
	(pc) =	sbr.ind lr, $3  }
0x3a: {  	_ = 	snop  }
0x3b: {  	_ = 	snop  }
0x3c: {  	p2 =	seq.s32 s10, $0x1;
	s10 =	sld [smem:$0x3FB0]  }
0x3d: {  	_ =	shalt  }
0x3e: {  	_ =	shalt  }
0x3f: {  	_ =	shalt  }
0x40: {  	_ =	shalt  }
0x41: {  	_ =	shalt  }
0x42: {  	_ =	shalt  }
0x43: {  	_ =	shalt  }
0x44: {  	_ =	shalt  }
0x45: {  	_ =	shalt  }
0x46: {  	_ =	shalt  }
0x47: {  	_ =	shalt  }
0x48: {  	_ =	shalt  }
0x49: {  	_ =	shalt  }
0x4a: {  	_ =	shalt  }
0x4b: {  	_ =	shalt  }
0x4c: {  	_ =	shalt  }
0x4d: {  	_ =	shalt  }
0x4e: {  	_ =	shalt  }
0x4f: {  	_ =	shalt  }
0x50: {  	_ =	shalt  }
0x51: {  	_ =	shalt  }
0x52: {  	_ =	shalt  }
0x53: {  	_ =	shalt  }
0x54: {  	_ =	shalt  }
0x55: {  	_ =	shalt  }
0x56: {  	_ =	shalt  }
0x57: {  	_ =	shalt  }
0x58: {  	_ =	shalt  }
0x59: {  	_ =	shalt  }
0x5a: {  	_ =	shalt  }
0x5b: {  	_ =	shalt  }
0x5c: {  	_ =	shalt  }
0x5d: {  	_ =	shalt  }
0x5e: {  	_ =	shalt  }
0x5f: {  	_ =	shalt  }
0x60: {  	_ =	shalt  }
0x61: {  	_ =	shalt  }
0x62: {  	_ =	shalt  }
0x63: {  	_ =	shalt  }
0x64: {  	_ =	shalt  }
0x65: {  	_ =	shalt  }
0x66: {  	_ =	shalt  }
0x67: {  	_ =	shalt  }
0x68: {  	_ =	shalt  }
0x69: {  	_ =	shalt  }
0x6a: {  	_ =	shalt  }
0x6b: {  	_ =	shalt  }
0x6c: {  	_ =	shalt  }
0x6d: {  	_ =	shalt  }
0x6e: {  	_ =	shalt  }
0x6f: {  	_ =	shalt  }
0x70: {  	_ =	shalt  }
0x71: {  	_ =	shalt  }
0x72: {  	_ =	shalt  }
0x73: {  	_ =	shalt  }
0x74: {  	_ =	shalt  }
0x75: {  	_ =	shalt  }
0x76: {  	_ =	shalt  }
0x77: {  	_ =	shalt  }
0x78: {  	_ =	shalt  }
0x79: {  	_ =	shalt  }
0x7a: {  	_ =	shalt  }
0x7b: {  	_ =	shalt  }
0x7c: {  	_ =	shalt  }
0x7d: {  	_ =	shalt  }
0x7e: {  	_ =	shalt  }
0x7f: {  	_ =	shalt  }
0x80: {  	_ =	shalt  }
0x81: {  	_ =	shalt  }
0x82: {  	_ =	shalt  }
0x83: {  	_ =	shalt  }
0x84: {  	_ =	shalt  }
0x85: {  	_ =	shalt  }
0x86: {  	_ =	shalt  }
0x87: {  	_ =	shalt  }
.Lfunc_end0:
.L_simem_size_0:
called_computation_lowered:
.L_overlay_start_0:
0x88: {  	s2 =	sld [smem:$0x3FD9]  }
0x89: {  	s3 =	sld [smem:$0x3FFE];
	_ =	sdelay $0x1  }
0x8a: {  	s1 =	srdreg.scid  }
0x8b: {  	s0 =	sand.u32 $0x1, s1  }
0x8c: {  	s17 =	sshll.u32 s0, $0xA;
	s2 =	sadd.s32 s3, s2  }
0x8d: {  	s2 =	sadd.s32 s2, s17  }
0x8e: {  	[smem:$0x3FBC] =	sst s2  }
0x8f: {  	_ = 	snop  }
0x90: {  	s2 =	sld [smem:$0x3FC9]  }
0x91: {  	s18 =	sld [smem:$0x3FC8]  }
0x92: {  	s4 =	sld [smem:$0x3FC7]  }
0x93: {  	s5 =	sld [smem:$0x3FC6]  }
0x94: {  	s6 =	sld [smem:$0x3FC5]  }
0x95: {  	s7 =	sld [smem:$0x3FD0];
	(tm) =	ssettm $0x1  }
0x96: {  	s8 =	sld [smem:$0x3FFB];
	_ =	sdelay $0x3  }
0x97: {  	_ =	strace s8  }
0x98: {  	s8 =	sld [smem:$0x3FFC];
	_ =	sdelay $0x3  }
0x99: {  	_ =	strace s8  }
0x9a: {  	s8 =	sld [smem:$0x3FFD];
	_ =	sdelay $0x3  }
0x9b: {  	_ =	strace s8  }
0x9c: {  	_ =	strace $0x8FFFFFFF  }
0x9d: {  	s19 =	sld [smem:$0x3FDB];
	_ =	sdelay $0x1  }
0x9e: {  	s9 =	simm.s32 $_scs_section_size  }
0x9f: {  	s10 =	simm.s32 $_size__tile_overlayer_lowered;
	s11 =	simm.s32 $_tile_overlayer_lowered  }
0xa0: {  	s22 =	simm.s32 $0x1BFF;
	s21 =	sshll.u32 s11, $0x1;
	s8 =	sadd.s32 s9, s19  }
0xa1: {  	s12 =	simm.s32 $0x0;
	s20 =	sshll.u32 s10, $0x1;
	s10 =	sadd.s32 s21, s8  }
0xa2: {  	[timem:s12], [sflag:s22] =	dma.local [hbm:s10], s20  }
0xa3: {  	_ =	swait.ge [sflag:s22], s20  }
0xa4: {  	s9 =	ssub.s32 $0x0, s20;
	[sflag:s22] =	ssyncset.done $0x0  }
0xa5: {  	[sflag:s22] =	ssyncadd.s32 s9;
	_ =	sdelay $0x1  }
0xa6: {  	s23 =	simm.s32 $0x1B8B  }
0xa7: {  	_ =	swait.ge [sflag:s23], $0x1  }
0xa8: {  	[sflag:s23] =	ssyncset.done $0x0  }
0xa9: {  	s25 =	simm.s32 $0x1B8E;
	s24 =	sld [smem:$0x3FFE];
	[sflag:s23] =	ssyncadd.s32 $0xFFFFFFFF  }
0xaa: {  	s26 =	simm.s32 $execute0_lowered;
	[smem:$0x3FD2] =	sst s25  }
0xab: {  	s10 =	sshll.u32 s26, $0x1;
	_ =	strace $0x80000046;
	[dreg:$0x1] =	wrdreg $0xFFFFFFFF  }
0xac: {  	s28 =	simm.s32 $_size_execute0_lowered;
	s8 =	sadd.s32 s8, s10;
	[dreg:$0x0] =	wrdreg $0x0  }
0xad: {  	s10 =	sshll.u32 s28, $0x1;
	[dreg:$0x2] =	wrdreg s8  }
0xae: {  	[dreg:$0x3] =	wrdreg s10  }
0xaf: {  	[dreg:$0x4] =	wrdreg $0xC0  }
0xb0: {  	_ =	task [dreg:s12], $0x5FFFF  }
0xb1: {  	[dreg:$0x1] =	wrdreg $0xFFFFFFFF  }
0xb2: {  	[dreg:$0x0] =	wrdreg $0x60  }
0xb3: {  	[dreg:$0x2] =	wrdreg s2  }
0xb4: {  	[dreg:$0x3] =	wrdreg s18  }
0xb5: {  	[dreg:$0x4] =	wrdreg s4  }
0xb6: {  	[dreg:$0x5] =	wrdreg s5  }
0xb7: {  	[dreg:$0x6] =	wrdreg s6  }
0xb8: {  	[dreg:$0x7] =	wrdreg s24  }
0xb9: {  	[dreg:$0x8] =	wrdreg s7  }
0xba: {  	[dreg:$0x9] =	wrdreg $0x9  }
0xbb: {  	_ =	task.clear_ibuf [dreg:s12], $0xAFFFF;
	_ =	strace $0x90000046  }
0xbc: {  	s29 =	simm.s32 $0x9;
	_ =	strace $0x80000048  }
0xbd: {  	_ =	swait.ge [sflag:s29], $0x1  }
0xbe: {  	[sflag:s29] =	ssyncadd.s32 $0xFFFFFFFF  }
0xbf: {  	_ =	strace $0x90000048  }
0xc0: {  	_ =	sfence  }
0xc1: {  	s30 =	sld [smem:$0x0];
	_ =	sdelay $0x2  }
0xc2: {  	s31 =	sshll.u32 s1, $0xD;
	s1 =	sshrl.u32 s1, $0x2  }
0xc3: {  	s3 =	sand.u32 $0x4000, s31;
	s1 =	sadd.s32 s1, s30  }
0xc4: {  	s0 =	sor.u32 s3, s0;
	s1 =	sshll.u32 s1, $0x11  }
0xc5: {  	s0 =	sor.u32 s1, s0  }
0xc6: {  	s0 =	sadd.s32 $0x8F2B, s0  }
0xc7: {  	[sflag:s0] =	ssyncadd.remote.s32 $0x1  }
0xc8: {  	_ =	sfence.sel $0xFFFF  }
0xc9: {  	[dreg:$0x0] =	wrdreg $0xFFFFFFFF;
	(pc) =	sbr.abs _section_cstart, $3  }
0xca: {  	[dreg:$0x1] =	wrdreg $0xFFFFFFFF  }
0xcb: {  	_ =	task.clear_ibuf [dreg:s12], $0x2FFFF;
	_ =	strace $0x9FFFFFFF  }
0xcc: {  	(tm) =	ssettm $0x7FFFFFFF  }
0xcd: {  	_ =	shalt  }
tec
execute0_lowered:
.L_overlay_start_1:
0x0: {  	(tag) =	ssettag $0x1  }
0x1: {  	s0 =	rddreg [dreg:$0x0]  }
0x2: {  	s1 =	rddreg [dreg:$0x1]  }
0x3: {  	s11 =	rddreg [dreg:$0x2]  }
0x4: {  	s12 =	rddreg [dreg:$0x3]  }
0x5: {  	s13 =	rddreg [dreg:$0x4];
	s2 =	srdreg.scid;
	v0 =	vlaneseq.u32  }
0x6: {  	s9 =	rddreg [dreg:$0x5];
	s8 =	sand.u32 $0x1, s2;
	s2 =	simm.s32 $0x0;
	v16 =	vmul.u32 $0x21, v0  }
0x7: {  	[smem:$0x7FF] =	sst s2  }
0x8: {  	s15 =	rddreg [dreg:$0x6];
	_ =	strace $0x80000047;
	v0 =	vadd.s32 $0x1, v16;
	[tilespmem:$0x1FF80] =	vst v16  }
0x9: {  	v62 =	vadd.s32 $0x1D, v16;
	[tilespmem:$0x1FE00] =	vst v0  }
0xa: {  	v61 =	vadd.s32 $0x2, v16;
	[tilespmem:$0x1FE10] =	vst v62  }
0xb: {  	v63 =	vadd.s32 $0x9, v16;
	[tilespmem:$0x1FE20] =	vst v61  }
0xc: {  	v59 =	vadd.s32 $0xB, v16;
	[tilespmem:$0x1FE30] =	vst v63  }
0xd: {  	v60 =	vadd.s32 $0xC, v16;
	[tilespmem:$0x1FE40] =	vst v59  }
0xe: {  	v52 =	vadd.s32 $0xE, v16;
	[tilespmem:$0x1FE50] =	vst v60  }
0xf: {  	v53 =	vadd.s32 $0xF, v16;
	[tilespmem:$0x1FE60] =	vst v52  }
0x10: {  	v56 =	vadd.s32 $0x10, v16;
	[tilespmem:$0x1FE70] =	vst v53  }
0x11: {  	v57 =	vadd.s32 $0x11, v16;
	[tilespmem:$0x1FE80] =	vst v56  }
0x12: {  	v54 =	vadd.s32 $0x1E, v16;
	[tilespmem:$0x1FE90] =	vst v57  }
0x13: {  	v55 =	vadd.s32 $0x1F, v16;
	[tilespmem:$0x1FEA0] =	vst v54  }
0x14: {  	v13 =	vadd.s32 $0x1C, v16;
	[tilespmem:$0x1FEB0] =	vst v55  }
0x15: {  	v30 =	vadd.s32 $0x1A, v16;
	[tilespmem:$0x1FEC0] =	vst v13  }
0x16: {  	v29 =	vadd.s32 $0x19, v16;
	[tilespmem:$0x1FED0] =	vst v30  }
0x17: {  	v31 =	vadd.s32 $0x1B, v16;
	[tilespmem:$0x1FEE0] =	vst v29  }
0x18: {  	v51 =	vadd.s32 $0x18, v16;
	[tilespmem:$0x1FEF0] =	vst v31  }
0x19: {  	v42 =	vadd.s32 $0x17, v16;
	[tilespmem:$0x1FF00] =	vst v51  }
0x1a: {  	v35 =	vadd.s32 $0x13, v16;
	[tilespmem:$0x1FF10] =	vst v42  }
0x1b: {  	v40 =	vadd.s32 $0x15, v16;
	[tilespmem:$0x1FF20] =	vst v35  }
0x1c: {  	v32 =	vadd.s32 $0x12, v16;
	[tilespmem:$0x1FF30] =	vst v40  }
0x1d: {  	s3 =	stileid.u32;
	v38 =	vadd.s32 $0x14, v16;
	[tilespmem:$0x1FF40] =	vst v32  }
0x1e: {  	s24 =	simm.s32 $0xE00;
	s31 =	simm.s32 $0x1;
	s19 =	simm.s32 $0x0;
	v41 =	vadd.s32 $0x16, v16;
	[tilespmem:$0x1FF50] =	vst v38  }
0x1f: {  	s3 =	sshll.u32 s3, $0xA;
	s5 =	sadd.s32 $0x1000, s9;
	s6 =	sadd.s32 $0x800, s9;
	v49 =	vadd.s32 $0xA, v16;
	[tilespmem:$0x1FF60] =	vst v41  }
0x20: {  	s7 =	sadd.s32 $0xA00, s9;
	s4 =	sshll.u32 s8, $0x9;
	s17 =	ssub.s32 $0x2, s8;
	v17 =	vadd.s32 $0x3, v16;
	[tilespmem:$0x1FF70] =	vst v49  }
0x21: {  	s8 =	sadd.s32 $0xC00, s9;
	s10 =	sor.u32 s4, s3;
	s3 =	sadd.s32 $0x600, s9;
	v23 =	vadd.s32 $0x4, v16;
	[tilespmem:$0x1FF90] =	vst v17  }
0x22: {  	s4 =	sadd.s32 $0xE00, s9;
	s30 =	sshrl.u32 s17, $0x1;
	v22 =	vadd.s32 $0x5, v16;
	s16 =	sshrl.u32 s10, $0x3;
	[tilespmem:$0x1FFA0] =	vst v23  }
0x23: {  	v24 =	vadd.s32 $0x6, v16;
	s10 =	sshll.u32 s10, $0x4;
	s17 =	ssub.s32 s17, s30;
	[tilespmem:$0x1FFB0] =	vst v22;
	s14 =	sadd.s32 s16, s9  }
0x24: {  	v25 =	vadd.s32 $0x7, v16;
	[tilespmem:$0x1FFC0] =	vst v24;
	s18 =	sadd.s32 s10, s9;
	s9 =	sadd.s32 s0, s16;
	s10 =	sadd.s32 s1, s16  }
0x25: {  	v50 =	vadd.s32 $0xD, v16;
	[tilespmem:$0x1FFD0] =	vst v25;
	s11 =	sadd.s32 s11, s16;
	s12 =	sadd.s32 s12, s16;
	s13 =	sadd.s32 s13, s16  }
0x26: {  	v28 =	vadd.s32 $0x8, v16;
	[tilespmem:$0x1FFE0] =	vst v50;
	s15 =	sadd.s32 s15, s16;
	s17 =	smax.u32 s17, $0x1;
	s1 =	simm.s32 $0x1100  }
0x27: {  	[tilespmem:$0x1FFF0] =	vst v28;
	s14 =	sadd.s32 $0x1200, s14;
	s16 =	sadd.s32 $0x1A00, s18;
	s18 =	simm.s32 $0x2  }
.LBB2_1:
0x28: {  	[tilespmem:s2], [sflag:$0x1] =	stream.linear.gather [hbm4b:s9+s2], $0x200, $0x38;
	[tilespmem:$0x15300] =	vst v63  }
0x29: {  	s0 =	simm.s32 $0x200  }
0x2a: {  	[tilespmem:s0], [sflag:$0x1] =	stream.linear.gather [hbm4b:s10+s2], $0x200, $0x38;
	[tilespmem:$0x15300] =	vst v63  }
0x2b: {  	s22 =	simm.s32 $0x400  }
0x2c: {  	[tilespmem:s22], [sflag:$0x1] =	stream.linear.gather [hbm4b:s11+s2], $0x200, $0x38;
	[tilespmem:$0x15300] =	vst v63  }
0x2d: {  	s23 =	simm.s32 $0x600  }
0x2e: {  	[tilespmem:s23], [sflag:$0x1] =	stream.linear.gather [hbm4b:s12+s2], $0x200, $0x38;
	[tilespmem:$0x15300] =	vst v63  }
0x2f: {  	s25 =	simm.s32 $0x800  }
0x30: {  	[tilespmem:s25], [sflag:$0x1] =	stream.linear.gather [hbm4b:s13+s2], $0x200, $0x38;
	[tilespmem:$0x15300] =	vst v63  }
0x31: {  	s26 =	simm.s32 $0xA00  }
0x32: {  	[tilespmem:s26], [sflag:$0x1] =	stream.linear.gather [hbm4b:s14+s2], $0x200, $0x38;
	[tilespmem:$0x15300] =	vst v63  }
0x33: {  	s20 =	simm.s32 $0xC00  }
0x34: {  	[tilespmem:s20], [sflag:$0x1] =	stream.linear.gather [hbm4b:s15+s2], $0x200, $0x38;
	[tilespmem:$0x15300] =	vst v63  }
0x35: {  	_ = 	snop  }
0x36: {  	[tilespmem:s24], [sflag:$0x1] =	stream.linear.gather [hbm4b:s3+s2], $0x14, $0x38;
	[tilespmem:$0x15300] =	vst v63  }
0x37: {  	s21 =	simm.s32 $0xE18  }
0x38: {  	[tilespmem:s21], [sflag:$0x1] =	stream.linear.gather [hbm4b:s4+s2], $0xD2, $0x38;
	[tilespmem:$0x15300] =	vst v63  }
0x39: {  	s22 =	simm.s32 $0xEF0  }
0x3a: {  	[tilespmem:s22], [sflag:$0x1] =	stream.linear.gather [hbm4b:s5+s2], $0x19A, $0x38;
	[tilespmem:$0x15300] =	vst v63  }
0x3b: {  	s23 =	simm.s32 $0x1090  }
0x3c: {  	[tilespmem:s23], [sflag:$0x1] =	stream.linear.gather [hbm4b:s6+s2], $0x2C, $0x38;
	[tilespmem:$0x15300] =	vst v63  }
0x3d: {  	s25 =	simm.s32 $0x10C0  }
0x3e: {  	[tilespmem:s25], [sflag:$0x1] =	stream.linear.gather [hbm4b:s7+s2], $0x16, $0x38;
	[tilespmem:$0x15300] =	vst v63  }
0x3f: {  	s26 =	simm.s32 $0x10D8  }
0x40: {  	[tilespmem:s26], [sflag:$0x1] =	stream.linear.gather [hbm4b:s8+s2], $0x14, $0x38;
	[tilespmem:$0x15300] =	vst v63  }
0x41: {  	v15 =	vld [tilespmem:$0x1FE00];
	_ =	swait.ge [sflag:s31], $0x200  }
0x42: {  	[sflag:s31] =	ssyncset.done $0x0  }
0x43: {  	[sflag:s31] =	ssyncadd.s32 $0xFFFFFE00  }
0x44: {  	_ =	swait.ge [sflag:s31], $0x200  }
0x45: {  	[sflag:s31] =	ssyncset.done $0x0  }
0x46: {  	[sflag:s31] =	ssyncadd.s32 $0xFFFFFE00  }
0x47: {  	_ =	swait.ge [sflag:s31], $0x200  }
0x48: {  	[sflag:s31] =	ssyncset.done $0x0  }
0x49: {  	[sflag:s31] =	ssyncadd.s32 $0xFFFFFE00  }
0x4a: {  	_ =	swait.ge [sflag:s31], $0x200  }
0x4b: {  	[sflag:s31] =	ssyncset.done $0x0  }
0x4c: {  	[sflag:s31] =	ssyncadd.s32 $0xFFFFFE00  }
0x4d: {  	_ =	swait.ge [sflag:s31], $0x200  }
0x4e: {  	[sflag:s31] =	ssyncset.done $0x0  }
0x4f: {  	[sflag:s31] =	ssyncadd.s32 $0xFFFFFE00  }
0x50: {  	_ =	swait.ge [sflag:s31], $0x200  }
0x51: {  	[sflag:s31] =	ssyncset.done $0x0  }
0x52: {  	[sflag:s31] =	ssyncadd.s32 $0xFFFFFE00  }
0x53: {  	_ =	swait.ge [sflag:s31], $0x200  }
0x54: {  	[sflag:s31] =	ssyncset.done $0x0  }
0x55: {  	[sflag:s31] =	ssyncadd.s32 $0xFFFFFE00  }
0x56: {  	_ =	swait.ge [sflag:s31], $0x14  }
0x57: {  	[sflag:s31] =	ssyncset.done $0x0  }
0x58: {  	[sflag:s31] =	ssyncadd.s32 $0xFFFFFFEC  }
0x59: {  	_ =	swait.ge [sflag:s31], $0xD2  }
0x5a: {  	[sflag:s31] =	ssyncset.done $0x0  }
0x5b: {  	[sflag:s31] =	ssyncadd.s32 $0xFFFFFF2E  }
0x5c: {  	_ =	swait.ge [sflag:s31], $0x19A  }
0x5d: {  	[sflag:s31] =	ssyncset.done $0x0  }
0x5e: {  	[sflag:s31] =	ssyncadd.s32 $0xFFFFFE66  }
0x5f: {  	_ =	swait.ge [sflag:s31], $0x2C  }
0x60: {  	[sflag:s31] =	ssyncset.done $0x0  }
0x61: {  	[sflag:s31] =	ssyncadd.s32 $0xFFFFFFD4  }
0x62: {  	_ =	swait.ge [sflag:s31], $0x16  }
0x63: {  	[sflag:s31] =	ssyncset.done $0x0  }
0x64: {  	[sflag:s31] =	ssyncadd.s32 $0xFFFFFFEA  }
0x65: {  	_ =	swait.ge [sflag:s31], $0x14  }
0x66: {  	[sflag:s31] =	ssyncset.done $0x0  }
0x67: {  	s20 =	simm.s32 $0x10;
	[sflag:s31] =	ssyncadd.s32 $0xFFFFFFEC  }
0x68: {  	v0 =	vld [tilespmem:s20+$0x0];
	_ =	sdelay $0x3  }
0x69: {  	s0 =	simm.s32 $0x210;
	s21 =	simm.s32 $0x10  }
0x6a: {  	v1 =	vmov s21;
	s23 =	simm.s32 $0x610;
	v2 =	vld [tilespmem:s0+$0x0];
	v0 =	vshll.u32 v0, $0x2  }
0x6b: {  	v1 =	vmul.u32 $0x21, v1;
	v5 =	vld [tilespmem:s23+$0x0];
	_ =	sdelay $0x1  }
0x6c: {  	v44 =	vbroadcast v1, $0x0;
	_ =	sdelay $0x1  }
0x6d: {  	s22 =	simm.s32 $0x410;
	v4 =	vadd.s32 v16, v44;
	v1 =	vld.idx.msk [tilespmem:v0+s24+$0x0], $0xffff  }
0x6e: {  	v3 =	vld [tilespmem:s22+$0x0];
	[tilespmem:$0x1F910] =	vst v5;
	v5 =	vor.u32 $0x1, v0  }
0x6f: {  	s25 =	simm.s32 $0x810  }
0x70: {  	s26 =	simm.s32 $0xA10;
	v19 =	vld [tilespmem:s25+$0x0]  }
0x71: {  	s28 =	simm.s32 $0xC10;
	v26 =	vld [tilespmem:s26+$0x0]  }
0x72: {  	v27 =	vld [tilespmem:s28+$0x0];
	[tilespmem:v4+s1+$0x0] =	vst.idx.msk $0xffff, v1  }
0x73: {  	v4 =	vadd.s32 v15, v44;
	v1 =	vld.idx.msk [tilespmem:v5+s24+$0x0], $0xffff  }
0x74: {  	v5 =	vor.u32 $0x2, v0;
	_ =	sdelay $0x3  }
0x75: {  	[tilespmem:v4+s1+$0x0] =	vst.idx.msk $0xffff, v1  }
0x76: {  	v4 =	vadd.s32 v61, v44;
	v1 =	vld.idx.msk [tilespmem:v5+s24+$0x0], $0xffff  }
0x77: {  	v6 =	vld [tilespmem:s20+$0xFFFFFFF0];
	v0 =	vor.u32 $0x3, v0;
	_ =	sdelay $0x3  }
0x78: {  	v8 =	vmul.u32 $0xA, v2;
	[tilespmem:v4+s1+$0x0] =	vst.idx.msk $0xffff, v1  }
0x79: {  	v2 =	vadd.s32 v17, v44;
	v6 =	vshll.u32 v6, $0x2;
	v1 =	vmov s2;
	v0 =	vld.idx.msk [tilespmem:v0+s24+$0x0], $0xffff  }
0x7a: {  	v5 =	vadd.s32 $0x18, v8;
	v1 =	vmul.u32 $0x21, v1;
	_ =	sdelay $0x1  }
0x7b: {  	v10 =	vld [tilespmem:s0+$0xFFFFFFF0];
	v4 =	vbroadcast v1, $0x0  }
0x7c: {  	v12 =	vld [tilespmem:s22+$0xFFFFFFF0]  }
0x7d: {  	v7 =	vld.idx.msk [tilespmem:v6+s24+$0x0], $0xffff;
	v1 =	vadd.s32 v16, v4;
	[tilespmem:v2+s1+$0x0] =	vst.idx.msk $0xffff, v0  }
0x7e: {  	v9 =	vadd.s32 v23, v44;
	v0 =	vor.u32 $0x1, v6;
	v2 =	vld.idx.msk [tilespmem:v5+s24+$0x0], $0xffff  }
0x7f: {  	v11 =	vadd.s32 $0x19, v8;
	v14 =	vld [tilespmem:s23+$0xFFFFFFF0]  }
0x80: {  	v39 =	vld [tilespmem:s25+$0xFFFFFFF0]  }
0x81: {  	v33 =	vld [tilespmem:s26+$0xFFFFFFF0]  }
0x82: {  	v5 =	vld [tilespmem:s28+$0xFFFFFFF0];
	[tilespmem:v1+s1+$0x0] =	vst.idx.msk $0xffff, v7  }
0x83: {  	v1 =	vadd.s32 v15, v4;
	v0 =	vld.idx.msk [tilespmem:v0+s24+$0x0], $0xffff;
	[tilespmem:v9+s1+$0x0] =	vst.idx.msk $0xffff, v2  }
0x84: {  	v2 =	vor.u32 $0x2, v6;
	v9 =	vadd.s32 v22, v44;
	v7 =	vld.idx.msk [tilespmem:v11+s24+$0x0], $0xffff  }
0x85: {  	v43 =	vadd.s32 $0x1A, v8;
	_ =	sdelay $0x2  }
0x86: {  	[tilespmem:v1+s1+$0x0] =	vst.idx.msk $0xffff, v0  }
0x87: {  	v0 =	vld.idx.msk [tilespmem:v2+s24+$0x0], $0xffff;
	v2 =	vadd.s32 v50, v4;
	[tilespmem:v9+s1+$0x0] =	vst.idx.msk $0xffff, v7  }
0x88: {  	v54 =	vadd.s32 v57, v4;
	v7 =	vld.idx.msk [tilespmem:v43+s24+$0x0], $0xffff;
	[tilespmem:$0x1F8F0] =	vst v2  }
0x89: {  	v55 =	vadd.s32 v32, v4;
	[tilespmem:$0x1F930] =	vst v54  }
0x8a: {  	v57 =	vadd.s32 v38, v4;
	[tilespmem:$0x1F950] =	vst v55  }
0x8b: {  	v58 =	vadd.s32 v40, v4;
	[tilespmem:$0x1F990] =	vst v57  }
0x8c: {  	v15 =	vadd.s32 v61, v4;
	v11 =	vadd.s32 v59, v4;
	v59 =	vadd.s32 v41, v4;
	[tilespmem:$0x1F9C0] =	vst v58  }
0x8d: {  	v2 =	vadd.s32 v52, v4;
	[tilespmem:$0x1F9F0] =	vst v59  }
0x8e: {  	v45 =	vmov v16;
	v36 =	vadd.s32 v25, v4;
	v43 =	vadd.s32 v56, v4;
	[tilespmem:$0x1F900] =	vst v2  }
0x8f: {  	v16 =	vmovc v13;
	v13 =	vmov v25;
	v25 =	vadd.s32 v24, v44;
	v56 =	vadd.s32 v35, v4;
	[tilespmem:$0x1F920] =	vst v43  }
0x90: {  	v18 =	vor.u32 $0x3, v6;
	[tilespmem:$0x1F970] =	vst v56  }
0x91: {  	v9 =	vmov v29;
	v29 =	vadd.s32 $0x1B, v8;
	[tilespmem:v15+s1+$0x0] =	vst.idx.msk $0xffff, v0;
	v0 =	vadd.s32 v42, v4  }
0x92: {  	[tilespmem:$0x1FA10] =	vst v0;
	v0 =	vadd.s32 v51, v4  }
0x93: {  	[tilespmem:$0x1FA50] =	vst v0  }
0x94: {  	v10 =	vmul.u32 $0xA, v10;
	v0 =	vadd.s32 v9, v4;
	[tilespmem:v25+s1+$0x0] =	vst.idx.msk $0xffff, v7  }
0x95: {  	v21 =	vadd.s32 v17, v4;
	v15 =	vld.idx.msk [tilespmem:v18+s24+$0x0], $0xffff;
	[tilespmem:$0x1FAA0] =	vst v0  }
0x96: {  	v1 =	vmov v30;
	v7 =	vadd.s32 $0x18, v10;
	v25 =	vld.idx.msk [tilespmem:v29+s24+$0x0], $0xffff;
	v29 =	vadd.s32 v13, v44  }
0x97: {  	v37 =	vadd.s32 v60, v4;
	v60 =	vadd.s32 $0x1C, v8;
	v2 =	vmovc v31;
	v0 =	vadd.s32 v1, v4  }
0x98: {  	[tilespmem:$0x1FAD0] =	vst v0;
	v0 =	vadd.s32 v2, v4  }
0x99: {  	v51 =	vmul.u32 $0xA, v12;
	[tilespmem:$0x1FB80] =	vst v0  }
0x9a: {  	[tilespmem:v21+s1+$0x0] =	vst.idx.msk $0xffff, v15  }
0x9b: {  	v0 =	vadd.s32 $0xF4, v51;
	v58 =	vld.idx.msk [tilespmem:v7+s24+$0x0], $0xffff;
	[tilespmem:v29+s1+$0x0] =	vst.idx.msk $0xffff, v25  }
0x9c: {  	v62 =	vmov v50;
	v50 =	vld.idx.msk [tilespmem:v60+s24+$0x0], $0xffff;
	[tilespmem:$0x1F940] =	vst v0;
	v0 =	vadd.s32 $0xF5, v51  }
0x9d: {  	v46 =	vadd.s32 v23, v4;
	[tilespmem:$0x1F960] =	vst v0;
	v0 =	vadd.s32 $0xF6, v51  }
0x9e: {  	v52 =	vadd.s32 $0x19, v10;
	v59 =	vadd.s32 v28, v44;
	[tilespmem:$0x1F980] =	vst v0;
	v0 =	vadd.s32 $0xF7, v51  }
0x9f: {  	vm0 =	vgt.s32 v39, $0x11;
	v60 =	vadd.s32 $0x1D, v8;
	[tilespmem:$0x1F9A0] =	vst v0;
	v0 =	vadd.s32 $0xF8, v51  }
0xa0: {  	vm1 =	vgt.s32 v39, $0x18;
	v47 =	vadd.s32 v22, v4;
	[tilespmem:$0x1F9E0] =	vst v0;
	v0 =	vadd.s32 $0xF9, v51  }
0xa1: {  	v48 =	vadd.s32 v24, v4;
	v54 =	vadd.s32 $0x1A, v10;
	v43 =	vmovc v9;
	v9 =	vimm.s32 $0x0;
	[tilespmem:$0x1FA00] =	vst v0  }
0xa2: {  	v12 =	vshll.u32 v14, $0x2;
	v14 =	vsel vm0, $0x1, v9;
	v61 =	vsel vm1, $0x1, v9;
	[tilespmem:v46+s1+$0x0] =	vst.idx.msk $0xffff, v58  }
0xa3: {  	vm0 =	vgt.s32 v39, $0x1D;
	vm1 =	vgt.s32 v39, $0x22;
	v14 =	vadd.s32 v61, v14;
	[tilespmem:v59+s1+$0x0] =	vst.idx.msk $0xffff, v50;
	v46 =	vld.idx.msk [tilespmem:v52+s24+$0x0], $0xffff  }
0xa4: {  	v61 =	vsel vm1, $0x1, v9;
	v50 =	vsel vm0, $0x1, v9;
	v58 =	vadd.s32 v63, v44;
	v52 =	vld.idx.msk [tilespmem:v60+s24+$0x0], $0xffff  }
0xa5: {  	v21 =	vmovc v40;
	v40 =	vadd.s32 $0xF0, v51;
	v14 =	vadd.s32 v50, v14;
	v50 =	vadd.s32 $0x1E, v8  }
0xa6: {  	v15 =	vadd.s32 $0xF1, v51;
	v25 =	vadd.s32 $0xF2, v51;
	vm0 =	vgt.s32 v39, $0x27  }
0xa7: {  	v14 =	vadd.s32 v61, v14;
	v61 =	vsel vm0, $0x1, v9;
	vm0 =	vgt.s32 v39, $0x2C  }
0xa8: {  	v29 =	vadd.s32 $0xF3, v51;
	v14 =	vadd.s32 v61, v14;
	v51 =	vsel vm0, $0x1, v9;
	[tilespmem:v47+s1+$0x0] =	vst.idx.msk $0xffff, v46  }
0xa9: {  	v6 =	vmov v22;
	v22 =	vmov v49;
	v14 =	vadd.s32 v51, v14;
	[tilespmem:v58+s1+$0x0] =	vst.idx.msk $0xffff, v52;
	v51 =	vld.idx.msk [tilespmem:v54+s24+$0x0], $0xffff  }
0xaa: {  	v47 =	vld.idx.msk [tilespmem:v50+s24+$0x0], $0xffff;
	v50 =	vadd.s32 v22, v44;
	_ =	sdelay $0x3  }
0xab: {  	[tilespmem:v48+s1+$0x0] =	vst.idx.msk $0xffff, v51  }
0xac: {  	v30 =	vadd.s32 v63, v4;
	v55 =	vadd.s32 $0x1B, v10;
	vm0 =	vgt.s32 v39, $0x31;
	[tilespmem:v50+s1+$0x0] =	vst.idx.msk $0xffff, v47  }
0xad: {  	v59 =	vadd.f32 $-3.668147660e+01, v33;
	v63 =	vsel vm0, $0x1, v9;
	v58 =	vadd.s32 $0x1F, v8;
	v0 =	vld [tilespmem:$0x1FE40]  }
0xae: {  	v60 =	vadd.f32 $8.289102940e+01, v5;
	vm0 =	vgt.s32 v39, $0x36;
	v14 =	vadd.s32 v63, v14  }
0xaf: {  	v52 =	vsel vm0, $0x1, v9;
	vm0 =	vgt.s32 v39, $0x3B;
	v54 =	vmul.f32 v59, v59  }
0xb0: {  	v59 =	vmul.f32 v60, v60;
	v14 =	vadd.s32 v52, v14;
	v52 =	vsel vm0, $0x1, v9  }
0xb1: {  	v14 =	vadd.s32 v52, v14;
	v52 =	vld.idx.msk [tilespmem:v55+s24+$0x0], $0xffff  }
0xb2: {  	v48 =	vadd.f32 v59, v54;
	v50 =	vld.idx.msk [tilespmem:v58+s24+$0x0], $0xffff;
	v54 =	vadd.s32 v0, v44;
	_ =	sdelay $0x1  }
0xb3: {  	v61 =	vadd.f32 $-2.322243310e+01, v33  }
0xb4: {  	v46 =	vadd.f32 $-7.823027800e+01, v5  }
0xb5: {  	v56 =	vadd.s32 $0x1C, v10;
	v60 =	vmul.f32 v61, v61;
	[tilespmem:v36+s1+$0x0] =	vst.idx.msk $0xffff, v52  }
0xb6: {  	v61 =	vadd.f32 $-5.004997630e+01, v33;
	vm0 =	vgt.s32 v39, $0x40;
	v46 =	vmul.f32 v46, v46;
	[tilespmem:v54+s1+$0x0] =	vst.idx.msk $0xffff, v50  }
0xb7: {  	v39 =	vadd.f32 $-2.237931340e-01, v5;
	v63 =	vsel vm0, $0x1, v9;
	v58 =	vadd.s32 $0x20, v8;
	v0 =	vld [tilespmem:$0x1FE50]  }
0xb8: {  	v14 =	vadd.s32 v63, v14;
	v63 =	vadd.f32 $1.170074160e+02, v5;
	v46 =	vadd.f32 v46, v60  }
0xb9: {  	v39 =	vmul.f32 v39, v39;
	v47 =	vmul.f32 v61, v61;
	v61 =	vadd.f32 $-3.793094640e+01, v33  }
0xba: {  	v34 =	vadd.s32 v28, v4;
	v51 =	vmul.f32 v63, v63;
	vm1 =	vlt.f32 v46, v48  }
0xbb: {  	v39 =	vadd.f32 v39, v47;
	v61 =	vmul.f32 v61, v61;
	v46 =	vsel vm1, v46, v48;
	v48 =	vld.idx.msk [tilespmem:v56+s24+$0x0], $0xffff  }
0xbc: {  	v60 =	vadd.f32 $3.279586410e+01, v33;
	v52 =	vld.idx.msk [tilespmem:v58+s24+$0x0], $0xffff;
	v54 =	vadd.s32 v0, v44  }
0xbd: {  	v63 =	vadd.f32 $-1.487159120e+02, v5;
	vm0 =	vlt.f32 v39, v46;
	v47 =	vadd.f32 v51, v61  }
0xbe: {  	v61 =	vadd.f32 $5.428025440e+01, v5;
	v36 =	vmul.f32 v60, v60;
	v60 =	vadd.f32 $1.857054900e+01, v33  }
0xbf: {  	v39 =	vsel vm0, v39, v46;
	v50 =	vmul.f32 v63, v63  }
0xc0: {  	s23 =	simm.s32 $0x30;
	v46 =	vmul.f32 v61, v61;
	v61 =	vadd.f32 $-1.163874050e+02, v5;
	v60 =	vmul.f32 v60, v60;
	[tilespmem:v34+s1+$0x0] =	vst.idx.msk $0xffff, v48  }
0xc1: {  	v57 =	vadd.s32 $0x1D, v10;
	v55 =	vld [tilespmem:s23+$0x0];
	v36 =	vadd.f32 v50, v36;
	v0 =	vimm.s32 $0x2DC;
	[tilespmem:v54+s1+$0x0] =	vst.idx.msk $0xffff, v52  }
0xc2: {  	v50 =	vadd.f32 v46, v60;
	v60 =	vmul.f32 v61, v61;
	v61 =	vsel vm1, $0x2DE, v0;
	v0 =	vld [tilespmem:$0x1FE60];
	_ =	sdelay $0x2  }
0xc3: {  	v8 =	vadd.s32 $0x21, v8;
	v56 =	vld [tilespmem:s23+$0xFFFFFFF0];
	v63 =	vadd.f32 $-1.392114070e+01, v33  }
0xc4: {  	s22 =	simm.s32 $0x630;
	vm2 =	vlt.f32 v47, v39;
	v48 =	vld.idx.msk [tilespmem:v57+s24+$0x0], $0xffff  }
0xc5: {  	s20 =	simm.s32 $0x230;
	v51 =	vshll.u32 v55, $0x2;
	v63 =	vmul.f32 v63, v63;
	v58 =	vadd.s32 v0, v44;
	v0 =	vld [tilespmem:s22+$0x0]  }
0xc6: {  	s26 =	simm.s32 $0x830;
	v39 =	vsel vm2, v47, v39;
	v57 =	vld [tilespmem:s20+$0x0]  }
0xc7: {  	s25 =	simm.s32 $0x30;
	vm3 =	vlt.f32 v36, v39;
	v47 =	vadd.f32 v60, v63;
	v60 =	vld [tilespmem:s26+$0xFFFFFFF0]  }
0xc8: {  	s21 =	simm.s32 $0x430;
	v46 =	vmul.u32 $0xA, v3;
	v3 =	vsel vm3, v36, v39;
	v52 =	vld.idx.msk [tilespmem:v8+s24+$0x0], $0xffff;
	v8 =	vmov s25  }
0xc9: {  	v39 =	vld [tilespmem:s21+$0x0];
	vm4 =	vlt.f32 v50, v3;
	v8 =	vmul.u32 $0x21, v8  }
0xca: {  	v3 =	vsel vm4, v50, v3;
	v50 =	vld.idx.msk [tilespmem:v51+s24+$0x0], $0xffff;
	[tilespmem:$0x1FA60] =	vst v0  }
0xcb: {  	v34 =	vbroadcast v8, $0x0;
	v0 =	vld [tilespmem:s26+$0x0]  }
0xcc: {  	v5 =	vadd.f32 $-4.027951430e+01, v5;
	v33 =	vadd.f32 $-2.978951070e+01, v33  }
0xcd: {  	v20 =	vadd.s32 v49, v4;
	v59 =	vadd.s32 v45, v34  }
0xce: {  	v5 =	vmul.f32 v5, v5;
	v33 =	vmul.f32 v33, v33;
	vm1 =	vlt.f32 v47, v3  }
0xcf: {  	s0 =	simm.s32 $0x20;
	v31 =	vadd.s32 v53, v4;
	v36 =	vsel vm0, $0x2E0, v61;
	v3 =	vsel vm1, v47, v3  }
0xd0: {  	v53 =	vmovc v1;
	v47 =	vadd.f32 v5, v33;
	v33 =	vmov s0;
	v1 =	vld [tilespmem:$0x1FE70];
	v8 =	vsel vm2, $0x2E2, v36;
	s26 =	simm.s32 $0xA30;
	[tilespmem:$0x1FA90] =	vst v0  }
0xd1: {  	v49 =	vadd.s32 $0x1F, v10;
	s0 =	simm.s32 $0xC30;
	v36 =	vsel vm3, $0x2E4, v8;
	v0 =	vmul.u32 $0x21, v33;
	v33 =	vld [tilespmem:s26+$0x0]  }
0xd2: {  	v41 =	vadd.s32 $0x21, v10;
	v54 =	vadd.s32 v62, v44;
	v63 =	vsel vm4, $0x2E6, v36;
	v36 =	vld [tilespmem:s0+$0x0];
	[tilespmem:v59+s1+$0x0] =	vst.idx.msk $0xffff, v50  }
0xd3: {  	v42 =	vadd.s32 $0x1E, v10;
	v18 =	vadd.s32 $0x20, v10;
	v10 =	vmovc v62;
	v62 =	vor.u32 $0x1, v51;
	v7 =	vld [tilespmem:$0x1FE00];
	_ =	sdelay $0x3  }
0xd4: {  	v55 =	vadd.s32 $0xF0, v46;
	[tilespmem:v54+s1+$0x0] =	vst.idx.msk $0xffff, v52  }
0xd5: {  	vm4 =	vlt.f32 v47, v3;
	v47 =	vld.idx.msk [tilespmem:v62+s24+$0x0], $0xffff;
	[tilespmem:v30+s1+$0x0] =	vst.idx.msk $0xffff, v48;
	v50 =	vadd.s32 v7, v34  }
0xd6: {  	v7 =	vld [tilespmem:$0x1FE80]  }
0xd7: {  	vm0 =	vgt.s32 v60, $0x11;
	vm2 =	vgt.s32 v60, $0x18  }
0xd8: {  	vm3 =	vgt.s32 v60, $0x1D;
	v52 =	vsel vm0, $0x1, v9;
	v62 =	vsel vm2, $0x1, v9  }
0xd9: {  	vm0 =	vgt.s32 v60, $0x22;
	v30 =	vld.idx.msk [tilespmem:v55+s24+$0x0], $0xffff;
	v48 =	vadd.s32 v62, v52;
	v62 =	vsel vm3, $0x1, v9  }
0xda: {  	v54 =	vld.idx.msk [tilespmem:v42+s24+$0x0], $0xffff;
	v55 =	vsel vm0, $0x1, v9;
	v52 =	vadd.s32 v62, v48;
	[tilespmem:v50+s1+$0x0] =	vst.idx.msk $0xffff, v47  }
0xdb: {  	v59 =	vor.u32 $0x2, v51;
	v42 =	vadd.s32 v55, v52;
	v52 =	vadd.s32 v7, v44;
	v7 =	vld [tilespmem:$0x1FE20];
	_ =	sdelay $0x1  }
0xdc: {  	v61 =	vadd.s32 $0xF1, v46;
	_ =	sdelay $0x1  }
0xdd: {  	vm0 =	vgt.s32 v60, $0x27;
	v48 =	vld [tilespmem:s26+$0xFFFFFFF0]  }
0xde: {  	v62 =	vsel vm0, $0x1, v9;
	v55 =	vld.idx.msk [tilespmem:v59+s24+$0x0], $0xffff;
	v59 =	vadd.s32 v7, v34  }
0xdf: {  	v51 =	vor.u32 $0x3, v51;
	v50 =	vadd.s32 v62, v42;
	v42 =	vld [tilespmem:s0+$0xFFFFFFF0];
	[tilespmem:v58+s1+$0x0] =	vst.idx.msk $0xffff, v30  }
0xe0: {  	v1 =	vadd.s32 v1, v44;
	vm0 =	vgt.s32 v60, $0x2C;
	v47 =	vmul.u32 $0xA, v57;
	v57 =	vld.idx.msk [tilespmem:v61+s24+$0x0], $0xffff  }
0xe1: {  	v3 =	vbroadcast v0, $0x0;
	v0 =	vadd.s32 $0xF2, v46;
	v62 =	vsel vm0, $0x1, v9  }
0xe2: {  	v56 =	vshll.u32 v56, $0x2;
	vm2 =	vgt.s32 v60, $0x31;
	v30 =	vadd.s32 v62, v50;
	[tilespmem:v20+s1+$0x0] =	vst.idx.msk $0xffff, v54  }
0xe3: {  	vm0 =	vgt.s32 v60, $0x36;
	v62 =	vsel vm2, $0x1, v9;
	v50 =	vadd.s32 v17, v34;
	v49 =	vld.idx.msk [tilespmem:v49+s24+$0x0], $0xffff;
	[tilespmem:v59+s1+$0x0] =	vst.idx.msk $0xffff, v55  }
0xe4: {  	v5 =	vmovc v17;
	vm2 =	vgt.s32 v60, $0x3B;
	v17 =	vsel vm0, $0x1, v9;
	v30 =	vadd.s32 v62, v30;
	v51 =	vld.idx.msk [tilespmem:v51+s24+$0x0], $0xffff  }
0xe5: {  	v58 =	vadd.f32 $-3.668147660e+01, v48;
	v20 =	vadd.s32 v17, v30;
	v30 =	vadd.f32 $8.289102940e+01, v42;
	[tilespmem:v1+s1+$0x0] =	vst.idx.msk $0xffff, v57  }
0xe6: {  	vm0 =	vgt.s32 v60, $0x40;
	v61 =	vadd.f32 $-2.322243310e+01, v48;
	v17 =	vsel vm2, $0x1, v9;
	v0 =	vld.idx.msk [tilespmem:v0+s24+$0x0], $0xffff  }
0xe7: {  	v58 =	vmul.f32 v58, v58;
	v20 =	vadd.s32 v17, v20;
	v30 =	vmul.f32 v30, v30  }
0xe8: {  	v54 =	vmul.f32 v61, v61;
	v61 =	vld.idx.msk [tilespmem:v56+s24+$0x0], $0xffff;
	v62 =	vadd.f32 $-7.823027800e+01, v42;
	[tilespmem:v11+s1+$0x0] =	vst.idx.msk $0xffff, v49;
	v11 =	vsel vm0, $0x1, v9  }
0xe9: {  	v7 =	vadd.s32 v11, v20;
	v58 =	vadd.f32 v30, v58;
	v30 =	vld [tilespmem:s21+$0xFFFFFFF0];
	[tilespmem:v50+s1+$0x0] =	vst.idx.msk $0xffff, v51  }
0xea: {  	v59 =	vmul.f32 v62, v62;
	v62 =	vld [tilespmem:s20+$0xFFFFFFF0];
	[tilespmem:$0x1FB10] =	vst v7  }
0xeb: {  	v55 =	vadd.s32 $0x18, v47;
	[tilespmem:v52+s1+$0x0] =	vst.idx.msk $0xffff, v0;
	v0 =	vld [tilespmem:s22+$0xFFFFFFF0]  }
0xec: {  	v60 =	vadd.s32 v45, v3;
	_ =	sdelay $0x3  }
0xed: {  	v17 =	vadd.f32 $-2.237931340e-01, v42;
	v55 =	vld.idx.msk [tilespmem:v55+s24+$0x0], $0xffff;
	[tilespmem:$0x1FA40] =	vst v0  }
0xee: {  	[tilespmem:v60+s1+$0x0] =	vst.idx.msk $0xffff, v61  }
0xef: {  	v57 =	vmul.f32 v17, v17;
	v17 =	vadd.f32 $1.170074160e+02, v42;
	v7 =	vld [tilespmem:$0x1FE00]  }
0xf0: {  	v49 =	vadd.f32 v59, v54;
	v54 =	vadd.f32 $-3.793094640e+01, v48  }
0xf1: {  	v1 =	vadd.f32 $-5.004997630e+01, v48  }
0xf2: {  	v50 =	vmul.f32 v17, v17;
	v0 =	vmul.f32 v54, v54  }
0xf3: {  	v1 =	vmul.f32 v1, v1  }
0xf4: {  	v51 =	vadd.s32 $0xF3, v46;
	v0 =	vadd.f32 v50, v0;
	v50 =	vadd.s32 v7, v3;
	v7 =	vld [tilespmem:$0x1FE90]  }
0xf5: {  	v1 =	vadd.f32 v57, v1;
	v57 =	vadd.s32 v23, v34  }
0xf6: {  	v2 =	vor.u32 $0x1, v56;
	vm2 =	vlt.f32 v49, v58  }
0xf7: {  	v49 =	vsel vm2, v49, v58;
	v17 =	vadd.f32 $3.279586410e+01, v48;
	v54 =	vadd.s32 $0x19, v47  }
0xf8: {  	v11 =	vmov v6;
	vm3 =	vlt.f32 v1, v49;
	v60 =	vadd.f32 $-1.487159120e+02, v42;
	v59 =	vld.idx.msk [tilespmem:v18+s24+$0x0], $0xffff  }
0xf9: {  	v1 =	vsel vm3, v1, v49;
	v52 =	vmul.f32 v17, v17;
	v51 =	vld.idx.msk [tilespmem:v51+s24+$0x0], $0xffff;
	v58 =	vadd.s32 v7, v44  }
0xfa: {  	v61 =	vmul.f32 v60, v60;
	vm0 =	vlt.f32 v0, v1;
	[tilespmem:v57+s1+$0x0] =	vst.idx.msk $0xffff, v55;
	v55 =	vadd.s32 $0xF4, v46  }
0xfb: {  	v2 =	vld.idx.msk [tilespmem:v2+s24+$0x0], $0xffff;
	v0 =	vsel vm0, v0, v1;
	v1 =	vadd.s32 v6, v34;
	v6 =	vadd.s32 v16, v4  }
0xfc: {  	v60 =	vadd.f32 $1.857054900e+01, v48;
	v54 =	vld.idx.msk [tilespmem:v54+s24+$0x0], $0xffff;
	[tilespmem:$0x1FC30] =	vst v6  }
0xfd: {  	v52 =	vadd.f32 v61, v52;
	v61 =	vadd.f32 $5.428025440e+01, v42;
	[tilespmem:v37+s1+$0x0] =	vst.idx.msk $0xffff, v59  }
0xfe: {  	v32 =	vadd.s32 v32, v44;
	v57 =	vsel vm1, $0x2E8, v63;
	v63 =	vadd.f32 $8.289102940e+01, v27;
	v7 =	vld [tilespmem:$0x1FE20];
	[tilespmem:v58+s1+$0x0] =	vst.idx.msk $0xffff, v51  }
0xff: {  	v49 =	vmul.f32 v60, v60;
	v18 =	vmul.f32 v61, v61;
	v59 =	vor.u32 $0x2, v56;
	v55 =	vld.idx.msk [tilespmem:v55+s24+$0x0], $0xffff  }
0x100: {  	vm1 =	vlt.f32 v52, v0;
	v37 =	vadd.s32 $0x1A, v47;
	v16 =	vmul.f32 v63, v63;
	[tilespmem:v50+s1+$0x0] =	vst.idx.msk $0xffff, v2  }
0x101: {  	v2 =	vadd.f32 $-3.668147660e+01, v26;
	v50 =	vadd.s32 v5, v3;
	[tilespmem:v1+s1+$0x0] =	vst.idx.msk $0xffff, v54;
	v1 =	vadd.f32 $-7.823027800e+01, v27  }
0x102: {  	v5 =	vsel vm4, $0x2EA, v57;
	v51 =	vsel vm1, v52, v0;
	v0 =	vadd.f32 $-2.322243310e+01, v26  }
0x103: {  	v41 =	vld.idx.msk [tilespmem:v41+s24+$0x0], $0xffff;
	v2 =	vmul.f32 v2, v2;
	v1 =	vmul.f32 v1, v1;
	[tilespmem:$0x1FCC0] =	vst v5  }
0x104: {  	v17 =	vld.idx.msk [tilespmem:v59+s24+$0x0], $0xffff;
	v0 =	vmul.f32 v0, v0;
	[tilespmem:v32+s1+$0x0] =	vst.idx.msk $0xffff, v55;
	v55 =	vadd.s32 $0xF5, v46  }
0x105: {  	v49 =	vadd.f32 v18, v49;
	v61 =	vadd.s32 v7, v3;
	v5 =	vld [tilespmem:$0x1F8F0]  }
0x106: {  	v2 =	vadd.f32 v16, v2;
	v0 =	vadd.f32 v1, v0  }
0x107: {  	v18 =	vadd.f32 $-5.004997630e+01, v26;
	v52 =	vadd.s32 v24, v34;
	v57 =	vld.idx.msk [tilespmem:v37+s24+$0x0], $0xffff;
	v1 =	vadd.f32 $-2.237931340e-01, v27  }
0x108: {  	v60 =	vadd.s32 v35, v44;
	v56 =	vor.u32 $0x3, v56;
	vm4 =	vlt.f32 v0, v2  }
0x109: {  	v32 =	vmul.f32 v18, v18;
	v1 =	vmul.f32 v1, v1;
	v0 =	vsel vm4, v0, v2;
	v2 =	vld.idx.msk [tilespmem:v55+s24+$0x0], $0xffff  }
0x10a: {  	v16 =	vadd.f32 $-3.793094640e+01, v26;
	[tilespmem:v61+s1+$0x0] =	vst.idx.msk $0xffff, v17;
	v17 =	vadd.f32 $1.170074160e+02, v27  }
0x10b: {  	v6 =	vadd.s32 $0x1B, v47;
	v1 =	vadd.f32 v1, v32  }
0x10c: {  	v54 =	vmul.f32 v16, v16;
	[tilespmem:v52+s1+$0x0] =	vst.idx.msk $0xffff, v57;
	v32 =	vadd.s32 $0xF6, v46;
	v35 =	vmul.f32 v17, v17  }
0x10d: {  	vm5 =	vlt.f32 v1, v0;
	[tilespmem:v5+s1+$0x0] =	vst.idx.msk $0xffff, v41  }
0x10e: {  	v54 =	vadd.f32 v35, v54;
	v0 =	vsel vm5, v1, v0;
	v1 =	vld.idx.msk [tilespmem:v56+s24+$0x0], $0xffff;
	[tilespmem:v60+s1+$0x0] =	vst.idx.msk $0xffff, v2  }
0x10f: {  	v37 =	vadd.f32 $3.279586410e+01, v26;
	v5 =	vld [tilespmem:$0x1F900]  }
0x110: {  	v18 =	vadd.f32 $-1.487159120e+02, v27;
	v61 =	vadd.s32 v13, v34;
	v6 =	vld.idx.msk [tilespmem:v6+s24+$0x0], $0xffff;
	vm6 =	vlt.f32 v54, v0  }
0x111: {  	v0 =	vsel vm6, v54, v0;
	v54 =	vld.idx.msk [tilespmem:v32+s24+$0x0], $0xffff;
	v32 =	vadd.s32 v38, v44  }
0x112: {  	v52 =	vmul.f32 v18, v18;
	v41 =	vmul.f32 v37, v37;
	v40 =	vld.idx.msk [tilespmem:v40+s24+$0x0], $0xffff;
	v2 =	vadd.s32 $0x1C, v47  }
0x113: {  	v16 =	vadd.f32 $5.428025440e+01, v27;
	v37 =	vadd.f32 $1.857054900e+01, v26  }
0x114: {  	v56 =	vadd.f32 v52, v41;
	v41 =	vmul.u32 $0xA, v62;
	[tilespmem:v50+s1+$0x0] =	vst.idx.msk $0xffff, v1  }
0x115: {  	v17 =	vmul.f32 v16, v16;
	v52 =	vmul.f32 v37, v37;
	[tilespmem:v61+s1+$0x0] =	vst.idx.msk $0xffff, v6  }
0x116: {  	v62 =	vadd.s32 v13, v3;
	v13 =	vadd.s32 $0x18, v41;
	[tilespmem:v32+s1+$0x0] =	vst.idx.msk $0xffff, v54  }
0x117: {  	v1 =	vadd.f32 v17, v52;
	v17 =	vadd.s32 v28, v34;
	v2 =	vld.idx.msk [tilespmem:v2+s24+$0x0], $0xffff;
	[tilespmem:v5+s1+$0x0] =	vst.idx.msk $0xffff, v40  }
0x118: {  	v7 =	vld [tilespmem:$0x1FE30]  }
0x119: {  	v6 =	vadd.s32 $0xF7, v46;
	_ =	sdelay $0x1  }
0x11a: {  	v63 =	vadd.f32 $-1.163874050e+02, v27;
	v27 =	vadd.f32 $-4.027951430e+01, v27;
	v50 =	vld.idx.msk [tilespmem:v13+s24+$0x0], $0xffff  }
0x11b: {  	v18 =	vadd.s32 $0x1D, v47;
	v35 =	vadd.f32 $-1.392114070e+01, v26;
	v26 =	vadd.f32 $-2.978951070e+01, v26;
	v32 =	vld.idx.msk [tilespmem:v15+s24+$0x0], $0xffff;
	[tilespmem:v17+s1+$0x0] =	vst.idx.msk $0xffff, v2  }
0x11c: {  	v59 =	vadd.s32 v23, v3;
	v27 =	vmul.f32 v27, v27;
	v40 =	vadd.s32 v7, v3;
	v7 =	vld [tilespmem:$0x1FE30]  }
0x11d: {  	v37 =	vmul.f32 v35, v35;
	v26 =	vmul.f32 v26, v26;
	v35 =	vadd.s32 v21, v44;
	v6 =	vld.idx.msk [tilespmem:v6+s24+$0x0], $0xffff  }
0x11e: {  	vm7 =	vlt.f32 v56, v0  }
0x11f: {  	v16 =	vmul.f32 v63, v63;
	v0 =	vsel vm7, v56, v0;
	v56 =	vadd.f32 v27, v26  }
0x120: {  	v60 =	vadd.s32 $0xF9, v46;
	v27 =	vadd.s32 $0xF8, v46;
	vm8 =	vlt.f32 v1, v0;
	v46 =	vld.idx.msk [tilespmem:v18+s24+$0x0], $0xffff;
	[tilespmem:v31+s1+$0x0] =	vst.idx.msk $0xffff, v32  }
0x121: {  	v0 =	vsel vm8, v1, v0;
	v1 =	vadd.s32 $0x19, v41;
	v63 =	vadd.s32 v7, v34;
	v7 =	vld [tilespmem:$0x1F910];
	[tilespmem:v59+s1+$0x0] =	vst.idx.msk $0xffff, v50  }
0x122: {  	[tilespmem:v35+s1+$0x0] =	vst.idx.msk $0xffff, v6  }
0x123: {  	v18 =	vld [tilespmem:$0x1FF60]  }
0x124: {  	v23 =	vadd.s32 $0x1E, v47  }
0x125: {  	v54 =	vadd.f32 v16, v37  }
0x126: {  	v15 =	vld.idx.msk [tilespmem:v1+s24+$0x0], $0xffff;
	[tilespmem:v63+s1+$0x0] =	vst.idx.msk $0xffff, v46  }
0x127: {  	vm9 =	vgt.s32 v19, $0x36;
	v57 =	vadd.s32 v11, v3;
	vm10 =	vlt.f32 v54, v0;
	v1 =	vld [tilespmem:$0x1F920]  }
0x128: {  	v0 =	vsel vm10, v54, v0;
	v26 =	vshll.u32 v7, $0x2;
	v63 =	vld.idx.msk [tilespmem:v27+s24+$0x0], $0xffff;
	v55 =	vadd.s32 v18, v44  }
0x129: {  	v7 =	vsel vm9, $0x1, v9;
	vm9 =	vlt.f32 v56, v0;
	v0 =	vadd.s32 v22, v34;
	v54 =	vld.idx.msk [tilespmem:v23+s24+$0x0], $0xffff  }
0x12a: {  	v6 =	vld.idx.msk [tilespmem:v25+s24+$0x0], $0xffff;
	_ =	sdelay $0x1  }
0x12b: {  	[tilespmem:v57+s1+$0x0] =	vst.idx.msk $0xffff, v15  }
0x12c: {  	[tilespmem:v55+s1+$0x0] =	vst.idx.msk $0xffff, v63  }
0x12d: {  	[tilespmem:v0+s1+$0x0] =	vst.idx.msk $0xffff, v54;
	v0 =	vadd.f32 $-1.163874050e+02, v42  }
0x12e: {  	[tilespmem:v1+s1+$0x0] =	vst.idx.msk $0xffff, v6  }
0x12f: {  	v56 =	vadd.f32 $-2.978951070e+01, v48;
	v63 =	vadd.f32 $-1.392114070e+01, v48;
	v48 =	vmul.f32 v0, v0;
	v0 =	vld [tilespmem:$0x1FE40];
	_ =	sdelay $0x2  }
0x130: {  	vm12 =	vgt.s32 v19, $0x11;
	vm13 =	vgt.s32 v19, $0x18  }
0x131: {  	v2 =	vadd.s32 $0x1A, v41;
	v46 =	vsel vm12, $0x1, v9;
	v23 =	vsel vm13, $0x1, v9  }
0x132: {  	v15 =	vadd.s32 v23, v46;
	v46 =	vadd.s32 v0, v34;
	v0 =	vld [tilespmem:$0x1F930];
	_ =	sdelay $0x1  }
0x133: {  	v32 =	vld.idx.msk [tilespmem:v29+s24+$0x0], $0xffff  }
0x134: {  	v6 =	vadd.s32 $0x1F, v47;
	v11 =	vld [tilespmem:$0x1FF10]  }
0x135: {  	v58 =	vadd.s32 v24, v3;
	v35 =	vld.idx.msk [tilespmem:v2+s24+$0x0], $0xffff;
	_ =	sdelay $0x2  }
0x136: {  	v23 =	vld.idx.msk [tilespmem:v60+s24+$0x0], $0xffff  }
0x137: {  	v6 =	vld.idx.msk [tilespmem:v6+s24+$0x0], $0xffff;
	v54 =	vadd.s32 v11, v44;
	[tilespmem:v0+s1+$0x0] =	vst.idx.msk $0xffff, v32  }
0x138: {  	v8 =	vld [tilespmem:$0x1FF00];
	[tilespmem:v58+s1+$0x0] =	vst.idx.msk $0xffff, v35  }
0x139: {  	v35 =	vld [tilespmem:$0x1F940];
	_ =	sdelay $0x1  }
0x13a: {  	v13 =	vimm.s32 $0x2DC  }
0x13b: {  	vm11 =	vgt.s32 v19, $0x40;
	v50 =	vsel vm2, $0x2DE, v13;
	vm2 =	vgt.s32 v19, $0x3B;
	[tilespmem:v54+s1+$0x0] =	vst.idx.msk $0xffff, v23  }
0x13c: {  	v52 =	vadd.s32 v28, v3;
	v61 =	vadd.s32 $0x1B, v41;
	v27 =	vsel vm2, $0x1, v9;
	[tilespmem:v46+s1+$0x0] =	vst.idx.msk $0xffff, v6  }
0x13d: {  	vm2 =	vgt.s32 v19, $0x1D;
	vm12 =	vgt.s32 v19, $0x31;
	v29 =	vsel vm4, $0x2DE, v13;
	v16 =	vld [tilespmem:$0x1F950]  }
0x13e: {  	v28 =	vsel vm12, $0x1, v9;
	vm12 =	vgt.s32 v19, $0x2C;
	v29 =	vsel vm5, $0x2E0, v29  }
0x13f: {  	v1 =	vsel vm2, $0x1, v9;
	vm2 =	vgt.s32 v19, $0x22;
	v46 =	vsel vm6, $0x2E2, v29;
	v29 =	vld [tilespmem:$0x1FE50]  }
0x140: {  	v2 =	vsel vm2, $0x1, v9;
	vm2 =	vgt.s32 v19, $0x27;
	v19 =	vadd.s32 $0x20, v47;
	v24 =	vld.idx.msk [tilespmem:v35+s24+$0x0], $0xffff  }
0x141: {  	v57 =	vadd.s32 $0x290, v26;
	v35 =	vld.idx.msk [tilespmem:v61+s24+$0x0], $0xffff;
	_ =	sdelay $0x3  }
0x142: {  	v19 =	vld.idx.msk [tilespmem:v19+s24+$0x0], $0xffff;
	v60 =	vadd.s32 v29, v34;
	[tilespmem:v16+s1+$0x0] =	vst.idx.msk $0xffff, v24  }
0x143: {  	v0 =	vadd.s32 v1, v15;
	v6 =	vld.idx.msk [tilespmem:v57+s24+$0x0], $0xffff;
	v1 =	vadd.s32 v8, v44;
	[tilespmem:v62+s1+$0x0] =	vst.idx.msk $0xffff, v35  }
0x144: {  	v13 =	vld [tilespmem:$0x1F960];
	_ =	sdelay $0x2  }
0x145: {  	[tilespmem:v60+s1+$0x0] =	vst.idx.msk $0xffff, v19  }
0x146: {  	v31 =	vadd.s32 $0x1C, v41;
	v19 =	vld [tilespmem:$0x1FE60];
	[tilespmem:v1+s1+$0x0] =	vst.idx.msk $0xffff, v6  }
0x147: {  	v6 =	vld [tilespmem:$0x1F970]  }
0x148: {  	s25 =	simm.s32 $0x50  }
0x149: {  	v37 =	vadd.s32 v22, v3;
	v22 =	vmul.u32 $0xA, v39;
	v39 =	vld [tilespmem:s25+$0xFFFFFFF0]  }
0x14a: {  	v55 =	vmul.f32 v63, v63;
	v47 =	vadd.s32 $0x21, v47;
	v25 =	vld.idx.msk [tilespmem:v13+s24+$0x0], $0xffff  }
0x14b: {  	v58 =	vadd.s32 $0x291, v26;
	v13 =	vld.idx.msk [tilespmem:v31+s24+$0x0], $0xffff  }
0x14c: {  	v32 =	vadd.f32 v48, v55;
	v48 =	vsel vm12, $0x1, v9  }
0x14d: {  	v55 =	vadd.s32 v43, v44;
	v43 =	vsel vm7, $0x2E4, v46;
	v24 =	vadd.f32 $-4.027951430e+01, v42  }
0x14e: {  	s26 =	simm.s32 $0x50;
	vm12 =	vlt.f32 v49, v51;
	v57 =	vadd.s32 v10, v34;
	v46 =	vsel vm8, $0x2E6, v43  }
0x14f: {  	v62 =	vmul.f32 v56, v56;
	v63 =	vmul.f32 v24, v24;
	v47 =	vld.idx.msk [tilespmem:v47+s24+$0x0], $0xffff;
	v31 =	vmov s26;
	[tilespmem:v6+s1+$0x0] =	vst.idx.msk $0xffff, v25  }
0x150: {  	v24 =	vsel vm10, $0x2E8, v46;
	v46 =	vmul.u32 $0x21, v31;
	v31 =	vshll.u32 v39, $0x2;
	v39 =	vld.idx.msk [tilespmem:v58+s24+$0x0], $0xffff;
	[tilespmem:v52+s1+$0x0] =	vst.idx.msk $0xffff, v13  }
0x151: {  	v23 =	vsel vm12, v49, v51;
	v54 =	vadd.f32 v63, v62;
	v62 =	vld [tilespmem:$0x1F980]  }
0x152: {  	v59 =	vadd.s32 $0x1D, v41;
	v49 =	vsel vm2, $0x1, v9;
	vm2 =	vlt.f32 v32, v23  }
0x153: {  	v23 =	vsel vm2, v32, v23;
	v32 =	vsel vm3, $0x2E0, v50;
	v50 =	vadd.s32 $0xF0, v22  }
0x154: {  	s20 =	simm.s32 $0x40;
	v63 =	vld [tilespmem:$0x1FE70];
	[tilespmem:v57+s1+$0x0] =	vst.idx.msk $0xffff, v47  }
0x155: {  	v51 =	vadd.s32 v53, v44;
	v53 =	vmov s20;
	v15 =	vld [tilespmem:$0x1FE80];
	[tilespmem:v55+s1+$0x0] =	vst.idx.msk $0xffff, v39  }
0x156: {  	v1 =	vmul.u32 $0x21, v53;
	v53 =	vld [tilespmem:$0x1F990]  }
0x157: {  	v56 =	vld.idx.msk [tilespmem:v59+s24+$0x0], $0xffff  }
0x158: {  	v43 =	vadd.f32 $-2.237931340e-01, v36;
	v29 =	vsel vm11, $0x1, v9;
	v19 =	vadd.s32 v19, v34;
	v50 =	vld.idx.msk [tilespmem:v50+s24+$0x0], $0xffff  }
0x159: {  	v5 =	vmovc v21;
	vm11 =	vlt.f32 v54, v23;
	v23 =	vadd.f32 $-2.322243310e+01, v33;
	v58 =	vadd.f32 $-7.823027800e+01, v36;
	v21 =	vld.idx.msk [tilespmem:v62+s24+$0x0], $0xffff  }
0x15a: {  	v61 =	vadd.s32 $0x292, v26;
	v6 =	vadd.f32 $-3.668147660e+01, v33;
	v13 =	vadd.f32 $-5.004997630e+01, v33  }
0x15b: {  	v23 =	vmul.f32 v23, v23;
	v25 =	vadd.f32 $8.289102940e+01, v36;
	v52 =	vmul.f32 v58, v58  }
0x15c: {  	s21 =	simm.s32 $0x850;
	v59 =	vadd.f32 $3.279586410e+01, v33;
	v6 =	vmul.f32 v6, v6;
	v39 =	vmul.f32 v13, v13;
	[tilespmem:v40+s1+$0x0] =	vst.idx.msk $0xffff, v56  }
0x15d: {  	v16 =	vld [tilespmem:s21+$0xFFFFFFF0];
	[tilespmem:v19+s1+$0x0] =	vst.idx.msk $0xffff, v50;
	v19 =	vadd.f32 $-1.487159120e+02, v36;
	v62 =	vmul.f32 v43, v43;
	v43 =	vadd.f32 $1.170074160e+02, v36  }
0x15e: {  	v25 =	vmul.f32 v25, v25;
	v54 =	vadd.s32 v63, v34;
	v63 =	vadd.f32 $-3.793094640e+01, v33;
	[tilespmem:v53+s1+$0x0] =	vst.idx.msk $0xffff, v21  }
0x15f: {  	v19 =	vmul.f32 v19, v19;
	v13 =	vadd.f32 v62, v39;
	v62 =	vmul.f32 v43, v43;
	v43 =	vld [tilespmem:$0x1F9A0]  }
0x160: {  	v20 =	vmovc v38;
	v38 =	vadd.s32 $0x1E, v41;
	v53 =	vmul.f32 v63, v63;
	v63 =	vmul.f32 v59, v59  }
0x161: {  	s23 =	simm.s32 $0x450;
	v42 =	vld [tilespmem:s25+$0x0];
	v60 =	vadd.s32 $0xF1, v22;
	v23 =	vadd.f32 v52, v23;
	v6 =	vadd.f32 v25, v6  }
0x162: {  	s22 =	simm.s32 $0x250;
	vm4 =	vgt.s32 v16, $0x11;
	v40 =	vadd.f32 v19, v63;
	v63 =	vld [tilespmem:s23+$0x0]  }
0x163: {  	v55 =	vsel vm4, $0x1, v9;
	vm4 =	vlt.f32 v23, v6;
	v56 =	vld [tilespmem:s22+$0x0]  }
0x164: {  	v50 =	vld.idx.msk [tilespmem:v61+s24+$0x0], $0xffff;
	v6 =	vsel vm4, v23, v6;
	v21 =	vadd.f32 $1.857054900e+01, v33  }
0x165: {  	vm5 =	vlt.f32 v13, v6;
	v59 =	vld.idx.msk [tilespmem:v38+s24+$0x0], $0xffff  }
0x166: {  	v17 =	vadd.s32 $0x1F, v41;
	v6 =	vsel vm5, v13, v6;
	v13 =	vmul.f32 v21, v21;
	v21 =	vld.idx.msk [tilespmem:v60+s24+$0x0], $0xffff  }
0x167: {  	s25 =	simm.s32 $0x650;
	v42 =	vshll.u32 v42, $0x2;
	vm3 =	vgt.s32 v16, $0x18;
	v58 =	vadd.s32 v15, v34;
	v15 =	vld.idx.msk [tilespmem:v43+s24+$0x0], $0xffff;
	[tilespmem:$0x1FCF0] =	vst v63  }
0x168: {  	vm13 =	vgt.s32 v16, $0x1D;
	vm14 =	vgt.s32 v16, $0x22;
	v35 =	vbroadcast v46, $0x0;
	v25 =	vld [tilespmem:s25+$0x0]  }
0x169: {  	vm15 =	vgt.s32 v16, $0x2C;
	v23 =	vadd.f32 $5.428025440e+01, v36;
	v39 =	vadd.f32 v62, v53  }
0x16a: {  	v46 =	vor.u32 $0x1, v42;
	v47 =	vadd.s32 $0xF2, v22;
	v57 =	vadd.s32 v45, v35  }
0x16b: {  	v52 =	vadd.s32 $0xF3, v22;
	v23 =	vmul.f32 v23, v23;
	vm6 =	vlt.f32 v39, v6  }
0x16c: {  	v38 =	vadd.f32 $-2.978951070e+01, v33;
	v53 =	vadd.f32 $-1.163874050e+02, v36;
	v6 =	vsel vm6, v39, v6  }
0x16d: {  	v36 =	vadd.f32 $-4.027951430e+01, v36;
	v13 =	vadd.f32 v23, v13;
	vm7 =	vlt.f32 v40, v6;
	v23 =	vld.idx.msk [tilespmem:v42+s24+$0x0], $0xffff;
	[tilespmem:$0x1F9B0] =	vst v25  }
0x16e: {  	s26 =	simm.s32 $0xA50;
	v33 =	vadd.f32 $-1.392114070e+01, v33;
	v38 =	vmul.f32 v38, v38;
	v6 =	vsel vm7, v40, v6;
	v40 =	vld [tilespmem:s21+$0x0]  }
0x16f: {  	v60 =	vsel vm3, $0x1, v9;
	vm3 =	vgt.s32 v16, $0x27;
	v36 =	vmul.f32 v36, v36;
	[tilespmem:v54+s1+$0x0] =	vst.idx.msk $0xffff, v21;
	v25 =	vld [tilespmem:s26+$0x0]  }
0x170: {  	s28 =	simm.s32 $0xC50;
	v61 =	vsel vm14, $0x1, v9;
	v33 =	vmul.f32 v33, v33;
	v62 =	vsel vm3, $0x1, v9;
	v43 =	vld.idx.msk [tilespmem:v47+s24+$0x0], $0xffff  }
0x171: {  	v19 =	vmul.f32 v53, v53;
	v53 =	vadd.f32 v36, v38;
	vm8 =	vlt.f32 v13, v6;
	v39 =	vld [tilespmem:s28+$0x0]  }
0x172: {  	vm3 =	vgt.s32 v16, $0x31;
	v36 =	vbroadcast v1, $0x0;
	v6 =	vsel vm8, v13, v6;
	[tilespmem:v37+s1+$0x0] =	vst.idx.msk $0xffff, v59;
	v1 =	vld.idx.msk [tilespmem:v31+s24+$0x0], $0xffff  }
0x173: {  	v21 =	vadd.f32 v19, v33;
	[tilespmem:v57+s1+$0x0] =	vst.idx.msk $0xffff, v23;
	v57 =	vsel vm3, $0x1, v9;
	vm3 =	vgt.s32 v16, $0x36;
	v38 =	vld.idx.msk [tilespmem:v17+s24+$0x0], $0xffff  }
0x174: {  	v54 =	vsel vm13, $0x1, v9;
	v63 =	vsel vm3, $0x1, v9;
	vm3 =	vgt.s32 v16, $0x3B;
	v23 =	vld [tilespmem:$0x1FE40]  }
0x175: {  	v59 =	vsel vm15, $0x1, v9;
	vm10 =	vlt.f32 v21, v6;
	[tilespmem:v58+s1+$0x0] =	vst.idx.msk $0xffff, v43;
	v58 =	vsel vm3, $0x1, v9;
	v9 =	vld [tilespmem:s23+$0xFFFFFFF0]  }
0x176: {  	v6 =	vsel vm10, v21, v6;
	v21 =	vld.idx.msk [tilespmem:v46+s24+$0x0], $0xffff  }
0x177: {  	v0 =	vadd.s32 v2, v0;
	v2 =	vld [tilespmem:$0x1FE00]  }
0x178: {  	vm3 =	vlt.f32 v53, v6;
	v6 =	vld.idx.msk [tilespmem:v52+s24+$0x0], $0xffff  }
0x179: {  	v52 =	vld [tilespmem:s22+$0xFFFFFFF0];
	[tilespmem:v51+s1+$0x0] =	vst.idx.msk $0xffff, v50  }
0x17a: {  	[tilespmem:$0x1FB90] =	vst v9;
	v9 =	vld [tilespmem:$0x1FE90];
	_ =	sdelay $0x4  }
0x17b: {  	v53 =	vadd.s32 v9, v34;
	v9 =	vld [tilespmem:$0x1F9C0];
	_ =	sdelay $0x7  }
0x17c: {  	[tilespmem:v9+s1+$0x0] =	vst.idx.msk $0xffff, v15  }
0x17d: {  	v13 =	vld [tilespmem:$0x1FE10];
	_ =	sdelay $0x4  }
0x17e: {  	v9 =	vadd.s32 v13, v4  }
0x17f: {  	[tilespmem:$0x1FC90] =	vst v9  }
0x180: {  	v9 =	vld [tilespmem:s25+$0xFFFFFFF0]  }
0x181: {  	v19 =	vadd.s32 v23, v3  }
0x182: {  	v2 =	vadd.s32 v2, v35;
	_ =	sdelay $0x1  }
0x183: {  	v43 =	vadd.s32 v45, v36  }
0x184: {  	[tilespmem:$0x1FBE0] =	vst v9  }
0x185: {  	v14 =	vshll.u32 v14, $0x1;
	[tilespmem:v19+s1+$0x0] =	vst.idx.msk $0xffff, v38  }
0x186: {  	[tilespmem:v2+s1+$0x0] =	vst.idx.msk $0xffff, v21;
	v2 =	vadd.s32 $0x2C1, v14  }
0x187: {  	v0 =	vadd.s32 v49, v0;
	v46 =	vld [tilespmem:s26+$0xFFFFFFF0];
	[tilespmem:$0x1FC50] =	vst v2  }
0x188: {  	v0 =	vadd.s32 v48, v0;
	v21 =	vld [tilespmem:s28+$0xFFFFFFF0];
	[tilespmem:v43+s1+$0x0] =	vst.idx.msk $0xffff, v1  }
0x189: {  	v0 =	vadd.s32 v28, v0;
	v1 =	vld [tilespmem:$0x1FEA0]  }
0x18a: {  	v0 =	vadd.s32 v7, v0;
	v7 =	vld [tilespmem:$0x1FEB0];
	_ =	sdelay $0x3  }
0x18b: {  	v1 =	vadd.s32 v1, v4  }
0x18c: {  	v4 =	vadd.s32 v7, v4;
	[tilespmem:$0x1FD30] =	vst v1  }
0x18d: {  	[tilespmem:$0x1F9D0] =	vst v4  }
0x18e: {  	[tilespmem:v53+s1+$0x0] =	vst.idx.msk $0xffff, v6  }
0x18f: {  	v4 =	vor.u32 $0x1, v31;
	v1 =	vld [tilespmem:$0x1F9E0];
	_ =	sdelay $0x1  }
0x190: {  	v6 =	vld [tilespmem:$0x1FE50]  }
0x191: {  	v17 =	vld [tilespmem:$0x1FE60]  }
0x192: {  	v7 =	vadd.s32 v60, v55;
	v51 =	vld [tilespmem:$0x1FE00]  }
0x193: {  	v7 =	vadd.s32 v54, v7;
	v54 =	vld.idx.msk [tilespmem:v4+s24+$0x0], $0xffff  }
0x194: {  	v4 =	vld [tilespmem:$0x1FE90]  }
0x195: {  	v38 =	vadd.s32 $0x20, v41;
	v19 =	vld [tilespmem:$0x1FE70]  }
0x196: {  	v0 =	vadd.s32 v27, v0;
	v27 =	vadd.s32 v10, v3;
	v10 =	vld.idx.msk [tilespmem:v1+s24+$0x0], $0xffff  }
0x197: {  	v1 =	vld [tilespmem:$0x1F9F0]  }
0x198: {  	v28 =	vadd.s32 $0x2C0, v14;
	v0 =	vadd.s32 v29, v0;
	v2 =	vor.u32 $0x2, v42;
	v29 =	vld [tilespmem:$0x1FE20]  }
0x199: {  	v14 =	vadd.s32 $0xF4, v22;
	v55 =	vmul.u32 $0xA, v30;
	v30 =	vadd.s32 v4, v3;
	v4 =	vld [tilespmem:$0x1FF40]  }
0x19a: {  	v37 =	vadd.s32 $0x291, v12;
	v33 =	vadd.s32 $0x292, v12;
	v38 =	vld.idx.msk [tilespmem:v38+s24+$0x0], $0xffff  }
0x19b: {  	v47 =	vadd.s32 $0x290, v12;
	v15 =	vadd.s32 $0x293, v12;
	v12 =	vld [tilespmem:$0x1FE80];
	v6 =	vadd.s32 v6, v3  }
0x19c: {  	v51 =	vadd.s32 v51, v36  }
0x19d: {  	v7 =	vadd.s32 v61, v7;
	v2 =	vld.idx.msk [tilespmem:v2+s24+$0x0], $0xffff;
	v29 =	vadd.s32 v29, v35  }
0x19e: {  	v48 =	vadd.s32 v17, v3;
	v49 =	vadd.s32 v19, v3;
	v17 =	vld.idx.msk [tilespmem:v14+s24+$0x0], $0xffff;
	v19 =	vadd.s32 v4, v34  }
0x19f: {  	v7 =	vadd.s32 v62, v7;
	v62 =	vld [tilespmem:$0x1FE20];
	[tilespmem:v1+s1+$0x0] =	vst.idx.msk $0xffff, v10  }
0x1a0: {  	v45 =	vadd.s32 v12, v3;
	v12 =	vld [tilespmem:$0x1FF20];
	[tilespmem:v6+s1+$0x0] =	vst.idx.msk $0xffff, v38  }
0x1a1: {  	[tilespmem:v51+s1+$0x0] =	vst.idx.msk $0xffff, v54;
	v51 =	vadd.f32 $-2.322243310e+01, v46;
	v54 =	vadd.f32 $-7.823027800e+01, v21  }
0x1a2: {  	[tilespmem:v29+s1+$0x0] =	vst.idx.msk $0xffff, v2  }
0x1a3: {  	[tilespmem:v19+s1+$0x0] =	vst.idx.msk $0xffff, v17;
	v51 =	vmul.f32 v51, v51;
	v54 =	vmul.f32 v54, v54  }
0x1a4: {  	v10 =	vadd.s32 $0x21, v41;
	v19 =	vld [tilespmem:$0x1FF90]  }
0x1a5: {  	v41 =	vor.u32 $0x3, v42;
	v51 =	vadd.f32 v54, v51;
	v54 =	vshll.u32 v0, $0x1;
	v0 =	vld [tilespmem:$0x1FA00]  }
0x1a6: {  	v26 =	vadd.s32 $0x293, v26;
	v14 =	vadd.s32 v4, v3;
	v4 =	vld [tilespmem:$0x1FEF0]  }
0x1a7: {  	v7 =	vadd.s32 v59, v7;
	v2 =	vor.u32 $0x2, v31  }
0x1a8: {  	v7 =	vadd.s32 v57, v7  }
0x1a9: {  	v7 =	vadd.s32 v63, v7;
	v10 =	vld.idx.msk [tilespmem:v10+s24+$0x0], $0xffff  }
0x1aa: {  	v6 =	vmul.u32 $0xA, v56;
	v38 =	vadd.s32 $0xF5, v22;
	v41 =	vld.idx.msk [tilespmem:v41+s24+$0x0], $0xffff;
	v56 =	vadd.s32 v19, v35  }
0x1ab: {  	v26 =	vld.idx.msk [tilespmem:v26+s24+$0x0], $0xffff;
	v57 =	vadd.s32 v58, v7;
	v58 =	vadd.s32 v4, v44  }
0x1ac: {  	v1 =	vmovc v20;
	v17 =	vadd.s32 v20, v3;
	v20 =	vmov v5;
	v5 =	vadd.s32 v5, v3;
	v2 =	vld.idx.msk [tilespmem:v2+s24+$0x0], $0xffff  }
0x1ad: {  	v0 =	vld.idx.msk [tilespmem:v0+s24+$0x0], $0xffff;
	[tilespmem:$0x1FCE0] =	vst v5  }
0x1ae: {  	v63 =	vld [tilespmem:$0x1FE30];
	[tilespmem:v27+s1+$0x0] =	vst.idx.msk $0xffff, v10  }
0x1af: {  	v27 =	vld.idx.msk [tilespmem:v38+s24+$0x0], $0xffff;
	[tilespmem:v56+s1+$0x0] =	vst.idx.msk $0xffff, v41  }
0x1b0: {  	v9 =	vadd.s32 v12, v3;
	v38 =	vadd.s32 v12, v34;
	v12 =	vld [tilespmem:$0x1FEC0];
	[tilespmem:v58+s1+$0x0] =	vst.idx.msk $0xffff, v26  }
0x1b1: {  	v7 =	vld [tilespmem:$0x1FA10];
	_ =	sdelay $0x1  }
0x1b2: {  	v42 =	vadd.s32 $0xF0, v55  }
0x1b3: {  	v43 =	vadd.f32 $8.289102940e+01, v21  }
0x1b4: {  	v59 =	vadd.s32 $0x18, v6;
	v5 =	vld [tilespmem:$0x1FFA0]  }
0x1b5: {  	v50 =	vmul.f32 v43, v43;
	v43 =	vadd.s32 v62, v36  }
0x1b6: {  	v32 =	vsel vm0, $0x2E2, v32  }
0x1b7: {  	v10 =	vsel vm1, $0x2E4, v32;
	v42 =	vld.idx.msk [tilespmem:v42+s24+$0x0], $0xffff  }
0x1b8: {  	v61 =	vmovc v62;
	v62 =	vadd.f32 $-5.004997630e+01, v46;
	v41 =	vsel vm12, $0x2E6, v10;
	[tilespmem:v7+s1+$0x0] =	vst.idx.msk $0xffff, v0;
	v0 =	vor.u32 $0x3, v31  }
0x1b9: {  	v10 =	vmul.u32 $0xA, v52;
	v26 =	vld.idx.msk [tilespmem:v59+s24+$0x0], $0xffff;
	v58 =	vadd.s32 $0xF6, v22;
	v52 =	vadd.s32 v5, v35  }
0x1ba: {  	v60 =	vadd.s32 $0x2C0, v54;
	[tilespmem:v43+s1+$0x0] =	vst.idx.msk $0xffff, v2;
	v31 =	vadd.s32 v19, v36;
	v19 =	vadd.f32 $-2.237931340e-01, v21  }
0x1bb: {  	[tilespmem:v38+s1+$0x0] =	vst.idx.msk $0xffff, v27  }
0x1bc: {  	v2 =	vmul.f32 v62, v62;
	[tilespmem:v48+s1+$0x0] =	vst.idx.msk $0xffff, v42;
	v48 =	vadd.f32 $-3.793094640e+01, v46;
	v27 =	vmul.f32 v19, v19  }
0x1bd: {  	v53 =	vadd.s32 v1, v34;
	v1 =	vadd.s32 v18, v3;
	v0 =	vld.idx.msk [tilespmem:v0+s24+$0x0], $0xffff  }
0x1be: {  	[tilespmem:v52+s1+$0x0] =	vst.idx.msk $0xffff, v26;
	v27 =	vadd.f32 v27, v2;
	v2 =	vmul.f32 v48, v48;
	v48 =	vld.idx.msk [tilespmem:v58+s24+$0x0], $0xffff  }
0x1bf: {  	v29 =	vadd.f32 $-3.668147660e+01, v46;
	v52 =	vld.idx.msk [tilespmem:v60+s24+$0x0], $0xffff;
	[tilespmem:$0x1FD60] =	vst v1;
	v1 =	vadd.s32 v11, v3  }
0x1c0: {  	[tilespmem:$0x1FA20] =	vst v1;
	v1 =	vadd.s32 v8, v3  }
0x1c1: {  	v29 =	vmul.f32 v29, v29;
	v42 =	vld.idx.msk [tilespmem:v47+s24+$0x0], $0xffff;
	[tilespmem:$0x1FA30] =	vst v1  }
0x1c2: {  	[tilespmem:v31+s1+$0x0] =	vst.idx.msk $0xffff, v0  }
0x1c3: {  	v50 =	vadd.f32 v50, v29;
	v32 =	vadd.s32 $0xF1, v55;
	v56 =	vadd.s32 v12, v44;
	v1 =	vld [tilespmem:$0x1FFB0];
	[tilespmem:v53+s1+$0x0] =	vst.idx.msk $0xffff, v48  }
0x1c4: {  	v26 =	vadd.f32 $3.279586410e+01, v46;
	v19 =	vadd.f32 $-1.487159120e+02, v21;
	v0 =	vld [tilespmem:$0x1FA40]  }
0x1c5: {  	vm12 =	vlt.f32 v51, v50  }
0x1c6: {  	v38 =	vadd.s32 $0x19, v6;
	v26 =	vmul.f32 v26, v26;
	v60 =	vmul.f32 v19, v19  }
0x1c7: {  	v50 =	vsel vm12, v51, v50  }
0x1c8: {  	v43 =	vadd.s32 $0x18, v10;
	v47 =	vadd.f32 v60, v26;
	v26 =	vld.idx.msk [tilespmem:v32+s24+$0x0], $0xffff;
	[tilespmem:v56+s1+$0x0] =	vst.idx.msk $0xffff, v52  }
0x1c9: {  	v51 =	vadd.s32 $0xF7, v22;
	vm0 =	vlt.f32 v27, v50;
	v53 =	vshll.u32 v0, $0x2;
	v0 =	vld [tilespmem:$0x1FA50]  }
0x1ca: {  	v27 =	vsel vm0, v27, v50;
	v50 =	vadd.s32 $0xF2, v55  }
0x1cb: {  	v31 =	vld.idx.msk [tilespmem:v38+s24+$0x0], $0xffff;
	v60 =	vadd.s32 v1, v35;
	_ =	sdelay $0x1  }
0x1cc: {  	v43 =	vld.idx.msk [tilespmem:v43+s24+$0x0], $0xffff;
	v48 =	vadd.s32 v5, v36  }
0x1cd: {  	v51 =	vld.idx.msk [tilespmem:v51+s24+$0x0], $0xffff;
	v52 =	vadd.s32 v20, v34;
	[tilespmem:v49+s1+$0x0] =	vst.idx.msk $0xffff, v26  }
0x1ce: {  	v59 =	vadd.f32 $1.170074160e+02, v21;
	v50 =	vld.idx.msk [tilespmem:v50+s24+$0x0], $0xffff  }
0x1cf: {  	[tilespmem:v60+s1+$0x0] =	vst.idx.msk $0xffff, v31  }
0x1d0: {  	v62 =	vmul.f32 v59, v59;
	[tilespmem:v0+s1+$0x0] =	vst.idx.msk $0xffff, v42  }
0x1d1: {  	v60 =	vld [tilespmem:$0x1FE50];
	[tilespmem:v48+s1+$0x0] =	vst.idx.msk $0xffff, v43  }
0x1d2: {  	vm13 =	vgt.s32 v16, $0x40;
	v58 =	vadd.f32 v62, v2;
	[tilespmem:v52+s1+$0x0] =	vst.idx.msk $0xffff, v51  }
0x1d3: {  	v16 =	vadd.s32 $0xF6, v55;
	v29 =	vadd.s32 $0xF8, v55;
	v19 =	vmovc v11;
	v42 =	vadd.s32 $0x1A, v6;
	v11 =	vld [tilespmem:$0x1FFC0];
	[tilespmem:v45+s1+$0x0] =	vst.idx.msk $0xffff, v50  }
0x1d4: {  	v59 =	vadd.s32 $0xF3, v55;
	vm1 =	vlt.f32 v58, v27;
	v49 =	vadd.s32 $0x19, v10;
	v0 =	vld [tilespmem:$0x1FA60]  }
0x1d5: {  	v56 =	vadd.s32 $0xF8, v22;
	v43 =	vadd.s32 $0x2C1, v54;
	v54 =	vadd.s32 v1, v36;
	v1 =	vld [tilespmem:$0x1FEE0]  }
0x1d6: {  	v27 =	vsel vm1, v58, v27;
	v58 =	vimm.s32 $0x0;
	v31 =	vadd.f32 $5.428025440e+01, v21;
	v7 =	vld [tilespmem:$0x1FED0]  }
0x1d7: {  	v32 =	vadd.s32 $0xF5, v55;
	v26 =	vadd.f32 $1.857054900e+01, v46;
	v51 =	vsel vm13, $0x1, v58;
	v37 =	vld.idx.msk [tilespmem:v37+s24+$0x0], $0xffff  }
0x1d8: {  	v62 =	vmul.f32 v31, v31;
	v31 =	vadd.s32 v51, v57;
	v42 =	vld.idx.msk [tilespmem:v42+s24+$0x0], $0xffff;
	v51 =	vadd.s32 v11, v35  }
0x1d9: {  	v38 =	vadd.s32 $0xF4, v55;
	v20 =	vadd.s32 $0xF7, v55;
	v26 =	vmul.f32 v26, v26;
	v49 =	vld.idx.msk [tilespmem:v49+s24+$0x0], $0xffff  }
0x1da: {  	v2 =	vmovc v8;
	v48 =	vadd.s32 $0xF9, v55;
	v55 =	vld.idx.msk [tilespmem:v56+s24+$0x0], $0xffff;
	v8 =	vshll.u32 v0, $0x2;
	v0 =	vadd.s32 v1, v3  }
0x1db: {  	v41 =	vsel vm2, $0x2E8, v41;
	vm2 =	vlt.f32 v47, v27;
	v43 =	vld.idx.msk [tilespmem:v43+s24+$0x0], $0xffff;
	[tilespmem:$0x1FA70] =	vst v0;
	v0 =	vadd.s32 v7, v3  }
0x1dc: {  	v62 =	vadd.f32 v62, v26;
	v56 =	vadd.s32 $0x1A, v10;
	v57 =	vadd.s32 v18, v34;
	[tilespmem:$0x1FA80] =	vst v0  }
0x1dd: {  	v26 =	vsel vm2, v47, v27;
	v27 =	vsel vm11, $0x2EA, v41;
	v41 =	vld.idx.msk [tilespmem:v59+s24+$0x0], $0xffff;
	[tilespmem:v51+s1+$0x0] =	vst.idx.msk $0xffff, v42  }
0x1de: {  	v47 =	vadd.s32 v13, v44;
	v59 =	vld [tilespmem:$0x1FE40]  }
0x1df: {  	v5 =	vld [tilespmem:$0x1FA90];
	[tilespmem:v54+s1+$0x0] =	vst.idx.msk $0xffff, v49  }
0x1e0: {  	v42 =	vadd.s32 v11, v36;
	v11 =	vld [tilespmem:$0x1FFD0]  }
0x1e1: {  	[tilespmem:v57+s1+$0x0] =	vst.idx.msk $0xffff, v55;
	v51 =	vld.idx.msk [tilespmem:v56+s24+$0x0], $0xffff  }
0x1e2: {  	v57 =	vld [tilespmem:$0x1FE90]  }
0x1e3: {  	v52 =	vadd.s32 $0x1B, v6;
	v56 =	vld [tilespmem:$0x1FE80];
	[tilespmem:v47+s1+$0x0] =	vst.idx.msk $0xffff, v43  }
0x1e4: {  	v0 =	vld [tilespmem:$0x1FAA0];
	_ =	sdelay $0x2  }
0x1e5: {  	v22 =	vadd.s32 $0xF9, v22  }
0x1e6: {  	v45 =	vld.idx.msk [tilespmem:v52+s24+$0x0], $0xffff;
	v50 =	vadd.s32 v11, v35;
	_ =	sdelay $0x1  }
0x1e7: {  	v23 =	vmov v18;
	v18 =	vadd.s32 $0x1C, v6  }
0x1e8: {  	[tilespmem:v30+s1+$0x0] =	vst.idx.msk $0xffff, v41  }
0x1e9: {  	v22 =	vld.idx.msk [tilespmem:v22+s24+$0x0], $0xffff;
	v47 =	vadd.s32 v19, v34;
	[tilespmem:v0+s1+$0x0] =	vst.idx.msk $0xffff, v37  }
0x1ea: {  	v38 =	vld.idx.msk [tilespmem:v38+s24+$0x0], $0xffff;
	[tilespmem:v50+s1+$0x0] =	vst.idx.msk $0xffff, v45;
	v0 =	vadd.s32 v4, v3  }
0x1eb: {  	v30 =	vld.idx.msk [tilespmem:v33+s24+$0x0], $0xffff;
	[tilespmem:$0x1FAB0] =	vst v0  }
0x1ec: {  	[tilespmem:v42+s1+$0x0] =	vst.idx.msk $0xffff, v51;
	v42 =	vld.idx.msk [tilespmem:v18+s24+$0x0], $0xffff  }
0x1ed: {  	v54 =	vld [tilespmem:$0x1FEA0]  }
0x1ee: {  	v0 =	vmov v4;
	v18 =	vld [tilespmem:$0x1FFF0];
	[tilespmem:v47+s1+$0x0] =	vst.idx.msk $0xffff, v22;
	v4 =	vadd.s32 $0x290, v53  }
0x1ef: {  	[tilespmem:$0x1FAC0] =	vst v4;
	v4 =	vld [tilespmem:$0x1FAD0];
	_ =	sdelay $0x1  }
0x1f0: {  	v55 =	vadd.s32 $0x1B, v10;
	_ =	sdelay $0x2  }
0x1f1: {  	v41 =	vadd.s32 $0x290, v8;
	_ =	sdelay $0x1  }
0x1f2: {  	v47 =	vld.idx.msk [tilespmem:v55+s24+$0x0], $0xffff  }
0x1f3: {  	v55 =	vld [tilespmem:$0x1FEB0];
	[tilespmem:v4+s1+$0x0] =	vst.idx.msk $0xffff, v30;
	v4 =	vadd.s32 $0x291, v53  }
0x1f4: {  	[tilespmem:$0x1FAE0] =	vst v4;
	v4 =	vadd.s32 $0x292, v53  }
0x1f5: {  	v24 =	vsel vm9, $0x2EA, v24;
	vm9 =	vgt.s32 v5, $0x40;
	vm13 =	vgt.s32 v5, $0x36;
	v30 =	vld.idx.msk [tilespmem:v41+s24+$0x0], $0xffff;
	[tilespmem:$0x1FAF0] =	vst v4  }
0x1f6: {  	vm14 =	vgt.s32 v5, $0x11;
	vm15 =	vgt.s32 v5, $0x18;
	v4 =	vadd.s32 $0x293, v53;
	[tilespmem:v14+s1+$0x0] =	vst.idx.msk $0xffff, v38  }
0x1f7: {  	v49 =	vsel vm13, $0x1, v58;
	v52 =	vsel vm14, $0x1, v58;
	v43 =	vsel vm15, $0x1, v58;
	[tilespmem:$0x1FB00] =	vst v4;
	v4 =	vld [tilespmem:$0x1FB10]  }
0x1f8: {  	vm13 =	vgt.s32 v5, $0x1D;
	vm14 =	vgt.s32 v5, $0x31;
	vm15 =	vgt.s32 v5, $0x22  }
0x1f9: {  	v43 =	vadd.s32 v43, v52;
	v52 =	vadd.s32 v11, v36;
	v51 =	vadd.s32 v18, v35  }
0x1fa: {  	v37 =	vsel vm13, $0x1, v58;
	v45 =	vsel vm15, $0x1, v58;
	vm13 =	vgt.s32 v5, $0x2C  }
0x1fb: {  	vm15 =	vgt.s32 v5, $0x3B;
	v33 =	vsel vm14, $0x1, v58;
	vm14 =	vgt.s32 v5, $0x27  }
0x1fc: {  	v5 =	vadd.s32 $0x1D, v6;
	v11 =	vshll.u32 v4, $0x1;
	v4 =	vadd.s32 v12, v3  }
0x1fd: {  	[tilespmem:$0x1FB20] =	vst v4  }
0x1fe: {  	v53 =	vld [tilespmem:$0x1FE70];
	v4 =	vadd.s32 $0x2C0, v11;
	[tilespmem:v51+s1+$0x0] =	vst.idx.msk $0xffff, v42  }
0x1ff: {  	v41 =	vadd.s32 v2, v34;
	v11 =	vadd.s32 $0x2C1, v11;
	[tilespmem:$0x1FB30] =	vst v4  }
0x200: {  	[tilespmem:$0x1FB40] =	vst v11;
	v11 =	vadd.s32 v13, v3  }
0x201: {  	v5 =	vld.idx.msk [tilespmem:v5+s24+$0x0], $0xffff;
	[tilespmem:$0x1FB50] =	vst v11;
	v11 =	vadd.s32 v63, v35  }
0x202: {  	[tilespmem:v52+s1+$0x0] =	vst.idx.msk $0xffff, v47;
	v47 =	vadd.s32 v54, v3  }
0x203: {  	[tilespmem:$0x1FB60] =	vst v47  }
0x204: {  	v3 =	vadd.s32 v55, v3;
	v52 =	vld [tilespmem:$0x1FE60];
	[tilespmem:v41+s1+$0x0] =	vst.idx.msk $0xffff, v30  }
0x205: {  	[tilespmem:$0x1FB70] =	vst v3  }
0x206: {  	[tilespmem:v11+s1+$0x0] =	vst.idx.msk $0xffff, v5  }
0x207: {  	v4 =	vld [tilespmem:$0x1FB80]  }
0x208: {  	v43 =	vadd.s32 v37, v43;
	v37 =	vadd.s32 $0x291, v8  }
0x209: {  	v22 =	vsel vm14, $0x1, v58;
	v14 =	vadd.s32 v45, v43  }
0x20a: {  	v50 =	vsel vm13, $0x1, v58;
	v14 =	vadd.s32 v22, v14;
	v3 =	vld.idx.msk [tilespmem:v15+s24+$0x0], $0xffff  }
0x20b: {  	v14 =	vadd.s32 v50, v14  }
0x20c: {  	v14 =	vadd.s32 v33, v14  }
0x20d: {  	v14 =	vadd.s32 v49, v14;
	v15 =	vld.idx.msk [tilespmem:v37+s24+$0x0], $0xffff;
	v11 =	vsel vm15, $0x1, v58  }
0x20e: {  	v51 =	vadd.s32 $0x1C, v10;
	v32 =	vld.idx.msk [tilespmem:v32+s24+$0x0], $0xffff;
	v58 =	vsel vm9, $0x1, v58;
	v11 =	vadd.s32 v11, v14  }
0x20f: {  	v22 =	vadd.s32 $0x1E, v6;
	v33 =	vadd.s32 v1, v34;
	v11 =	vadd.s32 v58, v11;
	v58 =	vld [tilespmem:$0x1FF70];
	[tilespmem:v4+s1+$0x0] =	vst.idx.msk $0xffff, v3  }
0x210: {  	v4 =	vld [tilespmem:$0x1FB90];
	_ =	sdelay $0x1  }
0x211: {  	v5 =	vadd.s32 $0x292, v8  }
0x212: {  	v42 =	vld.idx.msk [tilespmem:v51+s24+$0x0], $0xffff  }
0x213: {  	v37 =	vadd.s32 v18, v36;
	v22 =	vld.idx.msk [tilespmem:v22+s24+$0x0], $0xffff;
	[tilespmem:v33+s1+$0x0] =	vst.idx.msk $0xffff, v15  }
0x214: {  	v3 =	vld.idx.msk [tilespmem:v24+s24+$0x0], $0xffff;
	[tilespmem:v9+s1+$0x0] =	vst.idx.msk $0xffff, v32;
	v47 =	vmul.u32 $0xA, v4;
	v4 =	vadd.s32 $0x21, v10  }
0x215: {  	v45 =	vld.idx.msk [tilespmem:v28+s24+$0x0], $0xffff;
	[tilespmem:$0x1FBA0] =	vst v4  }
0x216: {  	v38 =	vadd.s32 v58, v35;
	v4 =	vld.idx.msk [tilespmem:v5+s24+$0x0], $0xffff;
	v5 =	vadd.s32 $0xF0, v47  }
0x217: {  	v50 =	vadd.s32 $0x1E, v10;
	[tilespmem:$0x1FBB0] =	vst v5  }
0x218: {  	v41 =	vadd.s32 $0x20, v10;
	v15 =	vmovc v7;
	v5 =	vadd.s32 v7, v34;
	v7 =	vadd.s32 $0xF1, v47;
	[tilespmem:v37+s1+$0x0] =	vst.idx.msk $0xffff, v42  }
0x219: {  	v51 =	vadd.s32 $0x1F, v10;
	v14 =	vadd.s32 $0x1D, v10;
	v10 =	vld.idx.msk [tilespmem:v16+s24+$0x0], $0xffff;
	[tilespmem:$0x1FBC0] =	vst v7;
	v7 =	vadd.s32 $0xF2, v47  }
0x21a: {  	[tilespmem:$0x1FBD0] =	vst v7  }
0x21b: {  	[tilespmem:v38+s1+$0x0] =	vst.idx.msk $0xffff, v22  }
0x21c: {  	v7 =	vld [tilespmem:$0x1FBE0];
	_ =	sdelay $0x2  }
0x21d: {  	v30 =	vadd.s32 v54, v44  }
0x21e: {  	v18 =	vadd.s32 $0x1F, v6  }
0x21f: {  	v9 =	vshll.u32 v7, $0x2;
	v7 =	vadd.s32 $0xF3, v47  }
0x220: {  	v22 =	vld.idx.msk [tilespmem:v14+s24+$0x0], $0xffff;
	[tilespmem:$0x1FBF0] =	vst v7;
	v7 =	vadd.s32 $0xF4, v47  }
0x221: {  	[tilespmem:$0x1FC00] =	vst v7  }
0x222: {  	v7 =	vadd.s32 $0xF5, v47;
	[tilespmem:v30+s1+$0x0] =	vst.idx.msk $0xffff, v3  }
0x223: {  	v3 =	vld.idx.msk [tilespmem:v18+s24+$0x0], $0xffff;
	[tilespmem:$0x1FC10] =	vst v7;
	v7 =	vadd.s32 $0xF6, v47  }
0x224: {  	[tilespmem:$0x1FC20] =	vst v7;
	v7 =	vld [tilespmem:$0x1FC30];
	_ =	sdelay $0x7  }
0x225: {  	[tilespmem:v7+s1+$0x0] =	vst.idx.msk $0xffff, v45;
	v7 =	vadd.s32 $0xF7, v47  }
0x226: {  	[tilespmem:$0x1FC40] =	vst v7  }
0x227: {  	[tilespmem:v5+s1+$0x0] =	vst.idx.msk $0xffff, v4  }
0x228: {  	v4 =	vld [tilespmem:$0x1FC50];
	_ =	sdelay $0x1  }
0x229: {  	v8 =	vadd.s32 $0x293, v8;
	_ =	sdelay $0x1  }
0x22a: {  	v43 =	vadd.s32 $0x1, v24;
	v24 =	vadd.s32 v63, v36;
	_ =	sdelay $0x1  }
0x22b: {  	v30 =	vadd.s32 v59, v35  }
0x22c: {  	v7 =	vadd.s32 $0x291, v9;
	[tilespmem:v17+s1+$0x0] =	vst.idx.msk $0xffff, v10;
	v8 =	vld.idx.msk [tilespmem:v8+s24+$0x0], $0xffff  }
0x22d: {  	v4 =	vld.idx.msk [tilespmem:v4+s24+$0x0], $0xffff;
	[tilespmem:$0x1FC60] =	vst v7  }
0x22e: {  	v14 =	vmovc v0;
	v5 =	vshll.u32 v11, $0x1;
	v11 =	vadd.s32 v0, v34;
	v0 =	vadd.s32 $0x292, v9;
	[tilespmem:v24+s1+$0x0] =	vst.idx.msk $0xffff, v22  }
0x22f: {  	v20 =	vld.idx.msk [tilespmem:v20+s24+$0x0], $0xffff;
	[tilespmem:$0x1FC70] =	vst v0  }
0x230: {  	v0 =	vadd.s32 $0x293, v9;
	[tilespmem:v30+s1+$0x0] =	vst.idx.msk $0xffff, v3;
	v3 =	vld.idx.msk [tilespmem:v43+s24+$0x0], $0xffff  }
0x231: {  	[tilespmem:$0x1FC80] =	vst v0;
	v0 =	vld [tilespmem:$0x1FC90];
	_ =	sdelay $0x3  }
0x232: {  	v49 =	vadd.s32 $0x20, v6;
	_ =	sdelay $0x2  }
0x233: {  	v28 =	vadd.s32 $0x290, v9;
	v10 =	vadd.f32 $-1.392114070e+01, v46;
	v9 =	vshll.u32 v31, $0x1  }
0x234: {  	[tilespmem:v0+s1+$0x0] =	vst.idx.msk $0xffff, v4;
	v0 =	vadd.s32 $0x2C0, v9  }
0x235: {  	v38 =	vmul.f32 v10, v10;
	v10 =	vld.idx.msk [tilespmem:v49+s24+$0x0], $0xffff;
	[tilespmem:$0x1FCA0] =	vst v0;
	v0 =	vadd.s32 $0x2C1, v9  }
0x236: {  	[tilespmem:$0x1FCB0] =	vst v0  }
0x237: {  	[tilespmem:v11+s1+$0x0] =	vst.idx.msk $0xffff, v8  }
0x238: {  	v7 =	vld [tilespmem:$0x1FCC0];
	_ =	sdelay $0x4  }
0x239: {  	v4 =	vld.idx.msk [tilespmem:v50+s24+$0x0], $0xffff;
	v0 =	vadd.s32 $0x1, v7  }
0x23a: {  	[tilespmem:$0x1FCD0] =	vst v0;
	v0 =	vld [tilespmem:$0x1FCE0];
	_ =	sdelay $0x3  }
0x23b: {  	v44 =	vadd.s32 v55, v44  }
0x23c: {  	v49 =	vadd.s32 v60, v35;
	_ =	sdelay $0x2  }
0x23d: {  	[tilespmem:v0+s1+$0x0] =	vst.idx.msk $0xffff, v20  }
0x23e: {  	v0 =	vld [tilespmem:$0x1FCF0];
	[tilespmem:v44+s1+$0x0] =	vst.idx.msk $0xffff, v3  }
0x23f: {  	[tilespmem:v49+s1+$0x0] =	vst.idx.msk $0xffff, v10  }
0x240: {  	v24 =	vadd.s32 $0x2C0, v5;
	v10 =	vld [tilespmem:$0x1FFE0];
	_ =	sdelay $0x1  }
0x241: {  	v9 =	vadd.s32 v58, v36;
	v50 =	vimm.s32 $0x2DC  }
0x242: {  	v11 =	vsel vm4, $0x2DE, v50  }
0x243: {  	v11 =	vsel vm5, $0x2E0, v11;
	v8 =	vld.idx.msk [tilespmem:v7+s24+$0x0], $0xffff  }
0x244: {  	v7 =	vld.idx.msk [tilespmem:v24+s24+$0x0], $0xffff;
	v42 =	vmul.u32 $0xA, v0;
	v0 =	vsel vm6, $0x2E2, v11;
	v11 =	vadd.s32 v10, v36  }
0x245: {  	v3 =	vld.idx.msk [tilespmem:v29+s24+$0x0], $0xffff;
	[tilespmem:$0x1FD00] =	vst v11  }
0x246: {  	[tilespmem:v9+s1+$0x0] =	vst.idx.msk $0xffff, v4;
	v4 =	vadd.s32 v52, v36  }
0x247: {  	[tilespmem:$0x1FD10] =	vst v4;
	v4 =	vadd.s32 v53, v36  }
0x248: {  	[tilespmem:$0x1FD20] =	vst v4;
	v4 =	vld [tilespmem:$0x1FD30];
	_ =	sdelay $0x4  }
0x249: {  	v58 =	vadd.s32 v12, v34;
	_ =	sdelay $0x2  }
0x24a: {  	[tilespmem:v4+s1+$0x0] =	vst.idx.msk $0xffff, v8;
	v4 =	vadd.s32 v56, v36  }
0x24b: {  	[tilespmem:$0x1FD40] =	vst v4  }
0x24c: {  	[tilespmem:v58+s1+$0x0] =	vst.idx.msk $0xffff, v7  }
0x24d: {  	v4 =	vld [tilespmem:$0x1FF40];
	_ =	sdelay $0x4  }
0x24e: {  	v30 =	vadd.s32 v4, v36;
	v4 =	vld [tilespmem:$0x1FF20];
	_ =	sdelay $0x4  }
0x24f: {  	v4 =	vadd.s32 v4, v36  }
0x250: {  	[tilespmem:$0x1FD50] =	vst v4;
	v4 =	vld [tilespmem:$0x1FD60];
	_ =	sdelay $0x7  }
0x251: {  	[tilespmem:v4+s1+$0x0] =	vst.idx.msk $0xffff, v3;
	v3 =	vadd.s32 $0x1, v27  }
0x252: {  	[tilespmem:$0x1FD80] =	vst v3;
	v3 =	vld [tilespmem:$0x1FF50];
	_ =	sdelay $0x4  }
0x253: {  	v6 =	vadd.s32 $0x21, v6;
	[tilespmem:$0x1FD70] =	vst v27;
	v27 =	vadd.s32 v3, v36;
	v3 =	vld [tilespmem:$0x1FF30];
	_ =	sdelay $0x3  }
0x254: {  	v2 =	vadd.s32 v2, v36;
	v4 =	vadd.s32 v23, v36  }
0x255: {  	v22 =	vadd.f32 $-1.163874050e+02, v21;
	v5 =	vadd.s32 $0x2C1, v5;
	v29 =	vadd.s32 v3, v36;
	v3 =	vld.idx.msk [tilespmem:v6+s24+$0x0], $0xffff;
	[tilespmem:$0x1FD90] =	vst v4  }
0x256: {  	v1 =	vadd.s32 v1, v36;
	v33 =	vadd.s32 $0xF8, v47;
	v37 =	vadd.s32 v59, v36;
	[tilespmem:$0x1FDA0] =	vst v2  }
0x257: {  	v32 =	vadd.s32 $0xF9, v47;
	v31 =	vadd.s32 v19, v36;
	v4 =	vld.idx.msk [tilespmem:v51+s24+$0x0], $0xffff;
	[tilespmem:$0x1FDB0] =	vst v1;
	v1 =	vadd.s32 v15, v36  }
0x258: {  	v43 =	vadd.f32 $-2.978951070e+01, v46;
	v45 =	vmul.f32 v22, v22;
	[tilespmem:$0x1FDC0] =	vst v1;
	v1 =	vadd.s32 v14, v36  }
0x259: {  	v46 =	vadd.s32 v57, v36;
	v22 =	vmovc v13;
	v47 =	vsel vm12, $0x2DE, v50;
	v2 =	vadd.s32 v12, v36;
	[tilespmem:$0x1FDD0] =	vst v1  }
0x25a: {  	v24 =	vadd.s32 v60, v36;
	v0 =	vsel vm7, $0x2E4, v0;
	v1 =	vld.idx.msk [tilespmem:v5+s24+$0x0], $0xffff;
	[tilespmem:$0x1FDE0] =	vst v2;
	v2 =	vadd.s32 v22, v36  }
0x25b: {  	v44 =	vadd.f32 $-4.027951430e+01, v21;
	v10 =	vadd.s32 v10, v35;
	v0 =	vsel vm8, $0x2E6, v0;
	[tilespmem:$0x1FDF0] =	vst v2  }
0x25c: {  	s29 =	simm.s32 $0x4;
	s30 =	simm.s32 $0x70;
	v0 =	vsel vm10, $0x2E8, v0;
	v5 =	vadd.s32 $0xF0, v42;
	v2 =	vld.idx.msk [tilespmem:v48+s24+$0x0], $0xffff;
	v48 =	vadd.s32 v22, v34  }
.LBB2_2:
0x25d: {  	v8 =	vld [tilespmem:$0x1FD90];
	_ =	sdelay $0x4  }
0x25e: {  	v6 =	vld [tilespmem:s30+$0x0];
	[tilespmem:v10+s1+$0x0] =	vst.idx.msk $0xffff, v3;
	v3 =	vsel vm3, $0x2EA, v0;
	v0 =	vmov v8  }
0x25f: {  	vm4 =	vlt.f32 v62, v26;
	v7 =	vsel vm0, $0x2E0, v47;
	[tilespmem:$0x1F8C0] =	vst v0;
	v0 =	vadd.f32 v45, v38  }
0x260: {  	v11 =	vsel vm4, v62, v26;
	v7 =	vsel vm1, $0x2E2, v7  }
0x261: {  	v7 =	vsel vm2, $0x2E4, v7;
	vm0 =	vlt.f32 v0, v11  }
0x262: {  	v11 =	vsel vm0, v0, v11;
	v0 =	vsel vm4, $0x2E6, v7  }
0x263: {  	v5 =	vld.idx.msk [tilespmem:v5+s24+$0x0], $0xffff;
	[tilespmem:v48+s1+$0x0] =	vst.idx.msk $0xffff, v1;
	v1 =	vsel vm0, $0x2E8, v0;
	v0 =	vadd.s32 v54, v36  }
0x264: {  	[tilespmem:$0x1F8E0] =	vst v0;
	v0 =	vld [tilespmem:$0x1FA20];
	_ =	sdelay $0x3  }
0x265: {  	v10 =	vld [tilespmem:s30+$0xFFFFFFF0];
	[tilespmem:v37+s1+$0x0] =	vst.idx.msk $0xffff, v4;
	v4 =	vadd.s32 v52, v35;
	_ =	sdelay $0x2  }
0x266: {  	v26 =	vld.idx.msk [tilespmem:v41+s24+$0x0], $0xffff  }
0x267: {  	[tilespmem:v0+s1+$0x0] =	vst.idx.msk $0xffff, v2;
	v2 =	vld.idx.msk [tilespmem:v3+s24+$0x0], $0xffff  }
0x268: {  	[tilespmem:v4+s1+$0x0] =	vst.idx.msk $0xffff, v5;
	v4 =	vld [tilespmem:$0x1FCD0];
	_ =	sdelay $0x1  }
0x269: {  	[tilespmem:$0x1F7F0] =	vst v27;
	v27 =	vadd.s32 $0xF1, v42  }
0x26a: {  	v0 =	vmov v31;
	v5 =	vld [tilespmem:$0x1FD80]  }
0x26b: {  	[tilespmem:$0x1FA20] =	vst v0;
	v0 =	vshll.u32 v6, $0x2;
	v6 =	vld [tilespmem:$0x1FAC0];
	_ =	sdelay $0x1  }
0x26c: {  	[tilespmem:$0x1F6E0] =	vst v46;
	v46 =	vld [tilespmem:$0x1FFB0];
	v9 =	vmul.f32 v44, v44;
	v8 =	vmul.f32 v43, v43  }
0x26d: {  	s20 =	sadd.s32 $0x20, s20;
	v27 =	vld.idx.msk [tilespmem:v27+s24+$0x0], $0xffff  }
0x26e: {  	v13 =	vmovc v33;
	v8 =	vadd.f32 v9, v8;
	v9 =	vadd.s32 v54, v34;
	v7 =	vmov s20;
	v33 =	vld.idx.msk [tilespmem:v4+s24+$0x0], $0xffff;
	v4 =	vmovc v5  }
0x26f: {  	s22 =	sadd.s32 $0x20, s22;
	v3 =	vadd.s32 $0x1, v3;
	v37 =	vld.idx.msk [tilespmem:v0+s24+$0x0], $0xffff;
	[tilespmem:$0x1FCD0] =	vst v4;
	v4 =	vmul.u32 $0x21, v7  }
0x270: {  	[tilespmem:$0x1F720] =	vst v30;
	s23 =	sadd.s32 $0x20, s23;
	v5 =	vld [tilespmem:s22+$0x0]  }
0x271: {  	[tilespmem:$0x1F840] =	vst v29;
	v31 =	vbroadcast v4, $0x0;
	v4 =	vld [tilespmem:s23+$0x0]  }
0x272: {  	v30 =	vadd.s32 v53, v35;
	v29 =	vld.idx.msk [tilespmem:v6+s24+$0x0], $0xffff;
	[tilespmem:v24+s1+$0x0] =	vst.idx.msk $0xffff, v26  }
0x273: {  	v26 =	vld [tilespmem:$0x1FFC0];
	[tilespmem:v9+s1+$0x0] =	vst.idx.msk $0xffff, v2  }
0x274: {  	s21 =	sadd.s32 $0x20, s21;
	v3 =	vld.idx.msk [tilespmem:v3+s24+$0x0], $0xffff  }
0x275: {  	s25 =	sadd.s32 $0x20, s25;
	v62 =	vld [tilespmem:s21+$0x0]  }
0x276: {  	[tilespmem:$0x1F850] =	vst v4;
	v4 =	vld [tilespmem:s25+$0x0]  }
0x277: {  	[tilespmem:v30+s1+$0x0] =	vst.idx.msk $0xffff, v27;
	v27 =	vld [tilespmem:$0x1FFD0]  }
0x278: {  	v30 =	vld [tilespmem:$0x1FFF0]  }
0x279: {  	vm0 =	vlt.f32 v8, v11  }
0x27a: {  	[tilespmem:$0x1F860] =	vst v13;
	v13 =	vsel vm0, $0x2EA, v1;
	v1 =	vadd.s32 v46, v31  }
0x27b: {  	[tilespmem:$0x1F6D0] =	vst v1;
	v1 =	vadd.s32 v26, v31  }
0x27c: {  	[tilespmem:$0x1F710] =	vst v1;
	v1 =	vadd.s32 v27, v31  }
0x27d: {  	[tilespmem:$0x1F750] =	vst v1;
	v1 =	vadd.s32 v30, v31  }
0x27e: {  	s26 =	sadd.s32 $0x20, s26;
	[tilespmem:$0x1F7D0] =	vst v1;
	v1 =	vadd.s32 v63, v31  }
0x27f: {  	[tilespmem:$0x1F820] =	vst v1;
	v1 =	vld [tilespmem:s26+$0x0]  }
0x280: {  	[tilespmem:$0x1F6F0] =	vst v4;
	v4 =	vld [tilespmem:$0x1FA30]  }
0x281: {  	s0 =	sadd.s32 $0x10, s20;
	v6 =	vmov v28  }
0x282: {  	[tilespmem:$0x1FAC0] =	vst v6;
	v6 =	vmov s0;
	v2 =	vld [tilespmem:$0x1FF80]  }
0x283: {  	v7 =	vmul.u32 $0x21, v6  }
0x284: {  	[tilespmem:$0x1F770] =	vst v1;
	v1 =	vld [tilespmem:$0x1FF70]  }
0x285: {  	v48 =	vbroadcast v7, $0x0  }
0x286: {  	v7 =	vadd.s32 $0xF2, v42  }
0x287: {  	v8 =	vadd.s32 v55, v36;
	v50 =	vadd.s32 v2, v31;
	v2 =	vadd.s32 v2, v48  }
0x288: {  	v58 =	vld [tilespmem:$0x1FE00];
	v11 =	vor.u32 $0x1, v0;
	v36 =	vmov v31;
	[tilespmem:v4+s1+$0x0] =	vst.idx.msk $0xffff, v29;
	v29 =	vadd.s32 v55, v34  }
0x289: {  	v23 =	vld [tilespmem:$0x1FF90];
	v1 =	vadd.s32 v1, v36  }
0x28a: {  	v4 =	vld [tilespmem:$0x1FFA0];
	[tilespmem:$0x1F8A0] =	vst v1;
	v1 =	vadd.s32 v59, v36  }
0x28b: {  	s28 =	sadd.s32 $0x20, s28;
	v7 =	vld.idx.msk [tilespmem:v7+s24+$0x0], $0xffff;
	[tilespmem:$0x1F7A0] =	vst v1  }
0x28c: {  	v1 =	vld [tilespmem:s28+$0x0];
	[tilespmem:v2+s1+$0x0] =	vst.idx.msk $0xffff, v37  }
0x28d: {  	v12 =	vmov v32;
	v10 =	vshll.u32 v10, $0x2;
	v11 =	vld.idx.msk [tilespmem:v11+s24+$0x0], $0xffff;
	[tilespmem:v29+s1+$0x0] =	vst.idx.msk $0xffff, v3;
	v3 =	vadd.s32 v57, v36  }
0x28e: {  	v14 =	vadd.s32 v56, v35;
	v32 =	vadd.s32 v58, v31;
	v9 =	vadd.s32 v61, v31;
	[tilespmem:$0x1F700] =	vst v3;
	v3 =	vld [tilespmem:$0x1F9D0]  }
0x28f: {  	v43 =	vadd.s32 v23, v31;
	v54 =	vadd.s32 v4, v31;
	v31 =	vld [tilespmem:$0x1FF10];
	v2 =	vadd.s32 $0xF3, v42;
	_ =	sdelay $0x1  }
0x290: {  	v51 =	vadd.s32 v58, v48;
	v63 =	vadd.s32 v57, v35;
	v34 =	vmovc v35;
	v35 =	vmov v48;
	v48 =	vld [tilespmem:$0x1FB70]  }
0x291: {  	v41 =	vor.u32 $0x1, v10;
	v28 =	vor.u32 $0x2, v10;
	v6 =	vor.u32 $0x3, v10;
	v10 =	vld.idx.msk [tilespmem:v10+s24+$0x0], $0xffff  }
0x292: {  	v37 =	vld [tilespmem:$0x1FEC0];
	[tilespmem:v14+s1+$0x0] =	vst.idx.msk $0xffff, v7  }
0x293: {  	v59 =	vld.idx.msk [tilespmem:v2+s24+$0x0], $0xffff;
	v2 =	vadd.s32 v31, v36  }
0x294: {  	[tilespmem:$0x1F880] =	vst v2;
	v2 =	vld [tilespmem:$0x1FED0]  }
0x295: {  	v55 =	vld [tilespmem:s22+$0xFFFFFFF0];
	[tilespmem:v3+s1+$0x0] =	vst.idx.msk $0xffff, v33  }
0x296: {  	v33 =	vld [tilespmem:s23+$0xFFFFFFF0];
	_ =	sdelay $0x1  }
0x297: {  	[tilespmem:$0x1F8D0] =	vst v12;
	v16 =	vmov v61;
	v49 =	vadd.s32 v52, v36;
	v12 =	vld [tilespmem:s25+$0xFFFFFFF0]  }
0x298: {  	v52 =	vadd.s32 v53, v36;
	v53 =	vld [tilespmem:s21+$0xFFFFFFF0];
	v57 =	vadd.s32 v2, v36;
	v2 =	vadd.s32 v37, v36  }
0x299: {  	[tilespmem:$0x1F740] =	vst v2;
	v2 =	vld [tilespmem:s26+$0xFFFFFFF0]  }
0x29a: {  	v15 =	vmul.u32 $0xA, v33;
	v33 =	vadd.s32 v16, v35;
	v16 =	vmov v48;
	v48 =	vld [tilespmem:s28+$0xFFFFFFF0]  }
0x29b: {  	[tilespmem:v50+s1+$0x0] =	vst.idx.msk $0xffff, v10;
	v10 =	vld [tilespmem:$0x1FDA0];
	_ =	sdelay $0x3  }
0x29c: {  	v55 =	vmul.u32 $0xA, v55  }
0x29d: {  	v10 =	vmov v10  }
0x29e: {  	[tilespmem:$0x1FA30] =	vst v10;
	v10 =	vadd.s32 $0x1C, v55  }
0x29f: {  	[tilespmem:$0x1F760] =	vst v10;
	v10 =	vadd.s32 $0x1E, v55  }
0x2a0: {  	[tilespmem:$0x1F830] =	vst v10;
	v10 =	vadd.s32 $0x1F, v55  }
0x2a1: {  	[tilespmem:$0x1F8B0] =	vst v10;
	v10 =	vld [tilespmem:$0x1FBA0];
	_ =	sdelay $0x6  }
0x2a2: {  	v47 =	vadd.s32 v56, v36;
	v56 =	vor.u32 $0x2, v0  }
0x2a3: {  	[tilespmem:$0x1F9D0] =	vst v16;
	v16 =	vld.idx.msk [tilespmem:v10+s24+$0x0], $0xffff;
	v10 =	vadd.s32 $0x21, v55  }
0x2a4: {  	[tilespmem:$0x1FBA0] =	vst v10;
	v10 =	vld [tilespmem:$0x1FAE0];
	_ =	sdelay $0x1  }
0x2a5: {  	v14 =	vadd.s32 $0xF4, v42;
	[tilespmem:v51+s1+$0x0] =	vst.idx.msk $0xffff, v11  }
0x2a6: {  	v56 =	vld.idx.msk [tilespmem:v56+s24+$0x0], $0xffff  }
0x2a7: {  	v21 =	vld [tilespmem:$0x1FC60];
	v50 =	vor.u32 $0x3, v0  }
0x2a8: {  	v61 =	vld [tilespmem:$0x1FF00]  }
0x2a9: {  	[tilespmem:v63+s1+$0x0] =	vst.idx.msk $0xffff, v59  }
0x2aa: {  	v14 =	vld.idx.msk [tilespmem:v14+s24+$0x0], $0xffff  }
0x2ab: {  	v12 =	vshll.u32 v12, $0x2;
	[tilespmem:v33+s1+$0x0] =	vst.idx.msk $0xffff, v56;
	v20 =	vld.idx.msk [tilespmem:v10+s24+$0x0], $0xffff  }
0x2ac: {  	[tilespmem:$0x1F780] =	vst v1;
	v10 =	vmov v21;
	v21 =	vld.idx.msk [tilespmem:v50+s24+$0x0], $0xffff;
	v50 =	vadd.s32 $0x291, v12  }
0x2ad: {  	v1 =	vadd.s32 v60, v36;
	v60 =	vadd.s32 v61, v36;
	[tilespmem:$0x1FC60] =	vst v50;
	v50 =	vld [tilespmem:$0x1FD00]  }
0x2ae: {  	v0 =	vmov v60;
	v60 =	vld.idx.msk [tilespmem:v41+s24+$0x0], $0xffff  }
0x2af: {  	[tilespmem:$0x1F870] =	vst v1;
	v1 =	vld [tilespmem:$0x1FFE0];
	_ =	sdelay $0x2  }
0x2b0: {  	v17 =	vld [tilespmem:$0x1FF40];
	[tilespmem:$0x1F7B0] =	vst v62  }
0x2b1: {  	v62 =	vld [tilespmem:$0x1FF20];
	[tilespmem:v32+s1+$0x0] =	vst.idx.msk $0xffff, v60  }
0x2b2: {  	v1 =	vadd.s32 v1, v36;
	v24 =	vld.idx.msk [tilespmem:v28+s24+$0x0], $0xffff  }
0x2b3: {  	[tilespmem:v50+s1+$0x0] =	vst.idx.msk $0xffff, v16;
	v50 =	vmov v1;
	v1 =	vld [tilespmem:$0x1FBB0]  }
0x2b4: {  	[tilespmem:$0x1FD00] =	vst v50;
	v50 =	vld [tilespmem:$0x1FA70];
	_ =	sdelay $0x2  }
0x2b5: {  	v19 =	vadd.s32 $0xF5, v42;
	[tilespmem:$0x1F790] =	vst v13;
	v18 =	vadd.s32 v22, v36;
	v29 =	vld [tilespmem:$0x1FEE0];
	v11 =	vmov v8  }
0x2b6: {  	v58 =	vadd.s32 v17, v34;
	v22 =	vadd.s32 v23, v35;
	[tilespmem:$0x1FB70] =	vst v11;
	v3 =	vadd.s32 v17, v36  }
0x2b7: {  	v8 =	vadd.s32 $0x19, v55;
	v51 =	vadd.s32 $0x1A, v55;
	[tilespmem:$0x1F730] =	vst v3;
	v3 =	vadd.s32 v62, v36  }
0x2b8: {  	v11 =	vadd.s32 $0x18, v55;
	v59 =	vadd.s32 $0x1D, v55;
	[tilespmem:$0x1F7C0] =	vst v3;
	v3 =	vadd.s32 $0x1, v13  }
0x2b9: {  	[tilespmem:$0x1FDA0] =	vst v0;
	v0 =	vadd.s32 $0x1B, v55;
	v41 =	vadd.s32 $0x20, v55;
	v55 =	vmul.u32 $0xA, v5;
	v1 =	vld.idx.msk [tilespmem:v1+s24+$0x0], $0xffff  }
0x2ba: {  	v13 =	vadd.s32 v29, v36;
	vm0 =	vgt.s32 v53, $0x11;
	v23 =	vadd.s32 $0xF7, v15;
	[tilespmem:v50+s1+$0x0] =	vst.idx.msk $0xffff, v20;
	v50 =	vld [tilespmem:$0x1FDB0]  }
0x2bb: {  	vm1 =	vgt.s32 v53, $0x18;
	v17 =	vadd.s32 $0xF0, v15;
	[tilespmem:$0x1F810] =	vst v23;
	v23 =	vadd.s32 $0x18, v55  }
0x2bc: {  	[tilespmem:$0x1F7E0] =	vst v18;
	v18 =	vadd.s32 $0xF1, v15;
	v63 =	vadd.s32 $0xF5, v15;
	v56 =	vadd.s32 $0xF3, v15  }
0x2bd: {  	v33 =	vadd.s32 $0xF8, v15;
	v5 =	vadd.s32 $0xF4, v15;
	v60 =	vadd.s32 $0xF6, v15;
	[tilespmem:v58+s1+$0x0] =	vst.idx.msk $0xffff, v14  }
0x2be: {  	v32 =	vadd.s32 $0xF9, v15;
	v58 =	vimm.s32 $0x0;
	[tilespmem:$0x1FAE0] =	vst v10;
	v10 =	vadd.s32 $0xF2, v15;
	v15 =	vld.idx.msk [tilespmem:v19+s24+$0x0], $0xffff  }
0x2bf: {  	v19 =	vsel vm0, $0x1, v58;
	[tilespmem:v22+s1+$0x0] =	vst.idx.msk $0xffff, v21;
	v16 =	vadd.s32 v62, v34;
	v20 =	vsel vm1, $0x1, v58;
	v62 =	vmovc v50  }
0x2c0: {  	v19 =	vadd.s32 v20, v19;
	v20 =	vld.idx.msk [tilespmem:v23+s24+$0x0], $0xffff;
	v23 =	vmov v13  }
0x2c1: {  	[tilespmem:$0x1FDB0] =	vst v23  }
0x2c2: {  	v14 =	vadd.s32 $0x292, v12;
	v22 =	vld [tilespmem:$0x1FAF0];
	[tilespmem:$0x1FA70] =	vst v62;
	v62 =	vmov v17  }
0x2c3: {  	v23 =	vadd.s32 v4, v35;
	v4 =	vmov v14;
	[tilespmem:$0x1FBB0] =	vst v62;
	v62 =	vld [tilespmem:$0x1FC70]  }
0x2c4: {  	[tilespmem:$0x1FC70] =	vst v4;
	v4 =	vld [tilespmem:$0x1FD10];
	_ =	sdelay $0x5  }
0x2c5: {  	v22 =	vld.idx.msk [tilespmem:v22+s24+$0x0], $0xffff;
	[tilespmem:v9+s1+$0x0] =	vst.idx.msk $0xffff, v24  }
0x2c6: {  	v6 =	vld.idx.msk [tilespmem:v6+s24+$0x0], $0xffff  }
0x2c7: {  	[tilespmem:v4+s1+$0x0] =	vst.idx.msk $0xffff, v1;
	v4 =	vld [tilespmem:$0x1FBC0];
	_ =	sdelay $0x4  }
0x2c8: {  	vm0 =	vgt.s32 v53, $0x1D  }
0x2c9: {  	vm1 =	vgt.s32 v53, $0x22;
	v13 =	vsel vm0, $0x1, v58  }
0x2ca: {  	v38 =	vld [tilespmem:$0x1FF50];
	v13 =	vadd.s32 v13, v19;
	v17 =	vsel vm1, $0x1, v58  }
0x2cb: {  	v21 =	vadd.s32 $0xF6, v42;
	v13 =	vadd.s32 v17, v13;
	v17 =	vld.idx.msk [tilespmem:v4+s24+$0x0], $0xffff  }
0x2cc: {  	v4 =	vld [tilespmem:$0x1FA80];
	_ =	sdelay $0x2  }
0x2cd: {  	[tilespmem:v16+s1+$0x0] =	vst.idx.msk $0xffff, v15  }
0x2ce: {  	v9 =	vadd.s32 $0x19, v55;
	v19 =	vadd.s32 v38, v34;
	v1 =	vld.idx.msk [tilespmem:v21+s24+$0x0], $0xffff  }
0x2cf: {  	v24 =	vld [tilespmem:$0x1FDC0];
	[tilespmem:v23+s1+$0x0] =	vst.idx.msk $0xffff, v20;
	v20 =	vadd.s32 $0xF7, v42  }
0x2d0: {  	[tilespmem:$0x1FD80] =	vst v3;
	v3 =	vadd.s32 v38, v36  }
0x2d1: {  	[tilespmem:$0x1F800] =	vst v3;
	v3 =	vld [tilespmem:$0x1FF30];
	v50 =	vmov v62;
	v62 =	vmov v49  }
0x2d2: {  	v16 =	vadd.f32 $8.289102940e+01, v48;
	[tilespmem:v4+s1+$0x0] =	vst.idx.msk $0xffff, v22;
	v4 =	vld [tilespmem:$0x1FB00]  }
0x2d3: {  	v9 =	vld.idx.msk [tilespmem:v9+s24+$0x0], $0xffff;
	[tilespmem:v19+s1+$0x0] =	vst.idx.msk $0xffff, v1  }
0x2d4: {  	v38 =	vmov v24;
	[tilespmem:$0x1FD10] =	vst v62;
	v62 =	vmov v57;
	v57 =	vmul.f32 v16, v16;
	v16 =	vld.idx.msk [tilespmem:v20+s24+$0x0], $0xffff  }
0x2d5: {  	v21 =	vadd.f32 $-2.322243310e+01, v2;
	[tilespmem:$0x1FA80] =	vst v38;
	v38 =	vld [tilespmem:$0x1FD20]  }
0x2d6: {  	v20 =	vld [tilespmem:$0x1FBD0]  }
0x2d7: {  	v7 =	vadd.s32 v3, v36;
	v1 =	vmul.f32 v21, v21;
	v21 =	vadd.s32 v3, v34;
	v3 =	vld [tilespmem:$0x1FAB0];
	_ =	sdelay $0x2  }
0x2d8: {  	v23 =	vld.idx.msk [tilespmem:v4+s24+$0x0], $0xffff;
	_ =	sdelay $0x1  }
0x2d9: {  	v44 =	vld [tilespmem:$0x1FEF0];
	[tilespmem:v43+s1+$0x0] =	vst.idx.msk $0xffff, v6  }
0x2da: {  	v11 =	vld.idx.msk [tilespmem:v11+s24+$0x0], $0xffff;
	[tilespmem:v38+s1+$0x0] =	vst.idx.msk $0xffff, v17  }
0x2db: {  	vm0 =	vgt.s32 v53, $0x27;
	[tilespmem:$0x1FAF0] =	vst v50;
	v20 =	vld.idx.msk [tilespmem:v20+s24+$0x0], $0xffff  }
0x2dc: {  	v50 =	vsel vm0, $0x1, v58;
	vm0 =	vgt.s32 v53, $0x2C;
	[tilespmem:v3+s1+$0x0] =	vst.idx.msk $0xffff, v23;
	v3 =	vld [tilespmem:$0x1FB30]  }
0x2dd: {  	v45 =	vld [tilespmem:$0x1FF60];
	v13 =	vadd.s32 v50, v13;
	v14 =	vsel vm0, $0x1, v58;
	vm0 =	vgt.s32 v53, $0x31  }
0x2de: {  	v49 =	vld [tilespmem:$0x1FC80];
	v13 =	vadd.s32 v14, v13;
	v14 =	vsel vm0, $0x1, v58  }
0x2df: {  	v13 =	vadd.s32 v14, v13;
	v14 =	vadd.s32 v46, v35;
	_ =	sdelay $0x1  }
0x2e0: {  	vm0 =	vgt.s32 v53, $0x36  }
0x2e1: {  	[tilespmem:$0x1F890] =	vst v7;
	v7 =	vadd.s32 v45, v36;
	v50 =	vsel vm0, $0x1, v58;
	vm0 =	vgt.s32 v53, $0x3B  }
0x2e2: {  	[tilespmem:$0x1FD90] =	vst v7;
	v7 =	vadd.s32 v44, v36;
	v4 =	vmovc v49;
	v49 =	vsel vm0, $0x1, v58;
	vm0 =	vgt.s32 v53, $0x40;
	v53 =	vld [tilespmem:$0x1FDD0]  }
0x2e3: {  	[tilespmem:v14+s1+$0x0] =	vst.idx.msk $0xffff, v9;
	v14 =	vld.idx.msk [tilespmem:v3+s24+$0x0], $0xffff;
	v3 =	vmov v7  }
0x2e4: {  	v28 =	vadd.s32 $0x290, v12;
	v12 =	vadd.s32 $0x293, v12;
	v15 =	vadd.f32 $-3.668147660e+01, v2;
	[tilespmem:$0x1FDD0] =	vst v3;
	v3 =	vld [tilespmem:$0x1FD40]  }
0x2e5: {  	v6 =	vmov v12  }
0x2e6: {  	[tilespmem:$0x1FC80] =	vst v6;
	v6 =	vmul.f32 v15, v15  }
0x2e7: {  	v46 =	vadd.f32 $-2.237931340e-01, v48;
	v43 =	vadd.f32 $-5.004997630e+01, v2  }
0x2e8: {  	v6 =	vadd.f32 v57, v6  }
0x2e9: {  	v57 =	vmul.f32 v46, v46;
	v7 =	vmul.f32 v43, v43;
	[tilespmem:v54+s1+$0x0] =	vst.idx.msk $0xffff, v11  }
0x2ea: {  	v8 =	vld.idx.msk [tilespmem:v8+s24+$0x0], $0xffff  }
0x2eb: {  	v7 =	vadd.f32 v57, v7;
	v57 =	vld [tilespmem:$0x1F6D0]  }
0x2ec: {  	[tilespmem:v3+s1+$0x0] =	vst.idx.msk $0xffff, v20;
	v3 =	vld [tilespmem:$0x1FBF0]  }
0x2ed: {  	v20 =	vadd.f32 $-1.487159120e+02, v48  }
0x2ee: {  	[tilespmem:$0x1FB00] =	vst v4;
	v4 =	vadd.s32 $0x1A, v55  }
0x2ef: {  	v54 =	vmul.f32 v20, v20;
	v20 =	vld [tilespmem:$0x1FCA0];
	_ =	sdelay $0x1  }
0x2f0: {  	v22 =	vadd.f32 $-7.823027800e+01, v48;
	_ =	sdelay $0x1  }
0x2f1: {  	[tilespmem:$0x1FDC0] =	vst v62;
	v4 =	vld.idx.msk [tilespmem:v4+s24+$0x0], $0xffff  }
0x2f2: {  	v9 =	vadd.s32 $0xF8, v42;
	v62 =	vmul.f32 v22, v22;
	v43 =	vld.idx.msk [tilespmem:v3+s24+$0x0], $0xffff;
	[tilespmem:v57+s1+$0x0] =	vst.idx.msk $0xffff, v8;
	v8 =	vmov v20  }
0x2f3: {  	v45 =	vadd.s32 v45, v34;
	v22 =	vmov v52;
	v52 =	vadd.s32 v26, v35;
	[tilespmem:$0x1FB30] =	vst v8;
	v8 =	vld [tilespmem:$0x1F6E0]  }
0x2f4: {  	v13 =	vadd.s32 v50, v13;
	v1 =	vadd.f32 v62, v1;
	v62 =	vadd.f32 $-3.793094640e+01, v2  }
0x2f5: {  	v24 =	vmovc v18;
	v13 =	vadd.s32 v49, v13;
	v50 =	vsel vm0, $0x1, v58;
	v38 =	vadd.f32 $1.170074160e+02, v48  }
0x2f6: {  	v12 =	vadd.s32 v50, v13;
	v13 =	vmul.f32 v62, v62;
	v18 =	vmov v53;
	[tilespmem:v21+s1+$0x0] =	vst.idx.msk $0xffff, v16  }
0x2f7: {  	vm3 =	vlt.f32 v1, v6;
	[tilespmem:$0x1FAB0] =	vst v18;
	v18 =	vmul.f32 v38, v38;
	v9 =	vld.idx.msk [tilespmem:v9+s24+$0x0], $0xffff;
	v11 =	vadd.s32 $0x1B, v55  }
0x2f8: {  	v21 =	vadd.f32 $3.279586410e+01, v2;
	v1 =	vsel vm3, v1, v6;
	[tilespmem:v52+s1+$0x0] =	vst.idx.msk $0xffff, v4;
	v4 =	vadd.s32 $0xF9, v42  }
0x2f9: {  	v46 =	vmovc v10;
	v10 =	vadd.f32 v18, v13;
	vm0 =	vlt.f32 v7, v1;
	v3 =	vmov v47  }
0x2fa: {  	v12 =	vshll.u32 v12, $0x1;
	v1 =	vsel vm0, v7, v1;
	[tilespmem:$0x1FD40] =	vst v3;
	v3 =	vmul.f32 v21, v21;
	v21 =	vld.idx.msk [tilespmem:v51+s24+$0x0], $0xffff  }
0x2fb: {  	v53 =	vmovc v56;
	v56 =	vadd.f32 $1.857054900e+01, v2;
	v6 =	vadd.s32 $0x2C0, v12;
	vm1 =	vlt.f32 v10, v1;
	[tilespmem:v8+s1+$0x0] =	vst.idx.msk $0xffff, v43;
	v8 =	vld [tilespmem:$0x1FC00]  }
0x2fc: {  	v11 =	vld.idx.msk [tilespmem:v11+s24+$0x0], $0xffff;
	[tilespmem:v45+s1+$0x0] =	vst.idx.msk $0xffff, v9;
	v1 =	vsel vm1, v10, v1;
	v3 =	vadd.f32 v54, v3  }
0x2fd: {  	v4 =	vld.idx.msk [tilespmem:v4+s24+$0x0], $0xffff;
	v47 =	vadd.s32 v27, v35;
	v20 =	vadd.f32 $-1.392114070e+01, v2;
	v43 =	vadd.f32 $-2.978951070e+01, v2;
	v2 =	vmovc v6  }
0x2fe: {  	vm2 =	vlt.f32 v3, v1;
	[tilespmem:$0x1FCA0] =	vst v2;
	v2 =	vld [tilespmem:$0x1F710]  }
0x2ff: {  	v5 =	vmov v5;
	v62 =	vadd.s32 $0x1C, v55;
	v26 =	vsel vm2, v3, v1;
	v3 =	vld [tilespmem:$0x1F720]  }
0x300: {  	[tilespmem:$0x1FC00] =	vst v5;
	v5 =	vld [tilespmem:$0x1F730]  }
0x301: {  	v7 =	vadd.f32 $5.428025440e+01, v48;
	v51 =	vld [tilespmem:$0x1F6F0]  }
0x302: {  	[tilespmem:v47+s1+$0x0] =	vst.idx.msk $0xffff, v11;
	v47 =	vld [tilespmem:$0x1FB20]  }
0x303: {  	v9 =	vmul.f32 v56, v56;
	v7 =	vmul.f32 v7, v7;
	v49 =	vld.idx.msk [tilespmem:v8+s24+$0x0], $0xffff  }
0x304: {  	v10 =	vld.idx.msk [tilespmem:v62+s24+$0x0], $0xffff  }
0x305: {  	v62 =	vadd.f32 v7, v9;
	v9 =	vadd.s32 v30, v35;
	v30 =	vmov v5;
	v5 =	vld [tilespmem:$0x1FC10]  }
0x306: {  	v8 =	vld [tilespmem:$0x1F9B0];
	[tilespmem:v2+s1+$0x0] =	vst.idx.msk $0xffff, v21  }
0x307: {  	v1 =	vld.idx.msk [tilespmem:v0+s24+$0x0], $0xffff  }
0x308: {  	v52 =	vmov v51;
	[tilespmem:v3+s1+$0x0] =	vst.idx.msk $0xffff, v49;
	v49 =	vld [tilespmem:$0x1FB40]  }
0x309: {  	[tilespmem:$0x1F9B0] =	vst v52;
	v52 =	vld [tilespmem:$0x1F750];
	_ =	sdelay $0x5  }
0x30a: {  	v15 =	vld.idx.msk [tilespmem:v5+s24+$0x0], $0xffff;
	[tilespmem:v47+s1+$0x0] =	vst.idx.msk $0xffff, v14  }
0x30b: {  	v17 =	vld.idx.msk [tilespmem:v49+s24+$0x0], $0xffff  }
0x30c: {  	[tilespmem:v52+s1+$0x0] =	vst.idx.msk $0xffff, v1;
	v1 =	vld [tilespmem:$0x1F760];
	_ =	sdelay $0x6  }
0x30d: {  	v50 =	vadd.s32 v31, v34  }
0x30e: {  	[tilespmem:$0x1FBC0] =	vst v24;
	v24 =	vld.idx.msk [tilespmem:v1+s24+$0x0], $0xffff  }
0x30f: {  	v12 =	vadd.s32 $0x2C1, v12;
	v1 =	vld [tilespmem:$0x1F770]  }
0x310: {  	[tilespmem:$0x1FD20] =	vst v22;
	v22 =	vmov v12  }
0x311: {  	v23 =	vld [tilespmem:$0x1FCB0];
	v18 =	vadd.f32 $-5.004997630e+01, v25;
	[tilespmem:$0x1FCB0] =	vst v22;
	v22 =	vadd.f32 $-3.668147660e+01, v25  }
0x312: {  	v42 =	vadd.f32 $-2.322243310e+01, v25;
	[tilespmem:v50+s1+$0x0] =	vst.idx.msk $0xffff, v4;
	v4 =	vadd.f32 $1.857054900e+01, v25  }
0x313: {  	v7 =	vadd.f32 $3.279586410e+01, v25;
	v6 =	vadd.f32 $-2.978951070e+01, v25  }
0x314: {  	v2 =	vadd.f32 $-1.392114070e+01, v25;
	v14 =	vadd.f32 $-3.793094640e+01, v25;
	v25 =	vmov v1;
	v1 =	vld [tilespmem:$0x1FD50];
	_ =	sdelay $0x5  }
0x315: {  	v21 =	vld [tilespmem:$0x1F740];
	v8 =	vshll.u32 v8, $0x2  }
0x316: {  	v11 =	vadd.s32 $0x290, v8  }
0x317: {  	[tilespmem:v1+s1+$0x0] =	vst.idx.msk $0xffff, v15;
	v1 =	vld [tilespmem:$0x1F780];
	_ =	sdelay $0x1  }
0x318: {  	v19 =	vadd.f32 $1.170074160e+02, v39;
	v23 =	vmov v23;
	v0 =	vadd.f32 $-4.027951430e+01, v39  }
0x319: {  	v50 =	vld [tilespmem:$0x1FDE0];
	v3 =	vadd.f32 $-1.163874050e+02, v39;
	[tilespmem:$0x1FB40] =	vst v23;
	v23 =	vadd.f32 $8.289102940e+01, v39;
	v21 =	vmov v21  }
0x31a: {  	v5 =	vadd.f32 $5.428025440e+01, v39;
	[tilespmem:$0x1FDE0] =	vst v21;
	v21 =	vadd.f32 $-2.237931340e-01, v39;
	v11 =	vld.idx.msk [tilespmem:v11+s24+$0x0], $0xffff  }
0x31b: {  	[tilespmem:v9+s1+$0x0] =	vst.idx.msk $0xffff, v10;
	v9 =	vadd.f32 $-1.487159120e+02, v39;
	v49 =	vadd.f32 $-7.823027800e+01, v39;
	v39 =	vmov v1;
	v1 =	vld [tilespmem:$0x1FC20]  }
0x31c: {  	v56 =	vadd.s32 $0x1D, v55;
	v57 =	vadd.s32 v61, v34  }
0x31d: {  	v10 =	vadd.s32 $0x291, v8  }
0x31e: {  	v38 =	vmul.f32 v20, v20;
	v20 =	vmov v63;
	v63 =	vld [tilespmem:$0x1FE30];
	_ =	sdelay $0x1  }
0x31f: {  	v15 =	vadd.s32 v29, v34;
	v29 =	vld [tilespmem:$0x1F7C0]  }
0x320: {  	v13 =	vld.idx.msk [tilespmem:v56+s24+$0x0], $0xffff;
	[tilespmem:v57+s1+$0x0] =	vst.idx.msk $0xffff, v11  }
0x321: {  	[tilespmem:$0x1FBF0] =	vst v53;
	v53 =	vadd.f32 $-1.163874050e+02, v48;
	v10 =	vld.idx.msk [tilespmem:v10+s24+$0x0], $0xffff  }
0x322: {  	[tilespmem:$0x1FC10] =	vst v20;
	v20 =	vadd.s32 v63, v35;
	v11 =	vld.idx.msk [tilespmem:v1+s24+$0x0], $0xffff  }
0x323: {  	v45 =	vmul.f32 v53, v53;
	v53 =	vadd.s32 $0x1E, v55;
	v1 =	vld [tilespmem:$0x1FB50]  }
0x324: {  	v57 =	vmov v29;
	v29 =	vld [tilespmem:$0x1FDF0];
	_ =	sdelay $0x1  }
0x325: {  	v54 =	vld [tilespmem:$0x1F700]  }
0x326: {  	[tilespmem:v20+s1+$0x0] =	vst.idx.msk $0xffff, v13;
	v20 =	vld [tilespmem:$0x1F7B0]  }
0x327: {  	v12 =	vld.idx.msk [tilespmem:v53+s24+$0x0], $0xffff  }
0x328: {  	[tilespmem:v15+s1+$0x0] =	vst.idx.msk $0xffff, v10;
	v10 =	vld [tilespmem:$0x1F7F0];
	v27 =	vmov v29  }
0x329: {  	[tilespmem:$0x1FB50] =	vst v27;
	v27 =	vld [tilespmem:$0x1F7D0]  }
0x32a: {  	[tilespmem:v1+s1+$0x0] =	vst.idx.msk $0xffff, v17;
	v1 =	vld [tilespmem:$0x1FD70]  }
0x32b: {  	v29 =	vld [tilespmem:$0x1F7E0]  }
0x32c: {  	vm8 =	vgt.s32 v40, $0x3B;
	vm6 =	vgt.s32 v40, $0x31  }
0x32d: {  	vm9 =	vgt.s32 v40, $0x36;
	vm7 =	vgt.s32 v40, $0x22;
	vm5 =	vgt.s32 v40, $0x27  }
0x32e: {  	vm10 =	vgt.s32 v40, $0x11;
	vm11 =	vgt.s32 v40, $0x1D;
	vm12 =	vgt.s32 v40, $0x18;
	v61 =	vld [tilespmem:$0x1FE20]  }
0x32f: {  	vm4 =	vgt.s32 v40, $0x2C;
	v31 =	vimm.s32 $0x2DC;
	[tilespmem:$0x1FBD0] =	vst v46;
	v16 =	vadd.s32 v44, v34;
	v46 =	vmovc v54;
	v54 =	vld [tilespmem:$0x1F790];
	v51 =	vmovc v50  }
0x330: {  	v50 =	vsel vm12, $0x1, v58;
	v47 =	vsel vm3, $0x2DE, v31;
	vm3 =	vgt.s32 v40, $0x40;
	v40 =	vmovc v20;
	v20 =	vld [tilespmem:$0x1FF70];
	v29 =	vmovc v29  }
0x331: {  	v6 =	vmul.f32 v6, v6;
	v0 =	vmul.f32 v0, v0;
	v53 =	vsel vm10, $0x1, v58;
	[tilespmem:$0x1FDF0] =	vst v29;
	v29 =	vld [tilespmem:$0x1F810]  }
0x332: {  	v53 =	vadd.s32 v50, v53;
	v50 =	vsel vm11, $0x1, v58;
	v1 =	vld.idx.msk [tilespmem:v1+s24+$0x0], $0xffff;
	[tilespmem:v27+s1+$0x0] =	vst.idx.msk $0xffff, v24  }
0x333: {  	v44 =	vld.idx.msk [tilespmem:v59+s24+$0x0], $0xffff;
	[tilespmem:v10+s1+$0x0] =	vst.idx.msk $0xffff, v11;
	v10 =	vadd.s32 v50, v53;
	v11 =	vsel vm7, $0x1, v58  }
0x334: {  	v0 =	vadd.f32 v0, v6;
	v6 =	vld [tilespmem:$0x1F8C0];
	v27 =	vmovc v60;
	v50 =	vsel vm5, $0x1, v58;
	v11 =	vadd.s32 v11, v10  }
0x335: {  	v13 =	vadd.s32 $0x292, v8;
	v15 =	vsel vm4, $0x1, v58;
	[tilespmem:$0x1FC20] =	vst v27;
	v27 =	vld [tilespmem:$0x1FC40];
	v11 =	vadd.s32 v50, v11  }
0x336: {  	v10 =	vld [tilespmem:$0x1FED0];
	v11 =	vadd.s32 v15, v11;
	v15 =	vmul.f32 v22, v22;
	v22 =	vmul.f32 v23, v23;
	v23 =	vmovc v29  }
0x337: {  	[tilespmem:$0x1FC40] =	vst v23;
	v23 =	vld [tilespmem:$0x1F820]  }
0x338: {  	v7 =	vmul.f32 v7, v7;
	v9 =	vmul.f32 v9, v9;
	v20 =	vadd.s32 v20, v35;
	v59 =	vld [tilespmem:$0x1FE40]  }
0x339: {  	v56 =	vmov v54;
	v54 =	vld [tilespmem:$0x1FEA0];
	v24 =	vadd.s32 $0x1F, v55  }
0x33a: {  	v42 =	vmul.f32 v42, v42;
	v4 =	vmul.f32 v4, v4;
	[tilespmem:$0x1FB20] =	vst v51;
	v7 =	vadd.f32 v9, v7;
	v9 =	vld [tilespmem:$0x1F860]  }
0x33b: {  	v51 =	vsel vm9, $0x1, v58;
	v5 =	vmul.f32 v5, v5;
	v49 =	vmul.f32 v49, v49;
	[tilespmem:$0x1FD50] =	vst v57;
	v13 =	vld.idx.msk [tilespmem:v13+s24+$0x0], $0xffff  }
0x33c: {  	[tilespmem:$0x1FD70] =	vst v56;
	v17 =	vadd.s32 v37, v34;
	v37 =	vld [tilespmem:$0x1F7A0];
	v56 =	vsel vm6, $0x1, v58;
	v57 =	vadd.s32 v10, v34  }
0x33d: {  	v8 =	vadd.s32 $0x293, v8;
	[tilespmem:v20+s1+$0x0] =	vst.idx.msk $0xffff, v12;
	v60 =	vld [tilespmem:$0x1FE50];
	v11 =	vadd.s32 v56, v11;
	v20 =	vadd.s32 v59, v35  }
0x33e: {  	v12 =	vld.idx.msk [tilespmem:v24+s24+$0x0], $0xffff;
	v11 =	vadd.s32 v51, v11;
	v51 =	vmul.f32 v21, v21;
	v15 =	vadd.f32 v22, v15  }
0x33f: {  	v52 =	vsel vm8, $0x1, v58;
	v22 =	vadd.f32 v49, v42;
	v53 =	vld.idx.msk [tilespmem:v27+s24+$0x0], $0xffff;
	[tilespmem:v23+s1+$0x0] =	vst.idx.msk $0xffff, v44;
	v23 =	vadd.s32 $0x20, v55  }
0x340: {  	v56 =	vld [tilespmem:$0x1FE80];
	v49 =	vmul.f32 v19, v19;
	v11 =	vadd.s32 v52, v11;
	v44 =	vsel vm3, $0x1, v58  }
0x341: {  	v21 =	vld [tilespmem:$0x1F830];
	[tilespmem:v57+s1+$0x0] =	vst.idx.msk $0xffff, v13;
	v11 =	vadd.s32 v44, v11;
	v44 =	vmul.f32 v14, v14  }
0x342: {  	v50 =	vmul.f32 v18, v18;
	v8 =	vld.idx.msk [tilespmem:v8+s24+$0x0], $0xffff;
	v11 =	vshll.u32 v11, $0x1  }
0x343: {  	[tilespmem:v20+s1+$0x0] =	vst.idx.msk $0xffff, v12;
	v14 =	vadd.s32 $0x2C0, v11;
	v12 =	vadd.f32 v49, v44;
	v49 =	vadd.f32 v5, v4;
	v5 =	vld [tilespmem:$0x1F890]  }
0x344: {  	v24 =	vadd.s32 v60, v35;
	v20 =	vld.idx.msk [tilespmem:v23+s24+$0x0], $0xffff  }
0x345: {  	v10 =	vld [tilespmem:$0x1F800];
	v13 =	vadd.f32 v51, v50;
	v50 =	vadd.s32 $0x21, v55  }
0x346: {  	v51 =	vld [tilespmem:$0x1FB60];
	vm3 =	vlt.f32 v22, v15  }
0x347: {  	v15 =	vsel vm3, v22, v15;
	v23 =	vld [tilespmem:$0x1F840];
	[tilespmem:v16+s1+$0x0] =	vst.idx.msk $0xffff, v8  }
0x348: {  	vm4 =	vlt.f32 v13, v15;
	v8 =	vld.idx.msk [tilespmem:v14+s24+$0x0], $0xffff  }
0x349: {  	v13 =	vsel vm4, v13, v15;
	v29 =	vmov v5;
	v5 =	vld [tilespmem:$0x1F8A0];
	[tilespmem:v24+s1+$0x0] =	vst.idx.msk $0xffff, v20  }
0x34a: {  	v44 =	vmul.f32 v3, v3;
	v4 =	vsel vm3, $0x2DE, v31;
	vm5 =	vlt.f32 v12, v13;
	v3 =	vld.idx.msk [tilespmem:v50+s24+$0x0], $0xffff  }
0x34b: {  	v12 =	vsel vm5, v12, v13;
	v50 =	vsel vm4, $0x2E0, v4;
	v4 =	vld [tilespmem:$0x1F8B0]  }
0x34c: {  	v2 =	vmul.f32 v2, v2;
	v42 =	vld [tilespmem:$0x1F850];
	vm15 =	vlt.f32 v7, v12  }
0x34d: {  	v21 =	vld.idx.msk [tilespmem:v21+s24+$0x0], $0xffff;
	v7 =	vsel vm15, v7, v12  }
0x34e: {  	v52 =	vld [tilespmem:$0x1FE60];
	v2 =	vadd.f32 v44, v2;
	vm3 =	vlt.f32 v49, v7  }
0x34f: {  	v27 =	vmov v10;
	v10 =	vld [tilespmem:$0x1FFE0];
	v7 =	vsel vm3, v49, v7  }
0x350: {  	v57 =	vld [tilespmem:$0x1FE90];
	vm4 =	vlt.f32 v2, v7;
	[tilespmem:v23+s1+$0x0] =	vst.idx.msk $0xffff, v53  }
0x351: {  	[tilespmem:v17+s1+$0x0] =	vst.idx.msk $0xffff, v8;
	v8 =	vsel vm4, v2, v7;
	v2 =	vld [tilespmem:$0x1F8D0]  }
0x352: {  	v12 =	vsel vm5, $0x2E2, v50;
	v9 =	vld.idx.msk [tilespmem:v9+s24+$0x0], $0xffff;
	[tilespmem:v5+s1+$0x0] =	vst.idx.msk $0xffff, v21  }
0x353: {  	v4 =	vld.idx.msk [tilespmem:v4+s24+$0x0], $0xffff;
	[tilespmem:v51+s1+$0x0] =	vst.idx.msk $0xffff, v1;
	v1 =	vsel vm15, $0x2E4, v12  }
0x354: {  	v55 =	vld [tilespmem:$0x1FEB0];
	v7 =	vsel vm3, $0x2E6, v1  }
0x355: {  	s29 =	sadd.s32 $0x2, s29;
	v11 =	vadd.s32 $0x2C1, v11;
	vm3 =	vlt.f32 v0, v8;
	v0 =	vsel vm4, $0x2E8, v7;
	v7 =	vld [tilespmem:$0x1F8E0]  }
0x356: {  	p0 =	slt.u32 s29, $0x1E;
	v22 =	vld [tilespmem:$0x1FE10]  }
.Ltmp0:
0x357: {  	v31 =	vld [tilespmem:$0x1F880];
	(pc) =	sbr.rel @p0 .LBB2_2-.Ltmp0, $4  }
0x358: {  	v24 =	vld [tilespmem:$0x1F870]  }
0x359: {  	v42 =	vmul.u32 $0xA, v42;
	v53 =	vld [tilespmem:$0x1FE70]  }
0x35a: {  	v10 =	vadd.s32 v10, v35;
	v44 =	vadd.f32 $-4.027951430e+01, v48;
	[tilespmem:v6+s1+$0x0] =	vst.idx.msk $0xffff, v9;
	v1 =	vld.idx.msk [tilespmem:v11+s24+$0x0], $0xffff;
	v6 =	vmov v7  }
0x35b: {  	s30 =	sadd.s32 $0x20, s30;
	v48 =	vadd.s32 v22, v34;
	v23 =	vimm.s32 $0x2DC;
	v5 =	vadd.s32 $0xF0, v42;
	v2 =	vld.idx.msk [tilespmem:v2+s24+$0x0], $0xffff;
	[tilespmem:$0x1FB60] =	vst v6  }
0x35c: {  	v50 =	vld [tilespmem:$0x1FFE0]  }
0x35d: {  	v49 =	vld [tilespmem:$0x1FFF0]  }
0x35e: {  	v21 =	vld [tilespmem:$0x1FFD0]  }
0x35f: {  	v20 =	vld [tilespmem:$0x1FFC0]  }
0x360: {  	v19 =	vld [tilespmem:$0x1FFB0]  }
0x361: {  	v18 =	vld [tilespmem:$0x1FFA0]  }
0x362: {  	v17 =	vld [tilespmem:$0x1FF90]  }
0x363: {  	v16 =	vld [tilespmem:$0x1FF80];
	[tilespmem:v37+s1+$0x0] =	vst.idx.msk $0xffff, v4  }
0x364: {  	v4 =	vld.idx.msk [tilespmem:v41+s24+$0x0], $0xffff;
	_ =	sdelay $0x4  }
0x365: {  	[tilespmem:v24+s1+$0x0] =	vst.idx.msk $0xffff, v4  }
0x366: {  	v4 =	vld [tilespmem:$0x1FBA0];
	_ =	sdelay $0x3  }
0x367: {  	[tilespmem:v10+s1+$0x0] =	vst.idx.msk $0xffff, v3  }
0x368: {  	v7 =	vld [tilespmem:$0x1FD00];
	_ =	sdelay $0x2  }
0x369: {  	v4 =	vld.idx.msk [tilespmem:v4+s24+$0x0], $0xffff;
	_ =	sdelay $0x4  }
0x36a: {  	v41 =	vadd.s32 v52, v35;
	v3 =	vld.idx.msk [tilespmem:v5+s24+$0x0], $0xffff;
	[tilespmem:v7+s1+$0x0] =	vst.idx.msk $0xffff, v4  }
0x36b: {  	v4 =	vld [tilespmem:$0x1FBB0];
	_ =	sdelay $0x3  }
0x36c: {  	[tilespmem:v41+s1+$0x0] =	vst.idx.msk $0xffff, v3  }
0x36d: {  	v7 =	vld [tilespmem:$0x1FD10];
	_ =	sdelay $0x2  }
0x36e: {  	v6 =	vadd.s32 $0xF1, v42;
	v4 =	vld.idx.msk [tilespmem:v4+s24+$0x0], $0xffff;
	_ =	sdelay $0x4  }
0x36f: {  	v51 =	vadd.s32 v53, v35;
	v3 =	vld.idx.msk [tilespmem:v6+s24+$0x0], $0xffff;
	[tilespmem:v7+s1+$0x0] =	vst.idx.msk $0xffff, v4  }
0x370: {  	v4 =	vld [tilespmem:$0x1FBC0];
	_ =	sdelay $0x3  }
0x371: {  	[tilespmem:v51+s1+$0x0] =	vst.idx.msk $0xffff, v3  }
0x372: {  	v7 =	vld [tilespmem:$0x1FD20];
	_ =	sdelay $0x2  }
0x373: {  	v9 =	vadd.s32 $0xF2, v42;
	v4 =	vld.idx.msk [tilespmem:v4+s24+$0x0], $0xffff;
	_ =	sdelay $0x4  }
0x374: {  	v10 =	vadd.s32 v56, v35;
	v3 =	vld.idx.msk [tilespmem:v9+s24+$0x0], $0xffff;
	[tilespmem:v7+s1+$0x0] =	vst.idx.msk $0xffff, v4  }
0x375: {  	v4 =	vld [tilespmem:$0x1FBD0];
	_ =	sdelay $0x3  }
0x376: {  	[tilespmem:v10+s1+$0x0] =	vst.idx.msk $0xffff, v3  }
0x377: {  	v7 =	vld [tilespmem:$0x1FD40];
	_ =	sdelay $0x2  }
0x378: {  	v4 =	vld.idx.msk [tilespmem:v4+s24+$0x0], $0xffff;
	_ =	sdelay $0x3  }
0x379: {  	v11 =	vadd.s32 $0xF3, v42  }
0x37a: {  	[tilespmem:v7+s1+$0x0] =	vst.idx.msk $0xffff, v4  }
0x37b: {  	v4 =	vld [tilespmem:$0x1FBF0];
	_ =	sdelay $0x2  }
0x37c: {  	v24 =	vadd.s32 v57, v35;
	v3 =	vld.idx.msk [tilespmem:v11+s24+$0x0], $0xffff  }
0x37d: {  	v37 =	vadd.s32 $0xF4, v42;
	_ =	sdelay $0x3  }
0x37e: {  	[tilespmem:v24+s1+$0x0] =	vst.idx.msk $0xffff, v3;
	v4 =	vld.idx.msk [tilespmem:v4+s24+$0x0], $0xffff  }
0x37f: {  	v3 =	vld.idx.msk [tilespmem:v37+s24+$0x0], $0xffff  }
0x380: {  	v37 =	vld [tilespmem:$0x1FF40];
	_ =	sdelay $0x2  }
0x381: {  	[tilespmem:v46+s1+$0x0] =	vst.idx.msk $0xffff, v4  }
0x382: {  	v4 =	vld [tilespmem:$0x1FC00]  }
0x383: {  	v41 =	vadd.s32 v37, v35;
	_ =	sdelay $0x4  }
0x384: {  	[tilespmem:v41+s1+$0x0] =	vst.idx.msk $0xffff, v3  }
0x385: {  	v24 =	vld [tilespmem:$0x1FF20]  }
0x386: {  	v51 =	vadd.s32 $0xF5, v42;
	v4 =	vld.idx.msk [tilespmem:v4+s24+$0x0], $0xffff;
	_ =	sdelay $0x4  }
0x387: {  	v3 =	vld.idx.msk [tilespmem:v51+s24+$0x0], $0xffff;
	v9 =	vadd.s32 v24, v35;
	[tilespmem:v30+s1+$0x0] =	vst.idx.msk $0xffff, v4  }
0x388: {  	v4 =	vld [tilespmem:$0x1FC10];
	_ =	sdelay $0x3  }
0x389: {  	[tilespmem:v9+s1+$0x0] =	vst.idx.msk $0xffff, v3  }
0x38a: {  	v7 =	vld [tilespmem:$0x1FD50];
	_ =	sdelay $0x2  }
0x38b: {  	v4 =	vld.idx.msk [tilespmem:v4+s24+$0x0], $0xffff;
	_ =	sdelay $0x4  }
0x38c: {  	v41 =	vld [tilespmem:$0x1FF50];
	[tilespmem:v7+s1+$0x0] =	vst.idx.msk $0xffff, v4  }
0x38d: {  	v4 =	vld [tilespmem:$0x1FC20]  }
0x38e: {  	v10 =	vadd.s32 $0xF6, v42;
	_ =	sdelay $0x4  }
0x38f: {  	v3 =	vld.idx.msk [tilespmem:v10+s24+$0x0], $0xffff;
	v11 =	vadd.s32 v41, v35  }
0x390: {  	v46 =	vadd.s32 $0xF7, v42  }
0x391: {  	v4 =	vld.idx.msk [tilespmem:v4+s24+$0x0], $0xffff;
	_ =	sdelay $0x2  }
0x392: {  	[tilespmem:v11+s1+$0x0] =	vst.idx.msk $0xffff, v3  }
0x393: {  	v3 =	vld.idx.msk [tilespmem:v46+s24+$0x0], $0xffff  }
0x394: {  	v46 =	vld [tilespmem:$0x1FF30];
	[tilespmem:v27+s1+$0x0] =	vst.idx.msk $0xffff, v4  }
0x395: {  	v4 =	vld [tilespmem:$0x1FC40];
	_ =	sdelay $0x6  }
0x396: {  	v51 =	vadd.s32 v46, v35  }
0x397: {  	v4 =	vld.idx.msk [tilespmem:v4+s24+$0x0], $0xffff;
	_ =	sdelay $0x3  }
0x398: {  	[tilespmem:v51+s1+$0x0] =	vst.idx.msk $0xffff, v3  }
0x399: {  	v9 =	vadd.s32 $0xF8, v42;
	v27 =	vld [tilespmem:$0x1FF60];
	[tilespmem:v29+s1+$0x0] =	vst.idx.msk $0xffff, v4  }
0x39a: {  	v7 =	vld [tilespmem:$0x1FA20];
	_ =	sdelay $0x3  }
0x39b: {  	v3 =	vld.idx.msk [tilespmem:v9+s24+$0x0], $0xffff;
	v10 =	vadd.s32 v27, v35;
	_ =	sdelay $0x3  }
0x39c: {  	[tilespmem:v7+s1+$0x0] =	vst.idx.msk $0xffff, v2  }
0x39d: {  	v2 =	vld [tilespmem:$0x1FAC0];
	[tilespmem:v10+s1+$0x0] =	vst.idx.msk $0xffff, v3  }
0x39e: {  	v13 =	vld [tilespmem:$0x1FD90];
	_ =	sdelay $0x2  }
0x39f: {  	v4 =	vld.idx.msk [tilespmem:v33+s24+$0x0], $0xffff;
	_ =	sdelay $0x2  }
0x3a0: {  	v11 =	vadd.s32 $0xF9, v42;
	v42 =	vld [tilespmem:$0x1FF10]  }
0x3a1: {  	v3 =	vld [tilespmem:$0x1F9B0]  }
0x3a2: {  	v51 =	vld [tilespmem:$0x1FF00];
	[tilespmem:v13+s1+$0x0] =	vst.idx.msk $0xffff, v4  }
0x3a3: {  	v15 =	vld [tilespmem:$0x1FA30];
	_ =	sdelay $0x1  }
0x3a4: {  	v6 =	vld.idx.msk [tilespmem:v11+s24+$0x0], $0xffff;
	v5 =	vadd.s32 v42, v35  }
0x3a5: {  	v2 =	vld.idx.msk [tilespmem:v2+s24+$0x0], $0xffff;
	_ =	sdelay $0x3  }
0x3a6: {  	[tilespmem:v5+s1+$0x0] =	vst.idx.msk $0xffff, v6  }
0x3a7: {  	v14 =	vld.idx.msk [tilespmem:v32+s24+$0x0], $0xffff;
	[tilespmem:v15+s1+$0x0] =	vst.idx.msk $0xffff, v2  }
0x3a8: {  	v5 =	vld [tilespmem:$0x1FAE0]  }
0x3a9: {  	v3 =	vshll.u32 v3, $0x2  }
0x3aa: {  	v7 =	vadd.s32 $0x290, v3;
	_ =	sdelay $0x1  }
0x3ab: {  	[tilespmem:v31+s1+$0x0] =	vst.idx.msk $0xffff, v14  }
0x3ac: {  	v15 =	vld [tilespmem:$0x1FA70]  }
0x3ad: {  	vm5 =	vgt.s32 v40, $0x11;
	vm6 =	vgt.s32 v40, $0x18;
	vm7 =	vgt.s32 v40, $0x1D  }
0x3ae: {  	v33 =	vsel vm5, $0x1, v58;
	v8 =	vadd.s32 v51, v35;
	v13 =	vsel vm6, $0x1, v58;
	v6 =	vld.idx.msk [tilespmem:v7+s24+$0x0], $0xffff  }
0x3af: {  	vm14 =	vgt.s32 v40, $0x22;
	v2 =	vadd.s32 v13, v33;
	v33 =	vsel vm7, $0x1, v58;
	v5 =	vld.idx.msk [tilespmem:v5+s24+$0x0], $0xffff  }
0x3b0: {  	vm15 =	vgt.s32 v40, $0x27;
	v32 =	vsel vm14, $0x1, v58;
	v2 =	vadd.s32 v33, v2  }
0x3b1: {  	vm9 =	vgt.s32 v40, $0x2C;
	v33 =	vsel vm15, $0x1, v58;
	v2 =	vadd.s32 v32, v2  }
0x3b2: {  	vm10 =	vgt.s32 v40, $0x31;
	v32 =	vsel vm9, $0x1, v58;
	v2 =	vadd.s32 v33, v2  }
0x3b3: {  	vm12 =	vgt.s32 v40, $0x36;
	v13 =	vsel vm10, $0x1, v58;
	[tilespmem:v8+s1+$0x0] =	vst.idx.msk $0xffff, v6;
	v2 =	vadd.s32 v32, v2  }
0x3b4: {  	v2 =	vadd.s32 v13, v2;
	v13 =	vsel vm12, $0x1, v58;
	[tilespmem:v15+s1+$0x0] =	vst.idx.msk $0xffff, v5  }
0x3b5: {  	v2 =	vadd.s32 v13, v2;
	v13 =	vld [tilespmem:$0x1FDA0];
	_ =	sdelay $0x1  }
0x3b6: {  	v14 =	vld.idx.msk [tilespmem:v28+s24+$0x0], $0xffff  }
0x3b7: {  	v10 =	vadd.s32 $0x291, v3;
	v29 =	vld [tilespmem:$0x1FEE0];
	_ =	sdelay $0x2  }
0x3b8: {  	v33 =	vadd.f32 $8.289102940e+01, v39  }
0x3b9: {  	vm4 =	vgt.s32 v40, $0x40;
	vm11 =	vgt.s32 v40, $0x3B  }
0x3ba: {  	v7 =	vmul.f32 v33, v33;
	v33 =	vld.idx.msk [tilespmem:v10+s24+$0x0], $0xffff;
	v40 =	vadd.s32 v29, v35;
	[tilespmem:v13+s1+$0x0] =	vst.idx.msk $0xffff, v14  }
0x3bb: {  	v14 =	vld [tilespmem:$0x1FAF0]  }
0x3bc: {  	v12 =	vadd.f32 $-2.237931340e-01, v39;
	v11 =	vadd.f32 $-5.004997630e+01, v25;
	_ =	sdelay $0x1  }
0x3bd: {  	v12 =	vmul.f32 v12, v12;
	v11 =	vmul.f32 v11, v11  }
0x3be: {  	v15 =	vld [tilespmem:$0x1FC60];
	[tilespmem:v40+s1+$0x0] =	vst.idx.msk $0xffff, v33  }
0x3bf: {  	v8 =	vadd.f32 v12, v11;
	v12 =	vld [tilespmem:$0x1FA80];
	_ =	sdelay $0x2  }
0x3c0: {  	v13 =	vadd.s32 $0x292, v3;
	v14 =	vld.idx.msk [tilespmem:v14+s24+$0x0], $0xffff;
	_ =	sdelay $0x3  }
0x3c1: {  	v30 =	vld [tilespmem:$0x1FED0]  }
0x3c2: {  	v40 =	vld.idx.msk [tilespmem:v13+s24+$0x0], $0xffff;
	[tilespmem:v12+s1+$0x0] =	vst.idx.msk $0xffff, v14  }
0x3c3: {  	v13 =	vld [tilespmem:$0x1FDB0];
	_ =	sdelay $0x2  }
0x3c4: {  	v15 =	vld.idx.msk [tilespmem:v15+s24+$0x0], $0xffff;
	_ =	sdelay $0x2  }
0x3c5: {  	v32 =	vsel vm11, $0x1, v58  }
0x3c6: {  	v58 =	vsel vm4, $0x1, v58;
	v2 =	vadd.s32 v32, v2;
	v33 =	vadd.f32 $-1.487159120e+02, v39  }
0x3c7: {  	v2 =	vadd.s32 v58, v2;
	v58 =	vadd.s32 v30, v35;
	[tilespmem:v13+s1+$0x0] =	vst.idx.msk $0xffff, v15  }
0x3c8: {  	v6 =	vadd.f32 $-7.823027800e+01, v39;
	v5 =	vadd.f32 $-2.322243310e+01, v25;
	v10 =	vmul.f32 v33, v33;
	v33 =	vld [tilespmem:$0x1FC70];
	_ =	sdelay $0x1  }
0x3c9: {  	v6 =	vmul.f32 v6, v6;
	v5 =	vmul.f32 v5, v5;
	_ =	sdelay $0x1  }
0x3ca: {  	v5 =	vadd.f32 v6, v5;
	v6 =	vadd.f32 $3.279586410e+01, v25;
	[tilespmem:v58+s1+$0x0] =	vst.idx.msk $0xffff, v40  }
0x3cb: {  	v4 =	vadd.f32 $-3.668147660e+01, v25;
	v14 =	vld [tilespmem:$0x1FDC0]  }
0x3cc: {  	v6 =	vmul.f32 v6, v6  }
0x3cd: {  	v9 =	vadd.f32 $-3.793094640e+01, v25;
	v4 =	vmul.f32 v4, v4  }
0x3ce: {  	v32 =	vadd.f32 $1.170074160e+02, v39;
	v6 =	vadd.f32 v10, v6;
	v10 =	vld.idx.msk [tilespmem:v33+s24+$0x0], $0xffff  }
0x3cf: {  	v4 =	vadd.f32 v7, v4;
	v11 =	vld [tilespmem:$0x1FB00]  }
0x3d0: {  	v9 =	vmul.f32 v9, v9;
	v7 =	vmul.f32 v32, v32  }
0x3d1: {  	v32 =	vadd.f32 $-1.163874050e+02, v39;
	vm13 =	vlt.f32 v5, v4;
	v3 =	vadd.s32 $0x293, v3;
	v31 =	vld [tilespmem:$0x1FEF0]  }
0x3d2: {  	v4 =	vsel vm13, v5, v4;
	v12 =	vadd.f32 $1.857054900e+01, v25;
	v13 =	vadd.f32 $5.428025440e+01, v39  }
0x3d3: {  	v7 =	vadd.f32 v7, v9;
	v5 =	vadd.f32 $-1.392114070e+01, v25;
	vm14 =	vlt.f32 v8, v4;
	[tilespmem:v14+s1+$0x0] =	vst.idx.msk $0xffff, v10  }
0x3d4: {  	v4 =	vsel vm14, v8, v4;
	v12 =	vmul.f32 v12, v12;
	v13 =	vmul.f32 v13, v13;
	v10 =	vld [tilespmem:$0x1FAB0]  }
0x3d5: {  	v5 =	vmul.f32 v5, v5;
	v8 =	vmul.f32 v32, v32;
	vm15 =	vlt.f32 v7, v4  }
0x3d6: {  	v4 =	vsel vm15, v7, v4;
	v3 =	vld.idx.msk [tilespmem:v3+s24+$0x0], $0xffff;
	v12 =	vadd.f32 v13, v12;
	v13 =	vadd.s32 v31, v35  }
0x3d7: {  	vm12 =	vlt.f32 v6, v4;
	v40 =	vadd.f32 $-2.978951070e+01, v25;
	v58 =	vadd.f32 $-4.027951430e+01, v39;
	v11 =	vld.idx.msk [tilespmem:v11+s24+$0x0], $0xffff  }
0x3d8: {  	v5 =	vadd.f32 v8, v5;
	v4 =	vsel vm12, v6, v4;
	v33 =	vld [tilespmem:$0x1FC80]  }
0x3d9: {  	v7 =	vmul.f32 v40, v40;
	v32 =	vmul.f32 v58, v58;
	vm8 =	vlt.f32 v12, v4  }
0x3da: {  	v4 =	vsel vm8, v12, v4  }
0x3db: {  	v7 =	vadd.f32 v32, v7;
	vm9 =	vlt.f32 v5, v4;
	[tilespmem:v13+s1+$0x0] =	vst.idx.msk $0xffff, v3  }
0x3dc: {  	v3 =	vsel vm9, v5, v4;
	[tilespmem:v10+s1+$0x0] =	vst.idx.msk $0xffff, v11  }
0x3dd: {  	vm10 =	vlt.f32 v7, v3;
	v3 =	vadd.f32 v45, v38;
	v45 =	vld [tilespmem:$0x1FDD0];
	_ =	sdelay $0x2  }
0x3de: {  	v9 =	vld.idx.msk [tilespmem:v33+s24+$0x0], $0xffff  }
0x3df: {  	v39 =	vld [tilespmem:$0x1FB30]  }
0x3e0: {  	v2 =	vshll.u32 v2, $0x1  }
0x3e1: {  	v25 =	vadd.s32 $0x2C0, v2;
	v13 =	vld [tilespmem:$0x1FEC0];
	_ =	sdelay $0x1  }
0x3e2: {  	[tilespmem:v45+s1+$0x0] =	vst.idx.msk $0xffff, v9  }
0x3e3: {  	v14 =	vld [tilespmem:$0x1FB20];
	_ =	sdelay $0x1  }
0x3e4: {  	v6 =	vld.idx.msk [tilespmem:v25+s24+$0x0], $0xffff;
	v40 =	vadd.s32 v13, v35  }
0x3e5: {  	v4 =	vld.idx.msk [tilespmem:v39+s24+$0x0], $0xffff  }
0x3e6: {  	v10 =	vld [tilespmem:$0x1FCA0];
	_ =	sdelay $0x2  }
0x3e7: {  	[tilespmem:v40+s1+$0x0] =	vst.idx.msk $0xffff, v6  }
0x3e8: {  	[tilespmem:v14+s1+$0x0] =	vst.idx.msk $0xffff, v4  }
0x3e9: {  	v40 =	vld [tilespmem:$0x1FDE0];
	_ =	sdelay $0x2  }
0x3ea: {  	v2 =	vadd.s32 $0x2C1, v2;
	v10 =	vld.idx.msk [tilespmem:v10+s24+$0x0], $0xffff;
	_ =	sdelay $0x3  }
0x3eb: {  	v58 =	vsel vm13, $0x2DE, v23  }
0x3ec: {  	vm13 =	vlt.f32 v62, v26;
	v39 =	vadd.s32 v22, v35;
	v2 =	vld.idx.msk [tilespmem:v2+s24+$0x0], $0xffff;
	[tilespmem:v40+s1+$0x0] =	vst.idx.msk $0xffff, v10  }
0x3ed: {  	v62 =	vsel vm13, v62, v26;
	v26 =	vmul.f32 v43, v43;
	v43 =	vld [tilespmem:$0x1FB40];
	_ =	sdelay $0x2  }
0x3ee: {  	v12 =	vmul.f32 v44, v44;
	v44 =	vld [tilespmem:$0x1FCB0];
	[tilespmem:v48+s1+$0x0] =	vst.idx.msk $0xffff, v1  }
0x3ef: {  	[tilespmem:v39+s1+$0x0] =	vst.idx.msk $0xffff, v2  }
0x3f0: {  	v2 =	vld [tilespmem:$0x1FB50]  }
0x3f1: {  	v7 =	vsel vm14, $0x2E0, v58  }
0x3f2: {  	v7 =	vsel vm15, $0x2E2, v7  }
0x3f3: {  	v7 =	vsel vm12, $0x2E4, v7;
	v8 =	vld.idx.msk [tilespmem:v43+s24+$0x0], $0xffff  }
0x3f4: {  	v38 =	vsel vm8, $0x2E6, v7  }
0x3f5: {  	v0 =	vsel vm3, $0x2EA, v0;
	v25 =	vsel vm0, $0x2E0, v47;
	v6 =	vsel vm9, $0x2E8, v38  }
0x3f6: {  	v32 =	vsel vm1, $0x2E2, v25;
	v6 =	vsel vm10, $0x2EA, v6  }
0x3f7: {  	vm14 =	vlt.f32 v3, v62;
	v33 =	vadd.f32 v12, v26;
	v4 =	vsel vm2, $0x2E4, v32  }
0x3f8: {  	v3 =	vsel vm14, v3, v62;
	v4 =	vsel vm13, $0x2E6, v4;
	[tilespmem:v2+s1+$0x0] =	vst.idx.msk $0xffff, v8  }
0x3f9: {  	vm15 =	vlt.f32 v33, v3;
	v3 =	vsel vm14, $0x2E8, v4;
	v9 =	vld [tilespmem:$0x1FDF0]  }
0x3fa: {  	v45 =	vadd.s32 v54, v34;
	v1 =	vsel vm15, $0x2EA, v3;
	v3 =	vld.idx.msk [tilespmem:v0+s24+$0x0], $0xffff  }
0x3fb: {  	v47 =	vadd.s32 v54, v35;
	v2 =	vld.idx.msk [tilespmem:v6+s24+$0x0], $0xffff  }
0x3fc: {  	v4 =	vld.idx.msk [tilespmem:v44+s24+$0x0], $0xffff  }
0x3fd: {  	v8 =	vld [tilespmem:$0x1FD70];
	_ =	sdelay $0x1  }
0x3fe: {  	[tilespmem:v45+s1+$0x0] =	vst.idx.msk $0xffff, v3  }
0x3ff: {  	[tilespmem:v47+s1+$0x0] =	vst.idx.msk $0xffff, v2  }
0x400: {  	v0 =	vadd.s32 $0x1, v0;
	[tilespmem:v9+s1+$0x0] =	vst.idx.msk $0xffff, v4  }
0x401: {  	v5 =	vld [tilespmem:$0x1FB60];
	_ =	sdelay $0x1  }
0x402: {  	v48 =	vadd.s32 v54, v36;
	v9 =	vld.idx.msk [tilespmem:v1+s24+$0x0], $0xffff  }
0x403: {  	v8 =	vld.idx.msk [tilespmem:v8+s24+$0x0], $0xffff  }
0x404: {  	v3 =	vadd.s32 v55, v34;
	v0 =	vld.idx.msk [tilespmem:v0+s24+$0x0], $0xffff  }
0x405: {  	v2 =	vld [tilespmem:$0x1FCD0];
	_ =	sdelay $0x1  }
0x406: {  	v6 =	vadd.s32 $0x1, v6;
	[tilespmem:v48+s1+$0x0] =	vst.idx.msk $0xffff, v9  }
0x407: {  	[tilespmem:v5+s1+$0x0] =	vst.idx.msk $0xffff, v8  }
0x408: {  	v4 =	vld [tilespmem:$0x1FD80];
	[tilespmem:v3+s1+$0x0] =	vst.idx.msk $0xffff, v0  }
0x409: {  	v0 =	vld [tilespmem:$0x1F9D0];
	_ =	sdelay $0x1  }
0x40a: {  	v58 =	vadd.s32 v55, v35;
	v54 =	vld.idx.msk [tilespmem:v6+s24+$0x0], $0xffff  }
0x40b: {  	v2 =	vld.idx.msk [tilespmem:v2+s24+$0x0], $0xffff;
	_ =	sdelay $0x2  }
0x40c: {  	v1 =	vadd.s32 $0x1, v1  }
0x40d: {  	[tilespmem:v58+s1+$0x0] =	vst.idx.msk $0xffff, v54  }
0x40e: {  	[tilespmem:v0+s1+$0x0] =	vst.idx.msk $0xffff, v2  }
0x40f: {  	v0 =	vld [tilespmem:$0x1FB70];
	_ =	sdelay $0x1  }
0x410: {  	v62 =	vadd.s32 v55, v36;
	v1 =	vld.idx.msk [tilespmem:v1+s24+$0x0], $0xffff  }
0x411: {  	v4 =	vld.idx.msk [tilespmem:v4+s24+$0x0], $0xffff;
	_ =	sdelay $0x3  }
0x412: {  	[tilespmem:v62+s1+$0x0] =	vst.idx.msk $0xffff, v1  }
0x413: {  	s23 =	simm.s32 $0x1142;
	[tilespmem:v0+s1+$0x0] =	vst.idx.msk $0xffff, v4  }
0x414: {  	v0 =	vld [tilespmem:s23+$0x21]  }
0x415: {  	v1 =	vld [tilespmem:s23+$0xFFFFFFDF]  }
0x416: {  	p1 =	por $0x1, $0x1;
	v2 =	vld [tilespmem:s23+$0x0]  }
.Ltmp1:
0x417: {  	_ = 	snop;
	(pc) =	sbr.rel @!p1 .LBB2_4-.Ltmp1, $4  }
0x418: {  	s20 =	simm.s32 $0x5400  }
0x419: {  	[tilespmem:s20+$0x80] =	vst v0;
	v0 =	vld [tilespmem:s23+$0xFFFFFFBE]  }
0x41a: {  	[tilespmem:s20+$0xFFFFFF80] =	vst v1;
	v1 =	vld [tilespmem:s23+$0x31]  }
0x41b: {  	s22 =	simm.s32 $0x11C6;
	p0 =	por $0x0, $0x0;
	v35 =	vmovc v24;
	v38 =	vmovc v41;
	v41 =	vmov v27;
	v32 =	vmov v37;
	v40 =	vmov v46;
	[tilespmem:s20+$0x0] =	vst v2;
	v2 =	vld [tilespmem:s23+$0xFFFFFFEF]  }
0x41c: {  	v4 =	vld [tilespmem:s22+$0x21]  }
0x41d: {  	v5 =	vld [tilespmem:s22+$0xFFFFFFDF]  }
0x41e: {  	v6 =	vld [tilespmem:s22+$0x0];
	[tilespmem:s20+$0xFFFFFF00] =	vst v0  }
0x41f: {  	p1 =	por $0x1, $0x1;
	v0 =	vld [tilespmem:s22+$0xFFFFFFBE];
	[tilespmem:s20+$0x90] =	vst v1  }
.Ltmp2:
0x420: {  	s21 =	simm.s32 $0x5600;
	v3 =	vld [tilespmem:s23+$0xFFFFFFCE];
	[tilespmem:s20+$0xFFFFFF90] =	vst v2;
	(pc) =	sbr.rel @!p1 .LBB2_6-.Ltmp2, $4  }
0x421: {  	[tilespmem:s21+$0x80] =	vst v4;
	v4 =	vld [tilespmem:s23+$0x10]  }
0x422: {  	[tilespmem:s21+$0xFFFFFF80] =	vst v5;
	v1 =	vld [tilespmem:s22+$0x31]  }
0x423: {  	[tilespmem:s21+$0x0] =	vst v6;
	v2 =	vld [tilespmem:s22+$0xFFFFFFEF]  }
0x424: {  	s25 =	simm.s32 $0x124A;
	p0 =	por $0x1, $0x1;
	v23 =	vmovc v18;
	v22 =	vmovc v19;
	v24 =	vmov v20;
	v25 =	vmov v21;
	v28 =	vmov v49;
	s23 =	simm.s32 $0x4;
	v49 =	vld [tilespmem:$0x1FF70]  }
.LBB2_7:
0x425: {  	v5 =	vld [tilespmem:s25+$0x21];
	s23 =	sadd.s32 $0x4, s23;
	[tilespmem:s21+$0xFFFFFF00] =	vst v0  }
0x426: {  	v6 =	vld [tilespmem:s25+$0xFFFFFFDF];
	p1 =	slt.u32 s23, $0x1FC;
	[tilespmem:s20+$0xFFFFFF10] =	vst v3  }
0x427: {  	v7 =	vld [tilespmem:s25+$0x0];
	[tilespmem:s20+$0x10] =	vst v4;
	s20 =	smov.u32 s21  }
.Ltmp3:
0x428: {  	v0 =	vld [tilespmem:s25+$0xFFFFFFBE];
	[tilespmem:s21+$0x90] =	vst v1;
	(pc) =	sbr.rel @p1 .LBB2_7-.Ltmp3, $4  }
0x429: {  	s21 =	sadd.s32 $0x200, s21;
	v3 =	vld [tilespmem:s22+$0xFFFFFFCE];
	[tilespmem:s20+$0xFFFFFF90] =	vst v2  }
0x42a: {  	[tilespmem:s21+$0x80] =	vst v5;
	v4 =	vld [tilespmem:s22+$0x10];
	s22 =	smov.u32 s25  }
0x42b: {  	[tilespmem:s21+$0xFFFFFF80] =	vst v6;
	v1 =	vld [tilespmem:s25+$0x31]  }
0x42c: {  	s25 =	sadd.s32 $0x84, s25;
	v2 =	vld [tilespmem:s22+$0xFFFFFFEF];
	[tilespmem:s21+$0x0] =	vst v7  }
0x42d: {  	s23 =	smov.u32 s22  }
.LBB2_9:
0x42e: {  	[tilespmem:s21+$0xFFFFFF00] =	vst v0;
	v62 =	vld [tilespmem:s23+$0x10]  }
0x42f: {  	[tilespmem:s20+$0xFFFFFF10] =	vst @p0 v3;
	v0 =	vld [tilespmem:s23+$0xFFFFFFCE]  }
0x430: {  	[tilespmem:s20+$0x10] =	vst @p0 v4  }
0x431: {  	[tilespmem:s21+$0x90] =	vst v1  }
0x432: {  	[tilespmem:s21+$0xFFFFFF90] =	vst v2  }
0x433: {  	s19 =	sadd.s32 $0x1, s19;
	[tilespmem:s21+$0x10] =	vst v62  }
0x434: {  	s0 =	simm.s32 $0x5300;
	p0 =	sne.s32 s19, s17;
	[tilespmem:s21+$0xFFFFFF10] =	vst v0  }
0x435: {  	[hbm4b:s16+s2] =	stream.linear.scatter [tilespmem:s0], [sflag:$0x2], $0x10000, $0x38;
	[tilespmem:$0x15300] =	vst v63  }
.Ltmp4:
0x436: {  	_ = 	snop;
	(pc) =	sbr.rel @p0 .LBB2_1-.Ltmp4, $4  }
.Ltmp5:
0x437: {  	_ = 	snop;
	(pc) =	sbr.rel @!p0 .LBB2_10-.Ltmp5, $4  }
0x438: {  	_ =	swait.ge [sflag:s18], $0x10000  }
0x439: {  	[sflag:s18] =	ssyncset.done $0x0  }
0x43a: {  	[sflag:s18] =	ssyncadd.s32 $0xFFFF0000  }
0x43b: {  	_ = 	snop  }
.LBB2_4:
.Ltmp6:
0x43c: {  	(pc) =	sbr.rel .LBB2_9-.Ltmp6, $2  }
0x43d: {  	_ =	sdelay $0x2  }
0x43e: {  	s21 =	simm.s32 $0x5400;
	v23 =	vmovc v18;
	v22 =	vmovc v19;
	v24 =	vmov v20;
	v25 =	vmov v21;
	v28 =	vmov v49;
	v49 =	vld [tilespmem:$0x1FF70]  }
.LBB2_6:
.Ltmp7:
0x43f: {  	(pc) =	sbr.rel .LBB2_9-.Ltmp7, $2  }
0x440: {  	_ =	sdelay $0x2  }
0x441: {  	s23 =	simm.s32 $0x11C6  }
.LBB2_10:
0x442: {  	_ =	sfence.sel $0x180000  }
0x443: {  	[bflag:$0x0] =	sbarrier.arrive $0xFFFF  }
0x444: {  	_ =	strace $0x90000047  }
0x445: {  	s0 =	stileid.u32;
	[bflag:$0x2] =	sbarrier.arrive $0xFFFF  }
0x446: {  	p0 =	sne.s32 s0, $0x0;
	s0 =	rddreg [dreg:$0x7]  }
0x447: {  	s0 =	sadd.s32 @!p0 $0x100000, s0  }
0x448: {  	[sflag:s0] =	ssyncadd.tile.s32 @!p0 $0x1;
	_ =	shalt  }
.Lfunc_end2:
_tile_overlayer_lowered:
.L_overlay_start_2:
0x449: {  	(tag) =	ssettag $0x2  }
0x44a: {  	s0 =	rddreg [dreg:$0x0];
	s2 =	stileid.u32  }
0x44b: {  	s1 =	rddreg [dreg:$0x1];
	p0 =	sne.s32 s2, $0x0  }
0x44c: {  	s3 =	rddreg [dreg:$0x2];
	[bflag:$0x3] =	sbarrier.arrive $0xFFFF;
	s2 =	simm.s32 @!p0 $0x1C02  }
0x44d: {  	[timem:s3], [sflag:s2] =	dma.local @!p0 [hbm:s0], s1  }
0x44e: {  	s0 =	simm.s32 @!p0 $0x2  }
0x44f: {  	_ =	swait.ge @!p0 [sflag:s0], s1  }
0x450: {  	s1 =	ssub.s32 @!p0 $0x0, s1;
	[sflag:s0] =	ssyncset.done @!p0 $0x0  }
0x451: {  	[sflag:s0] =	ssyncadd.s32 @!p0 s1  }
0x452: {  	[bflag:$0x3] =	sbarrier.arrive $0xFFFF  }
0x453: {  	_ =	shalt  }

</sc_bundles>
